<compile_context>
chip_gen: v7x
topology: tpu7x:2x2x1
jax: 0.10.2.dev20260603
libtpu: 0.0.44.dev20260713+nightly
codegen_flags: <defaults>
</compile_context>

<pallas_src>
import functools

import jax
import jax.numpy as jnp
from jax import lax
from jax.experimental import pallas as pl
from jax.experimental.pallas import tpu as pltpu
from jax.experimental.pallas import tpu_sc as plsc

_NC, _NS, _LANES = 2, 16, 16
_NW = _NC * _NS

_B, _L, _EMB = 4096, 200, 64
_BPW = _B // _NW
_LP = 208
_XS = 256
_NCHUNK, _LC = 2, _LP // 2
_NG = _LP // _LANES
_EV = _EMB // _LANES
_NBUF = 2

_GATHER_MODE = lax.GatherScatterMode.PROMISE_IN_BOUNDS


_GATHER_DNUMS = lax.GatherDimensionNumbers(
    offset_dims=(), collapsed_slice_dims=(0,), start_index_map=(0,)
)


def _bcast_lane(v, i):
    idx = jnp.full((_LANES, 1), i, jnp.int32)
    return lax.gather(
        v, idx, _GATHER_DNUMS, (1,), mode=_GATHER_MODE
    )


def _pool_body(x_hbm, w_hbm, out_hbm, x_v, buf_v, out_v, sem):
    wid = lax.axis_index("s") * _NC + lax.axis_index("c")
    base = wid * _BPW
    pltpu.sync_copy(x_hbm.at[pl.ds(base * _XS, _BPW * _XS)], x_v)

    def _descs(s, p):
        return [
            pltpu.make_async_copy(
                w_hbm.at[x_v.at[pl.ds(s * _XS + j * _LC, _LC)]],
                buf_v.at[p, pl.ds(j * _LC, _LC)],
                sem.at[p],
            )
            for j in range(_NCHUNK)
        ]

    def _gather(s, p):
        for cp in _descs(s, p):
            cp.start()

    def _compute(s, p):
        def group_body(g, acc):
            xg = x_v[pl.ds(s * _XS + g * _LANES, _LANES)]
            nz = xg != 0
            mv = jnp.where(nz, 1.0, 0.0).astype(jnp.float32)
            cv = jnp.where(nz, 0.0, -jnp.inf).astype(jnp.float32)
            acc = list(acc)
            for i in range(_LANES):
                bm = _bcast_lane(mv, i)
                bc = _bcast_lane(cv, i)
                r = g * _LANES + i
                for k in range(_EV):
                    row = buf_v[p, r, pl.ds(k * _LANES, _LANES)]
                    acc[k] = acc[k] + row * bm
                    acc[_EV + k] = jnp.maximum(acc[_EV + k], row * bm + bc)
            return tuple(acc)

        carry = tuple(
            [jnp.zeros((_LANES,), jnp.float32)] * _EV
            + [jnp.full((_LANES,), -jnp.inf, jnp.float32)] * _EV
        )
        carry = lax.fori_loop(0, _NG, group_body, carry)

        for k in range(_EV):
            out_v[s, pl.ds(k * _LANES, _LANES)] = carry[k]
            out_v[s, pl.ds(_EMB + k * _LANES, _LANES)] = carry[_EV + k]

    _gather(0, 0)

    @pl.loop(0, _BPW, step=_NBUF)
    def _pair(s0):
        for p in range(_NBUF):
            s = s0 + p
            nxt = (p + 1) % _NBUF

            @pl.when(s + 1 < _BPW)
            def _():
                _gather(s + 1, nxt)

            for cp in _descs(s, p):
                cp.wait()
            _compute(s, p)

    pltpu.sync_copy(out_v, out_hbm.at[pl.ds(base, _BPW)])


@functools.partial(
    pl.kernel,
    out_type=jax.ShapeDtypeStruct((_B, 2 * _EMB), jnp.float32),
    mesh=plsc.VectorSubcoreMesh(core_axis_name="c", subcore_axis_name="s"),
    scratch_types=[
        pltpu.VMEM((_BPW * _XS,), jnp.int32),
        pltpu.VMEM((_NBUF, _LP, _EMB), jnp.float32),
        pltpu.VMEM((_BPW, 2 * _EMB), jnp.float32),
        pltpu.SemaphoreType.DMA((_NBUF,)),
    ],
    compiler_params=pltpu.CompilerParams(use_tc_tiling_on_sc=False),
)
def _pool(x_hbm, w_hbm, out_hbm, x_v, buf_v, out_v, sem):
    _pool_body(x_hbm, w_hbm, out_hbm, x_v, buf_v, out_v, sem)


def _mlp_body(pooled_ref, lenf_ref, wh_ref, bh_ref, wo_ref, bo_ref, out_ref):
    pooled = pooled_ref[...]
    mean = pooled[:, :_EMB] / lenf_ref[...]
    feats = jnp.concatenate([mean, pooled[:, _EMB:]], axis=1)
    hid = lax.dot_general(
        feats, wh_ref[...], (((1,), (1,)), ((), ())),
        preferred_element_type=jnp.float32,
    )
    hid = jnp.maximum(hid + bh_ref[...], 0.0)
    out = lax.dot_general(
        hid, wo_ref[...], (((1,), (1,)), ((), ())),
        preferred_element_type=jnp.float32,
    )
    out_ref[...] = out + bo_ref[...]


def kernel(x, lengths, W, Wh, bh, Wo, bo):
    xp = jnp.pad(x.astype(jnp.int32), ((0, 0), (0, _XS - _L)))
    pooled = _pool(xp.reshape(_B * _XS), W)
    lenf = lengths.astype(jnp.float32).reshape(_B, 1)
    out_dim = Wo.shape[0]
    return pl.pallas_call(
        _mlp_body,
        out_shape=jax.ShapeDtypeStruct((_B, out_dim), jnp.float32),
    )(pooled, lenf, Wh, bh.reshape(1, -1), Wo, bo.reshape(1, -1))

# --- scband reference (transcript-rebuilt; emitter-appended) ---
"""Pipeline reference for scband-baseline-dnn-55130200212035 (READ-ONLY COPY).

The authoritative reference and input builder live on the scoring server;
editing this copy changes nothing except your own understanding.
"""

import jax, jax.numpy as jnp
import numpy as np

VOCAB = 1000000
EMB = 64
B = 4096
L = 200
HID = 64
OUT = 20


def setup_inputs(seed: int = 0) -> dict:
    key = jax.random.key(seed)
    k1, k2, k3, k4, k5 = jax.random.split(key, 5)
    x = jax.random.randint(k1, (B, L), 0, VOCAB)
    lengths = jax.random.randint(k2, (B,), 1, L + 1)
    W = jax.random.normal(k3, (VOCAB, EMB), dtype=jnp.float32) * 0.02
    Wh = jax.random.normal(k4, (HID, 2 * EMB), dtype=jnp.float32) * 0.05
    bh = jnp.zeros((HID,), dtype=jnp.float32)
    Wo = jax.random.normal(k5, (OUT, HID), dtype=jnp.float32) * 0.05
    bo = jnp.zeros((OUT,), dtype=jnp.float32)
    return {"x": x, "lengths": lengths, "W": W, "Wh": Wh, "bh": bh, "Wo": Wo, "bo": bo}


def reference(x, lengths, W, Wh, bh, Wo, bo):
    # nn.Embedding lookup -> gather
    emb = jnp.take(W, x, axis=0)                      # (B, L, EMB)
    mask = (x != 0)[..., None]                         # (B, L, 1)
    summed = jnp.sum(emb * mask, axis=1)               # (B, EMB)
    mean_pool = summed / lengths[:, None].astype(jnp.float32)
    masked_emb = jnp.where(mask, emb, -jnp.inf)
    max_pool = jnp.max(masked_emb, axis=1)             # (B, EMB)
    pooled = jnp.concatenate([mean_pool, max_pool], axis=1)  # (B, 2*EMB)
    rep = jax.nn.relu(pooled @ Wh.T + bh)
    logits = rep @ Wo.T + bo
    # out_features == 20 != 1, so no squeeze
    return logits

if __name__ == "__main__":
    import jax
    _d = setup_inputs()
    print(jax.jit(kernel)(*tuple(_d.values())))

</pallas_src>

<mosaic_0001>
#map = affine_map<(d0, d1) -> (0)>
#map1 = affine_map<(d0, d1) -> (0, 0)>
module attributes {stable_mosaic.version = 14 : i64} {
  func.func @_pool(%arg0: i32, %arg1: i32, %arg2: memref<1048576xi32, #tpu.memory_space<hbm>>, %arg3: memref<1000000x64xf32, #tpu.memory_space<hbm>>, %arg4: memref<4096x128xf32, #tpu.memory_space<hbm>>, %arg5: memref<32768xi32, #tpu.memory_space<vmem>>, %arg6: memref<2x208x64xf32, #tpu.memory_space<vmem>>, %arg7: memref<128x128xf32, #tpu.memory_space<vmem>>, %arg8: memref<2x!tpu.dma_semaphore, #tpu.memory_space<semaphore_mem>>) attributes {dimension_semantics = [#tpu.dimension_semantics<core_parallel>, #tpu.dimension_semantics<subcore_parallel>], iteration_bounds = array<i64: 2, 16>, scalar_prefetch = 0 : i64, scratch_operands = 4 : i64, tpu.core_type = #tpu.core_type<sc_vector_subcore>, window_params = [{transform_indices = #map}, {transform_indices = #map1}, {transform_indices = #map1}]} {
    %mul3A = arith.constant 2 : i32
    %mul3A_0 = arith.muli %arg1, %mul3A : i32
    %add3A = arith.addi %mul3A_0, %arg0 : i32
    %mul3A_1 = arith.constant 128 : i32
    %mul3A_2 = arith.muli %add3A, %mul3A_1 : i32
    %mul3A_3 = arith.constant 256 : i32
    %mul3A_4 = arith.muli %mul3A_2, %mul3A_3 : i32
    "tpu.region"() ({
      %run_scoped3A = tpu.sem_alloc : memref<!tpu.dma_semaphore, #tpu.memory_space<semaphore_mem>>
      %dma_start3A_34 = tpu.memref_slice %arg2[%mul3A_4] : memref<1048576xi32, #tpu.memory_space<hbm>> -> memref<32768xi32, #tpu.memory_space<hbm>>
      %dma_start3A_35 = tpu.memref_slice %arg2[%mul3A_4] : memref<1048576xi32, #tpu.memory_space<hbm>> -> memref<32768xi32, #tpu.memory_space<hbm>>
      tpu.enqueue_dma source(%dma_start3A_35 : memref<32768xi32, #tpu.memory_space<hbm>>) target(%arg5 : memref<32768xi32, #tpu.memory_space<vmem>>) target_semaphore(%run_scoped3A : memref<!tpu.dma_semaphore, #tpu.memory_space<semaphore_mem>>)
      %dma_wait3A = tpu.memref_slice %arg2[%mul3A_4] : memref<1048576xi32, #tpu.memory_space<hbm>> -> memref<32768xi32, #tpu.memory_space<hbm>>
      %dma_wait3A_36 = tpu.memref_slice %arg2[%mul3A_4] : memref<1048576xi32, #tpu.memory_space<hbm>> -> memref<32768xi32, #tpu.memory_space<hbm>>
      tpu.wait_dma2 semaphore(%run_scoped3A : memref<!tpu.dma_semaphore, #tpu.memory_space<semaphore_mem>>) src(%dma_wait3A_36 : memref<32768xi32, #tpu.memory_space<hbm>>) dst(%arg5 : memref<32768xi32, #tpu.memory_space<vmem>>)
      tpu.yield
    }) : () -> ()
    %dma_start3A = arith.constant 0 : i32
    %dma_start3A_5 = arith.constant 0 : i32
    %dma_start3A_6 = arith.constant 0 : i32
    %dma_start3A_7 = arith.constant 0 : i32
    %dma_start3A_8 = tpu.memref_slice %arg6[%dma_start3A, %dma_start3A_6, %dma_start3A_7] : memref<2x208x64xf32, #tpu.memory_space<vmem>> -> memref<1x104x64xf32, #tpu.memory_space<vmem>>
    %dma_start3A_9 = tpu.memref_squeeze %dma_start3A_8 : memref<1x104x64xf32, #tpu.memory_space<vmem>> -> memref<104x64xf32, #tpu.memory_space<vmem>>
    %dma_start3A_10 = arith.constant 0 : i32
    %dma_start3A_11 = tpu.memref_slice %arg5[%dma_start3A_10] : memref<32768xi32, #tpu.memory_space<vmem>> -> memref<104xi32, #tpu.memory_space<vmem>>
    %dma_start3A_12 = arith.constant 0 : i32
    %dma_start3A_13 = arith.constant 0 : i32
    %dma_start3A_14 = tpu.memref_slice %arg3[%dma_start3A_12, %dma_start3A_13] : memref<1000000x64xf32, #tpu.memory_space<hbm>> -> memref<1000000x64xf32, #tpu.memory_space<hbm>>
    %dma_start3A_15 = tpu.memref_slice %arg8[%dma_start3A_5] : memref<2x!tpu.dma_semaphore, #tpu.memory_space<semaphore_mem>> -> memref<1x!tpu.dma_semaphore, #tpu.memory_space<semaphore_mem>>
    %dma_start3A_16 = tpu.memref_squeeze %dma_start3A_15 : memref<1x!tpu.dma_semaphore, #tpu.memory_space<semaphore_mem>> -> memref<!tpu.dma_semaphore, #tpu.memory_space<semaphore_mem>>
    tpu.enqueue_indirect_dma source(%dma_start3A_14 : memref<1000000x64xf32, #tpu.memory_space<hbm>>) target(%dma_start3A_9 : memref<104x64xf32, #tpu.memory_space<vmem>>) offsets(%dma_start3A_11 : memref<104xi32, #tpu.memory_space<vmem>>) semaphore(%dma_start3A_16 : memref<!tpu.dma_semaphore, #tpu.memory_space<semaphore_mem>>)
    %dma_start3A_17 = arith.constant 0 : i32
    %dma_start3A_18 = arith.constant 0 : i32
    %dma_start3A_19 = arith.constant 104 : i32
    %dma_start3A_20 = arith.constant 0 : i32
    %dma_start3A_21 = tpu.memref_slice %arg6[%dma_start3A_17, %dma_start3A_19, %dma_start3A_20] : memref<2x208x64xf32, #tpu.memory_space<vmem>> -> memref<1x104x64xf32, #tpu.memory_space<vmem>>
    %dma_start3A_22 = tpu.memref_squeeze %dma_start3A_21 : memref<1x104x64xf32, #tpu.memory_space<vmem>> -> memref<104x64xf32, #tpu.memory_space<vmem>>
    %dma_start3A_23 = arith.constant 104 : i32
    %dma_start3A_24 = tpu.memref_slice %arg5[%dma_start3A_23] : memref<32768xi32, #tpu.memory_space<vmem>> -> memref<104xi32, #tpu.memory_space<vmem>>
    %dma_start3A_25 = arith.constant 0 : i32
    %dma_start3A_26 = arith.constant 0 : i32
    %dma_start3A_27 = tpu.memref_slice %arg3[%dma_start3A_25, %dma_start3A_26] : memref<1000000x64xf32, #tpu.memory_space<hbm>> -> memref<1000000x64xf32, #tpu.memory_space<hbm>>
    %dma_start3A_28 = tpu.memref_slice %arg8[%dma_start3A_18] : memref<2x!tpu.dma_semaphore, #tpu.memory_space<semaphore_mem>> -> memref<1x!tpu.dma_semaphore, #tpu.memory_space<semaphore_mem>>
    %dma_start3A_29 = tpu.memref_squeeze %dma_start3A_28 : memref<1x!tpu.dma_semaphore, #tpu.memory_space<semaphore_mem>> -> memref<!tpu.dma_semaphore, #tpu.memory_space<semaphore_mem>>
    tpu.enqueue_indirect_dma source(%dma_start3A_27 : memref<1000000x64xf32, #tpu.memory_space<hbm>>) target(%dma_start3A_22 : memref<104x64xf32, #tpu.memory_space<vmem>>) offsets(%dma_start3A_24 : memref<104xi32, #tpu.memory_space<vmem>>) semaphore(%dma_start3A_29 : memref<!tpu.dma_semaphore, #tpu.memory_space<semaphore_mem>>)
    %scan3A = arith.constant 0 : i32
    %scan3A_30 = arith.constant 64 : i32
    %scan3A_31 = arith.addi %scan3A, %scan3A_30 : i32
    %scan3A_32 = arith.constant 1 : i32
    scf.for %scan3A_34 = %scan3A to %scan3A_31 step %scan3A_32  : i32 {
      %mul3A_35 = arith.constant 2 : i32
      %mul3A_36 = arith.muli %scan3A_34, %mul3A_35 : i32
      %add3A_37 = arith.constant 0 : i32
      %add3A_38 = arith.addi %add3A_37, %mul3A_36 : i32
      %add3A_39 = arith.constant 0 : i32
      %add3A_40 = arith.addi %add3A_38, %add3A_39 : i32
      %add3A_41 = arith.constant 1 : i32
      %add3A_42 = arith.addi %add3A_40, %add3A_41 : i32
      %lt3A = arith.constant 128 : i32
      %lt3A_43 = arith.cmpi slt, %add3A_42, %lt3A : i32
      %convert_element_type3A = arith.extui %lt3A_43 : i1 to i32
      %cond3A = arith.constant 0 : i32
      %cond3A_44 = arith.cmpi ne, %convert_element_type3A, %cond3A : i32
      scf.if %cond3A_44 {
        %add3A_215 = arith.constant 1 : i32
        %add3A_216 = arith.addi %add3A_40, %add3A_215 : i32
        %mul3A_217 = arith.constant 256 : i32
        %mul3A_218 = arith.muli %add3A_216, %mul3A_217 : i32
        %add3A_219 = arith.constant 0 : i32
        %add3A_220 = arith.addi %mul3A_218, %add3A_219 : i32
        %mul3A_221 = arith.constant 256 : i32
        %mul3A_222 = arith.muli %add3A_216, %mul3A_221 : i32
        %add3A_223 = arith.constant 104 : i32
        %add3A_224 = arith.addi %mul3A_222, %add3A_223 : i32
        %dma_start3A_225 = arith.constant 1 : i32
        %dma_start3A_226 = arith.constant 1 : i32
        %dma_start3A_227 = arith.constant 0 : i32
        %dma_start3A_228 = arith.constant 0 : i32
        %dma_start3A_229 = tpu.memref_slice %arg6[%dma_start3A_225, %dma_start3A_227, %dma_start3A_228] : memref<2x208x64xf32, #tpu.memory_space<vmem>> -> memref<1x104x64xf32, #tpu.memory_space<vmem>>
        %dma_start3A_230 = tpu.memref_squeeze %dma_start3A_229 : memref<1x104x64xf32, #tpu.memory_space<vmem>> -> memref<104x64xf32, #tpu.memory_space<vmem>>
        %dma_start3A_231 = tpu.memref_slice %arg5[%add3A_220] : memref<32768xi32, #tpu.memory_space<vmem>> -> memref<104xi32, #tpu.memory_space<vmem>>
        %dma_start3A_232 = arith.constant 0 : i32
        %dma_start3A_233 = arith.constant 0 : i32
        %dma_start3A_234 = tpu.memref_slice %arg3[%dma_start3A_232, %dma_start3A_233] : memref<1000000x64xf32, #tpu.memory_space<hbm>> -> memref<1000000x64xf32, #tpu.memory_space<hbm>>
        %dma_start3A_235 = tpu.memref_slice %arg8[%dma_start3A_226] : memref<2x!tpu.dma_semaphore, #tpu.memory_space<semaphore_mem>> -> memref<1x!tpu.dma_semaphore, #tpu.memory_space<semaphore_mem>>
        %dma_start3A_236 = tpu.memref_squeeze %dma_start3A_235 : memref<1x!tpu.dma_semaphore, #tpu.memory_space<semaphore_mem>> -> memref<!tpu.dma_semaphore, #tpu.memory_space<semaphore_mem>>
        tpu.enqueue_indirect_dma source(%dma_start3A_234 : memref<1000000x64xf32, #tpu.memory_space<hbm>>) target(%dma_start3A_230 : memref<104x64xf32, #tpu.memory_space<vmem>>) offsets(%dma_start3A_231 : memref<104xi32, #tpu.memory_space<vmem>>) semaphore(%dma_start3A_236 : memref<!tpu.dma_semaphore, #tpu.memory_space<semaphore_mem>>)
        %dma_start3A_237 = arith.constant 1 : i32
        %dma_start3A_238 = arith.constant 1 : i32
        %dma_start3A_239 = arith.constant 104 : i32
        %dma_start3A_240 = arith.constant 0 : i32
        %dma_start3A_241 = tpu.memref_slice %arg6[%dma_start3A_237, %dma_start3A_239, %dma_start3A_240] : memref<2x208x64xf32, #tpu.memory_space<vmem>> -> memref<1x104x64xf32, #tpu.memory_space<vmem>>
        %dma_start3A_242 = tpu.memref_squeeze %dma_start3A_241 : memref<1x104x64xf32, #tpu.memory_space<vmem>> -> memref<104x64xf32, #tpu.memory_space<vmem>>
        %dma_start3A_243 = tpu.memref_slice %arg5[%add3A_224] : memref<32768xi32, #tpu.memory_space<vmem>> -> memref<104xi32, #tpu.memory_space<vmem>>
        %dma_start3A_244 = arith.constant 0 : i32
        %dma_start3A_245 = arith.constant 0 : i32
        %dma_start3A_246 = tpu.memref_slice %arg3[%dma_start3A_244, %dma_start3A_245] : memref<1000000x64xf32, #tpu.memory_space<hbm>> -> memref<1000000x64xf32, #tpu.memory_space<hbm>>
        %dma_start3A_247 = tpu.memref_slice %arg8[%dma_start3A_238] : memref<2x!tpu.dma_semaphore, #tpu.memory_space<semaphore_mem>> -> memref<1x!tpu.dma_semaphore, #tpu.memory_space<semaphore_mem>>
        %dma_start3A_248 = tpu.memref_squeeze %dma_start3A_247 : memref<1x!tpu.dma_semaphore, #tpu.memory_space<semaphore_mem>> -> memref<!tpu.dma_semaphore, #tpu.memory_space<semaphore_mem>>
        tpu.enqueue_indirect_dma source(%dma_start3A_246 : memref<1000000x64xf32, #tpu.memory_space<hbm>>) target(%dma_start3A_242 : memref<104x64xf32, #tpu.memory_space<vmem>>) offsets(%dma_start3A_243 : memref<104xi32, #tpu.memory_space<vmem>>) semaphore(%dma_start3A_248 : memref<!tpu.dma_semaphore, #tpu.memory_space<semaphore_mem>>)
      } else {
      }
      %mul3A_45 = arith.constant 256 : i32
      %mul3A_46 = arith.muli %add3A_40, %mul3A_45 : i32
      %add3A_47 = arith.constant 0 : i32
      %add3A_48 = arith.addi %mul3A_46, %add3A_47 : i32
      %mul3A_49 = arith.constant 256 : i32
      %mul3A_50 = arith.muli %add3A_40, %mul3A_49 : i32
      %add3A_51 = arith.constant 104 : i32
      %add3A_52 = arith.addi %mul3A_50, %add3A_51 : i32
      %dma_wait3A = arith.constant 0 : i32
      %dma_wait3A_53 = arith.constant 0 : i32
      %dma_wait3A_54 = arith.constant 0 : i32
      %dma_wait3A_55 = arith.constant 0 : i32
      %dma_wait3A_56 = tpu.memref_slice %arg6[%dma_wait3A, %dma_wait3A_54, %dma_wait3A_55] : memref<2x208x64xf32, #tpu.memory_space<vmem>> -> memref<1x104x64xf32, #tpu.memory_space<vmem>>
      %dma_wait3A_57 = tpu.memref_squeeze %dma_wait3A_56 : memref<1x104x64xf32, #tpu.memory_space<vmem>> -> memref<104x64xf32, #tpu.memory_space<vmem>>
      %dma_wait3A_58 = tpu.memref_slice %arg5[%add3A_48] : memref<32768xi32, #tpu.memory_space<vmem>> -> memref<104xi32, #tpu.memory_space<vmem>>
      %dma_wait3A_59 = arith.constant 0 : i32
      %dma_wait3A_60 = arith.constant 0 : i32
      %dma_wait3A_61 = tpu.memref_slice %arg3[%dma_wait3A_59, %dma_wait3A_60] : memref<1000000x64xf32, #tpu.memory_space<hbm>> -> memref<1000000x64xf32, #tpu.memory_space<hbm>>
      %dma_wait3A_62 = tpu.memref_slice %arg8[%dma_wait3A_53] : memref<2x!tpu.dma_semaphore, #tpu.memory_space<semaphore_mem>> -> memref<1x!tpu.dma_semaphore, #tpu.memory_space<semaphore_mem>>
      %dma_wait3A_63 = tpu.memref_squeeze %dma_wait3A_62 : memref<1x!tpu.dma_semaphore, #tpu.memory_space<semaphore_mem>> -> memref<!tpu.dma_semaphore, #tpu.memory_space<semaphore_mem>>
      tpu.wait_indirect_dma semaphore(%dma_wait3A_63 : memref<!tpu.dma_semaphore, #tpu.memory_space<semaphore_mem>>) src(%dma_wait3A_61 : memref<1000000x64xf32, #tpu.memory_space<hbm>>) dst(%dma_wait3A_57 : memref<104x64xf32, #tpu.memory_space<vmem>>)
      %dma_wait3A_64 = arith.constant 0 : i32
      %dma_wait3A_65 = arith.constant 0 : i32
      %dma_wait3A_66 = arith.constant 104 : i32
      %dma_wait3A_67 = arith.constant 0 : i32
      %dma_wait3A_68 = tpu.memref_slice %arg6[%dma_wait3A_64, %dma_wait3A_66, %dma_wait3A_67] : memref<2x208x64xf32, #tpu.memory_space<vmem>> -> memref<1x104x64xf32, #tpu.memory_space<vmem>>
      %dma_wait3A_69 = tpu.memref_squeeze %dma_wait3A_68 : memref<1x104x64xf32, #tpu.memory_space<vmem>> -> memref<104x64xf32, #tpu.memory_space<vmem>>
      %dma_wait3A_70 = tpu.memref_slice %arg5[%add3A_52] : memref<32768xi32, #tpu.memory_space<vmem>> -> memref<104xi32, #tpu.memory_space<vmem>>
      %dma_wait3A_71 = arith.constant 0 : i32
      %dma_wait3A_72 = arith.constant 0 : i32
      %dma_wait3A_73 = tpu.memref_slice %arg3[%dma_wait3A_71, %dma_wait3A_72] : memref<1000000x64xf32, #tpu.memory_space<hbm>> -> memref<1000000x64xf32, #tpu.memory_space<hbm>>
      %dma_wait3A_74 = tpu.memref_slice %arg8[%dma_wait3A_65] : memref<2x!tpu.dma_semaphore, #tpu.memory_space<semaphore_mem>> -> memref<1x!tpu.dma_semaphore, #tpu.memory_space<semaphore_mem>>
      %dma_wait3A_75 = tpu.memref_squeeze %dma_wait3A_74 : memref<1x!tpu.dma_semaphore, #tpu.memory_space<semaphore_mem>> -> memref<!tpu.dma_semaphore, #tpu.memory_space<semaphore_mem>>
      tpu.wait_indirect_dma semaphore(%dma_wait3A_75 : memref<!tpu.dma_semaphore, #tpu.memory_space<semaphore_mem>>) src(%dma_wait3A_73 : memref<1000000x64xf32, #tpu.memory_space<hbm>>) dst(%dma_wait3A_69 : memref<104x64xf32, #tpu.memory_space<vmem>>)
      %broadcast_in_dim3A = arith.constant 0.000000e+00 : f32
      %broadcast_in_dim3A_76 = vector.broadcast %broadcast_in_dim3A : f32 to vector<16xf32>
      %broadcast_in_dim3A_77 = arith.constant 0xFF800000 : f32
      %broadcast_in_dim3A_78 = vector.broadcast %broadcast_in_dim3A_77 : f32 to vector<16xf32>
      %scan3A_79 = arith.constant 0 : i32
      %scan3A_80 = arith.constant 13 : i32
      %scan3A_81 = arith.addi %scan3A_79, %scan3A_80 : i32
      %scan3A_82 = arith.constant 1 : i32
      %scan3A_83:8 = scf.for %scan3A_215 = %scan3A_79 to %scan3A_81 step %scan3A_82 iter_args(%scan3A_216 = %broadcast_in_dim3A_76, %scan3A_217 = %broadcast_in_dim3A_76, %scan3A_218 = %broadcast_in_dim3A_76, %scan3A_219 = %broadcast_in_dim3A_76, %scan3A_220 = %broadcast_in_dim3A_78, %scan3A_221 = %broadcast_in_dim3A_78, %scan3A_222 = %broadcast_in_dim3A_78, %scan3A_223 = %broadcast_in_dim3A_78) -> (vector<16xf32>, vector<16xf32>, vector<16xf32>, vector<16xf32>, vector<16xf32>, vector<16xf32>, vector<16xf32>, vector<16xf32>)  : i32 {
        %mul3A_224 = arith.constant 256 : i32
        %mul3A_225 = arith.muli %add3A_40, %mul3A_224 : i32
        %mul3A_226 = arith.constant 16 : i32
        %mul3A_227 = arith.muli %scan3A_215, %mul3A_226 : i32
        %add3A_228 = arith.addi %mul3A_225, %mul3A_227 : i32
        %get3A = arith.index_cast %add3A_228 : i32 to index
        %get3A_229 = tpu.vector_load %arg5[%get3A] {strides = array<i32>} : memref<32768xi32, #tpu.memory_space<vmem>>, vector<16xi32>,
        %get3A_230 = vector.shape_cast %get3A_229 : vector<16xi32> to vector<16xi32>
        %ne3A = arith.constant 0 : i32
        %ne3A_231 = vector.broadcast %ne3A : i32 to vector<16xi32>
        %ne3A_232 = arith.cmpi ne, %get3A_230, %ne3A_231 : vector<16xi32>
        %jit3A = arith.constant 1.000000e+00 : f32
        %jit3A_233 = arith.constant 0.000000e+00 : f32
        %broadcast_in_dim3A_234 = vector.broadcast %jit3A : f32 to vector<16xf32>
        %broadcast_in_dim3A_235 = vector.broadcast %jit3A_233 : f32 to vector<16xf32>
        %select_n3A = arith.select %ne3A_232, %broadcast_in_dim3A_234, %broadcast_in_dim3A_235 : vector<16xi1>, vector<16xf32>
        %jit3A_236 = arith.constant 0.000000e+00 : f32
        %jit3A_237 = arith.constant 0xFF800000 : f32
        %broadcast_in_dim3A_238 = vector.broadcast %jit3A_236 : f32 to vector<16xf32>
        %broadcast_in_dim3A_239 = vector.broadcast %jit3A_237 : f32 to vector<16xf32>
        %select_n3A_240 = arith.select %ne3A_232, %broadcast_in_dim3A_238, %broadcast_in_dim3A_239 : vector<16xi1>, vector<16xf32>
        %broadcast_in_dim3A_241 = arith.constant 0 : i32
        %broadcast_in_dim3A_242 = vector.broadcast %broadcast_in_dim3A_241 : i32 to vector<16x1xi32>
        %gather3A = vector.shape_cast %broadcast_in_dim3A_242 : vector<16x1xi32> to vector<16xi32>
        %gather3A_243 = tpu.dynamic_gather %select_n3A[%gather3A] in [0] : vector<16xf32>, vector<16xi32> -> vector<16xf32>
        %broadcast_in_dim3A_244 = arith.constant 0 : i32
        %broadcast_in_dim3A_245 = vector.broadcast %broadcast_in_dim3A_244 : i32 to vector<16x1xi32>
        %gather3A_246 = vector.shape_cast %broadcast_in_dim3A_245 : vector<16x1xi32> to vector<16xi32>
        %gather3A_247 = tpu.dynamic_gather %select_n3A_240[%gather3A_246] in [0] : vector<16xf32>, vector<16xi32> -> vector<16xf32>
        %mul3A_248 = arith.constant 16 : i32
        %mul3A_249 = arith.muli %scan3A_215, %mul3A_248 : i32
        %add3A_250 = arith.constant 0 : i32
        %add3A_251 = arith.addi %mul3A_249, %add3A_250 : i32
        %get3A_252 = arith.constant 0 : i32
        %get3A_253 = arith.index_cast %get3A_252 : i32 to index
        %get3A_254 = arith.index_cast %add3A_251 : i32 to index
        %get3A_255 = arith.constant 0 : index
        %get3A_256 = tpu.vector_load %arg6[%get3A_253, %get3A_254, %get3A_255] {strides = array<i32>} : memref<2x208x64xf32, #tpu.memory_space<vmem>>, vector<1x1x16xf32>,
        %get3A_257 = vector.shape_cast %get3A_256 : vector<1x1x16xf32> to vector<16xf32>
        %mul3A_258 = arith.mulf %get3A_257, %gather3A_243 : vector<16xf32>
        %add3A_259 = arith.addf %scan3A_216, %mul3A_258 : vector<16xf32>
        %mul3A_260 = arith.mulf %get3A_257, %gather3A_243 : vector<16xf32>
        %add3A_261 = arith.addf %mul3A_260, %gather3A_247 : vector<16xf32>
        %max3A = arith.maximumf %scan3A_220, %add3A_261 : vector<16xf32>
        %get3A_262 = arith.constant 0 : i32
        %get3A_263 = arith.index_cast %get3A_262 : i32 to index
        %get3A_264 = arith.index_cast %add3A_251 : i32 to index
        %get3A_265 = arith.constant 16 : index
        %get3A_266 = tpu.vector_load %arg6[%get3A_263, %get3A_264, %get3A_265] {strides = array<i32>} : memref<2x208x64xf32, #tpu.memory_space<vmem>>, vector<1x1x16xf32>,
        %get3A_267 = vector.shape_cast %get3A_266 : vector<1x1x16xf32> to vector<16xf32>
        %mul3A_268 = arith.mulf %get3A_267, %gather3A_243 : vector<16xf32>
        %add3A_269 = arith.addf %scan3A_217, %mul3A_268 : vector<16xf32>
        %mul3A_270 = arith.mulf %get3A_267, %gather3A_243 : vector<16xf32>
        %add3A_271 = arith.addf %mul3A_270, %gather3A_247 : vector<16xf32>
        %max3A_272 = arith.maximumf %scan3A_221, %add3A_271 : vector<16xf32>
        %get3A_273 = arith.constant 0 : i32
        %get3A_274 = arith.index_cast %get3A_273 : i32 to index
        %get3A_275 = arith.index_cast %add3A_251 : i32 to index
        %get3A_276 = arith.constant 32 : index
        %get3A_277 = tpu.vector_load %arg6[%get3A_274, %get3A_275, %get3A_276] {strides = array<i32>} : memref<2x208x64xf32, #tpu.memory_space<vmem>>, vector<1x1x16xf32>,
        %get3A_278 = vector.shape_cast %get3A_277 : vector<1x1x16xf32> to vector<16xf32>
        %mul3A_279 = arith.mulf %get3A_278, %gather3A_243 : vector<16xf32>
        %add3A_280 = arith.addf %scan3A_218, %mul3A_279 : vector<16xf32>
        %mul3A_281 = arith.mulf %get3A_278, %gather3A_243 : vector<16xf32>
        %add3A_282 = arith.addf %mul3A_281, %gather3A_247 : vector<16xf32>
        %max3A_283 = arith.maximumf %scan3A_222, %add3A_282 : vector<16xf32>
        %get3A_284 = arith.constant 0 : i32
        %get3A_285 = arith.index_cast %get3A_284 : i32 to index
        %get3A_286 = arith.index_cast %add3A_251 : i32 to index
        %get3A_287 = arith.constant 48 : index
        %get3A_288 = tpu.vector_load %arg6[%get3A_285, %get3A_286, %get3A_287] {strides = array<i32>} : memref<2x208x64xf32, #tpu.memory_space<vmem>>, vector<1x1x16xf32>,
        %get3A_289 = vector.shape_cast %get3A_288 : vector<1x1x16xf32> to vector<16xf32>
        %mul3A_290 = arith.mulf %get3A_289, %gather3A_243 : vector<16xf32>
        %add3A_291 = arith.addf %scan3A_219, %mul3A_290 : vector<16xf32>
        %mul3A_292 = arith.mulf %get3A_289, %gather3A_243 : vector<16xf32>
        %add3A_293 = arith.addf %mul3A_292, %gather3A_247 : vector<16xf32>
        %max3A_294 = arith.maximumf %scan3A_223, %add3A_293 : vector<16xf32>
        %broadcast_in_dim3A_295 = arith.constant 1 : i32
        %broadcast_in_dim3A_296 = vector.broadcast %broadcast_in_dim3A_295 : i32 to vector<16x1xi32>
        %gather3A_297 = vector.shape_cast %broadcast_in_dim3A_296 : vector<16x1xi32> to vector<16xi32>
        %gather3A_298 = tpu.dynamic_gather %select_n3A[%gather3A_297] in [0] : vector<16xf32>, vector<16xi32> -> vector<16xf32>
        %broadcast_in_dim3A_299 = arith.constant 1 : i32
        %broadcast_in_dim3A_300 = vector.broadcast %broadcast_in_dim3A_299 : i32 to vector<16x1xi32>
        %gather3A_301 = vector.shape_cast %broadcast_in_dim3A_300 : vector<16x1xi32> to vector<16xi32>
        %gather3A_302 = tpu.dynamic_gather %select_n3A_240[%gather3A_301] in [0] : vector<16xf32>, vector<16xi32> -> vector<16xf32>
        %mul3A_303 = arith.constant 16 : i32
        %mul3A_304 = arith.muli %scan3A_215, %mul3A_303 : i32
        %add3A_305 = arith.constant 1 : i32
        %add3A_306 = arith.addi %mul3A_304, %add3A_305 : i32
        %get3A_307 = arith.constant 0 : i32
        %get3A_308 = arith.index_cast %get3A_307 : i32 to index
        %get3A_309 = arith.index_cast %add3A_306 : i32 to index
        %get3A_310 = arith.constant 0 : index
        %get3A_311 = tpu.vector_load %arg6[%get3A_308, %get3A_309, %get3A_310] {strides = array<i32>} : memref<2x208x64xf32, #tpu.memory_space<vmem>>, vector<1x1x16xf32>,
        %get3A_312 = vector.shape_cast %get3A_311 : vector<1x1x16xf32> to vector<16xf32>
        %mul3A_313 = arith.mulf %get3A_312, %gather3A_298 : vector<16xf32>
        %add3A_314 = arith.addf %add3A_259, %mul3A_313 : vector<16xf32>
        %mul3A_315 = arith.mulf %get3A_312, %gather3A_298 : vector<16xf32>
        %add3A_316 = arith.addf %mul3A_315, %gather3A_302 : vector<16xf32>
        %max3A_317 = arith.maximumf %max3A, %add3A_316 : vector<16xf32>
        %get3A_318 = arith.constant 0 : i32
        %get3A_319 = arith.index_cast %get3A_318 : i32 to index
        %get3A_320 = arith.index_cast %add3A_306 : i32 to index
        %get3A_321 = arith.constant 16 : index
        %get3A_322 = tpu.vector_load %arg6[%get3A_319, %get3A_320, %get3A_321] {strides = array<i32>} : memref<2x208x64xf32, #tpu.memory_space<vmem>>, vector<1x1x16xf32>,
        %get3A_323 = vector.shape_cast %get3A_322 : vector<1x1x16xf32> to vector<16xf32>
        %mul3A_324 = arith.mulf %get3A_323, %gather3A_298 : vector<16xf32>
        %add3A_325 = arith.addf %add3A_269, %mul3A_324 : vector<16xf32>
        %mul3A_326 = arith.mulf %get3A_323, %gather3A_298 : vector<16xf32>
        %add3A_327 = arith.addf %mul3A_326, %gather3A_302 : vector<16xf32>
        %max3A_328 = arith.maximumf %max3A_272, %add3A_327 : vector<16xf32>
        %get3A_329 = arith.constant 0 : i32
        %get3A_330 = arith.index_cast %get3A_329 : i32 to index
        %get3A_331 = arith.index_cast %add3A_306 : i32 to index
        %get3A_332 = arith.constant 32 : index
        %get3A_333 = tpu.vector_load %arg6[%get3A_330, %get3A_331, %get3A_332] {strides = array<i32>} : memref<2x208x64xf32, #tpu.memory_space<vmem>>, vector<1x1x16xf32>,
        %get3A_334 = vector.shape_cast %get3A_333 : vector<1x1x16xf32> to vector<16xf32>
        %mul3A_335 = arith.mulf %get3A_334, %gather3A_298 : vector<16xf32>
        %add3A_336 = arith.addf %add3A_280, %mul3A_335 : vector<16xf32>
        %mul3A_337 = arith.mulf %get3A_334, %gather3A_298 : vector<16xf32>
        %add3A_338 = arith.addf %mul3A_337, %gather3A_302 : vector<16xf32>
        %max3A_339 = arith.maximumf %max3A_283, %add3A_338 : vector<16xf32>
        %get3A_340 = arith.constant 0 : i32
        %get3A_341 = arith.index_cast %get3A_340 : i32 to index
        %get3A_342 = arith.index_cast %add3A_306 : i32 to index
        %get3A_343 = arith.constant 48 : index
        %get3A_344 = tpu.vector_load %arg6[%get3A_341, %get3A_342, %get3A_343] {strides = array<i32>} : memref<2x208x64xf32, #tpu.memory_space<vmem>>, vector<1x1x16xf32>,
        %get3A_345 = vector.shape_cast %get3A_344 : vector<1x1x16xf32> to vector<16xf32>
        %mul3A_346 = arith.mulf %get3A_345, %gather3A_298 : vector<16xf32>
        %add3A_347 = arith.addf %add3A_291, %mul3A_346 : vector<16xf32>
        %mul3A_348 = arith.mulf %get3A_345, %gather3A_298 : vector<16xf32>
        %add3A_349 = arith.addf %mul3A_348, %gather3A_302 : vector<16xf32>
        %max3A_350 = arith.maximumf %max3A_294, %add3A_349 : vector<16xf32>
        %broadcast_in_dim3A_351 = arith.constant 2 : i32
        %broadcast_in_dim3A_352 = vector.broadcast %broadcast_in_dim3A_351 : i32 to vector<16x1xi32>
        %gather3A_353 = vector.shape_cast %broadcast_in_dim3A_352 : vector<16x1xi32> to vector<16xi32>
        %gather3A_354 = tpu.dynamic_gather %select_n3A[%gather3A_353] in [0] : vector<16xf32>, vector<16xi32> -> vector<16xf32>
        %broadcast_in_dim3A_355 = arith.constant 2 : i32
        %broadcast_in_dim3A_356 = vector.broadcast %broadcast_in_dim3A_355 : i32 to vector<16x1xi32>
        %gather3A_357 = vector.shape_cast %broadcast_in_dim3A_356 : vector<16x1xi32> to vector<16xi32>
        %gather3A_358 = tpu.dynamic_gather %select_n3A_240[%gather3A_357] in [0] : vector<16xf32>, vector<16xi32> -> vector<16xf32>
        %mul3A_359 = arith.constant 16 : i32
        %mul3A_360 = arith.muli %scan3A_215, %mul3A_359 : i32
        %add3A_361 = arith.constant 2 : i32
        %add3A_362 = arith.addi %mul3A_360, %add3A_361 : i32
        %get3A_363 = arith.constant 0 : i32
        %get3A_364 = arith.index_cast %get3A_363 : i32 to index
        %get3A_365 = arith.index_cast %add3A_362 : i32 to index
        %get3A_366 = arith.constant 0 : index
        %get3A_367 = tpu.vector_load %arg6[%get3A_364, %get3A_365, %get3A_366] {strides = array<i32>} : memref<2x208x64xf32, #tpu.memory_space<vmem>>, vector<1x1x16xf32>,
        %get3A_368 = vector.shape_cast %get3A_367 : vector<1x1x16xf32> to vector<16xf32>
        %mul3A_369 = arith.mulf %get3A_368, %gather3A_354 : vector<16xf32>
        %add3A_370 = arith.addf %add3A_314, %mul3A_369 : vector<16xf32>
        %mul3A_371 = arith.mulf %get3A_368, %gather3A_354 : vector<16xf32>
        %add3A_372 = arith.addf %mul3A_371, %gather3A_358 : vector<16xf32>
        %max3A_373 = arith.maximumf %max3A_317, %add3A_372 : vector<16xf32>
        %get3A_374 = arith.constant 0 : i32
        %get3A_375 = arith.index_cast %get3A_374 : i32 to index
        %get3A_376 = arith.index_cast %add3A_362 : i32 to index
        %get3A_377 = arith.constant 16 : index
        %get3A_378 = tpu.vector_load %arg6[%get3A_375, %get3A_376, %get3A_377] {strides = array<i32>} : memref<2x208x64xf32, #tpu.memory_space<vmem>>, vector<1x1x16xf32>,
        %get3A_379 = vector.shape_cast %get3A_378 : vector<1x1x16xf32> to vector<16xf32>
        %mul3A_380 = arith.mulf %get3A_379, %gather3A_354 : vector<16xf32>
        %add3A_381 = arith.addf %add3A_325, %mul3A_380 : vector<16xf32>
        %mul3A_382 = arith.mulf %get3A_379, %gather3A_354 : vector<16xf32>
        %add3A_383 = arith.addf %mul3A_382, %gather3A_358 : vector<16xf32>
        %max3A_384 = arith.maximumf %max3A_328, %add3A_383 : vector<16xf32>
        %get3A_385 = arith.constant 0 : i32
        %get3A_386 = arith.index_cast %get3A_385 : i32 to index
        %get3A_387 = arith.index_cast %add3A_362 : i32 to index
        %get3A_388 = arith.constant 32 : index
        %get3A_389 = tpu.vector_load %arg6[%get3A_386, %get3A_387, %get3A_388] {strides = array<i32>} : memref<2x208x64xf32, #tpu.memory_space<vmem>>, vector<1x1x16xf32>,
        %get3A_390 = vector.shape_cast %get3A_389 : vector<1x1x16xf32> to vector<16xf32>
        %mul3A_391 = arith.mulf %get3A_390, %gather3A_354 : vector<16xf32>
        %add3A_392 = arith.addf %add3A_336, %mul3A_391 : vector<16xf32>
        %mul3A_393 = arith.mulf %get3A_390, %gather3A_354 : vector<16xf32>
        %add3A_394 = arith.addf %mul3A_393, %gather3A_358 : vector<16xf32>
        %max3A_395 = arith.maximumf %max3A_339, %add3A_394 : vector<16xf32>
        %get3A_396 = arith.constant 0 : i32
        %get3A_397 = arith.index_cast %get3A_396 : i32 to index
        %get3A_398 = arith.index_cast %add3A_362 : i32 to index
        %get3A_399 = arith.constant 48 : index
        %get3A_400 = tpu.vector_load %arg6[%get3A_397, %get3A_398, %get3A_399] {strides = array<i32>} : memref<2x208x64xf32, #tpu.memory_space<vmem>>, vector<1x1x16xf32>,
        %get3A_401 = vector.shape_cast %get3A_400 : vector<1x1x16xf32> to vector<16xf32>
        %mul3A_402 = arith.mulf %get3A_401, %gather3A_354 : vector<16xf32>
        %add3A_403 = arith.addf %add3A_347, %mul3A_402 : vector<16xf32>
        %mul3A_404 = arith.mulf %get3A_401, %gather3A_354 : vector<16xf32>
        %add3A_405 = arith.addf %mul3A_404, %gather3A_358 : vector<16xf32>
        %max3A_406 = arith.maximumf %max3A_350, %add3A_405 : vector<16xf32>
        %broadcast_in_dim3A_407 = arith.constant 3 : i32
        %broadcast_in_dim3A_408 = vector.broadcast %broadcast_in_dim3A_407 : i32 to vector<16x1xi32>
        %gather3A_409 = vector.shape_cast %broadcast_in_dim3A_408 : vector<16x1xi32> to vector<16xi32>
        %gather3A_410 = tpu.dynamic_gather %select_n3A[%gather3A_409] in [0] : vector<16xf32>, vector<16xi32> -> vector<16xf32>
        %broadcast_in_dim3A_411 = arith.constant 3 : i32
        %broadcast_in_dim3A_412 = vector.broadcast %broadcast_in_dim3A_411 : i32 to vector<16x1xi32>
        %gather3A_413 = vector.shape_cast %broadcast_in_dim3A_412 : vector<16x1xi32> to vector<16xi32>
        %gather3A_414 = tpu.dynamic_gather %select_n3A_240[%gather3A_413] in [0] : vector<16xf32>, vector<16xi32> -> vector<16xf32>
        %mul3A_415 = arith.constant 16 : i32
        %mul3A_416 = arith.muli %scan3A_215, %mul3A_415 : i32
        %add3A_417 = arith.constant 3 : i32
        %add3A_418 = arith.addi %mul3A_416, %add3A_417 : i32
        %get3A_419 = arith.constant 0 : i32
        %get3A_420 = arith.index_cast %get3A_419 : i32 to index
        %get3A_421 = arith.index_cast %add3A_418 : i32 to index
        %get3A_422 = arith.constant 0 : index
        %get3A_423 = tpu.vector_load %arg6[%get3A_420, %get3A_421, %get3A_422] {strides = array<i32>} : memref<2x208x64xf32, #tpu.memory_space<vmem>>, vector<1x1x16xf32>,
        %get3A_424 = vector.shape_cast %get3A_423 : vector<1x1x16xf32> to vector<16xf32>
        %mul3A_425 = arith.mulf %get3A_424, %gather3A_410 : vector<16xf32>
        %add3A_426 = arith.addf %add3A_370, %mul3A_425 : vector<16xf32>
        %mul3A_427 = arith.mulf %get3A_424, %gather3A_410 : vector<16xf32>
        %add3A_428 = arith.addf %mul3A_427, %gather3A_414 : vector<16xf32>
        %max3A_429 = arith.maximumf %max3A_373, %add3A_428 : vector<16xf32>
        %get3A_430 = arith.constant 0 : i32
        %get3A_431 = arith.index_cast %get3A_430 : i32 to index
        %get3A_432 = arith.index_cast %add3A_418 : i32 to index
        %get3A_433 = arith.constant 16 : index
        %get3A_434 = tpu.vector_load %arg6[%get3A_431, %get3A_432, %get3A_433] {strides = array<i32>} : memref<2x208x64xf32, #tpu.memory_space<vmem>>, vector<1x1x16xf32>,
        %get3A_435 = vector.shape_cast %get3A_434 : vector<1x1x16xf32> to vector<16xf32>
        %mul3A_436 = arith.mulf %get3A_435, %gather3A_410 : vector<16xf32>
        %add3A_437 = arith.addf %add3A_381, %mul3A_436 : vector<16xf32>
        %mul3A_438 = arith.mulf %get3A_435, %gather3A_410 : vector<16xf32>
        %add3A_439 = arith.addf %mul3A_438, %gather3A_414 : vector<16xf32>
        %max3A_440 = arith.maximumf %max3A_384, %add3A_439 : vector<16xf32>
        %get3A_441 = arith.constant 0 : i32
        %get3A_442 = arith.index_cast %get3A_441 : i32 to index
        %get3A_443 = arith.index_cast %add3A_418 : i32 to index
        %get3A_444 = arith.constant 32 : index
        %get3A_445 = tpu.vector_load %arg6[%get3A_442, %get3A_443, %get3A_444] {strides = array<i32>} : memref<2x208x64xf32, #tpu.memory_space<vmem>>, vector<1x1x16xf32>,
        %get3A_446 = vector.shape_cast %get3A_445 : vector<1x1x16xf32> to vector<16xf32>
        %mul3A_447 = arith.mulf %get3A_446, %gather3A_410 : vector<16xf32>
        %add3A_448 = arith.addf %add3A_392, %mul3A_447 : vector<16xf32>
        %mul3A_449 = arith.mulf %get3A_446, %gather3A_410 : vector<16xf32>
        %add3A_450 = arith.addf %mul3A_449, %gather3A_414 : vector<16xf32>
        %max3A_451 = arith.maximumf %max3A_395, %add3A_450 : vector<16xf32>
        %get3A_452 = arith.constant 0 : i32
        %get3A_453 = arith.index_cast %get3A_452 : i32 to index
        %get3A_454 = arith.index_cast %add3A_418 : i32 to index
        %get3A_455 = arith.constant 48 : index
        %get3A_456 = tpu.vector_load %arg6[%get3A_453, %get3A_454, %get3A_455] {strides = array<i32>} : memref<2x208x64xf32, #tpu.memory_space<vmem>>, vector<1x1x16xf32>,
        %get3A_457 = vector.shape_cast %get3A_456 : vector<1x1x16xf32> to vector<16xf32>
        %mul3A_458 = arith.mulf %get3A_457, %gather3A_410 : vector<16xf32>
        %add3A_459 = arith.addf %add3A_403, %mul3A_458 : vector<16xf32>
        %mul3A_460 = arith.mulf %get3A_457, %gather3A_410 : vector<16xf32>
        %add3A_461 = arith.addf %mul3A_460, %gather3A_414 : vector<16xf32>
        %max3A_462 = arith.maximumf %max3A_406, %add3A_461 : vector<16xf32>
        %broadcast_in_dim3A_463 = arith.constant 4 : i32
        %broadcast_in_dim3A_464 = vector.broadcast %broadcast_in_dim3A_463 : i32 to vector<16x1xi32>
        %gather3A_465 = vector.shape_cast %broadcast_in_dim3A_464 : vector<16x1xi32> to vector<16xi32>
        %gather3A_466 = tpu.dynamic_gather %select_n3A[%gather3A_465] in [0] : vector<16xf32>, vector<16xi32> -> vector<16xf32>
        %broadcast_in_dim3A_467 = arith.constant 4 : i32
        %broadcast_in_dim3A_468 = vector.broadcast %broadcast_in_dim3A_467 : i32 to vector<16x1xi32>
        %gather3A_469 = vector.shape_cast %broadcast_in_dim3A_468 : vector<16x1xi32> to vector<16xi32>
        %gather3A_470 = tpu.dynamic_gather %select_n3A_240[%gather3A_469] in [0] : vector<16xf32>, vector<16xi32> -> vector<16xf32>
        %mul3A_471 = arith.constant 16 : i32
        %mul3A_472 = arith.muli %scan3A_215, %mul3A_471 : i32
        %add3A_473 = arith.constant 4 : i32
        %add3A_474 = arith.addi %mul3A_472, %add3A_473 : i32
        %get3A_475 = arith.constant 0 : i32
        %get3A_476 = arith.index_cast %get3A_475 : i32 to index
        %get3A_477 = arith.index_cast %add3A_474 : i32 to index
        %get3A_478 = arith.constant 0 : index
        %get3A_479 = tpu.vector_load %arg6[%get3A_476, %get3A_477, %get3A_478] {strides = array<i32>} : memref<2x208x64xf32, #tpu.memory_space<vmem>>, vector<1x1x16xf32>,
        %get3A_480 = vector.shape_cast %get3A_479 : vector<1x1x16xf32> to vector<16xf32>
        %mul3A_481 = arith.mulf %get3A_480, %gather3A_466 : vector<16xf32>
        %add3A_482 = arith.addf %add3A_426, %mul3A_481 : vector<16xf32>
        %mul3A_483 = arith.mulf %get3A_480, %gather3A_466 : vector<16xf32>
        %add3A_484 = arith.addf %mul3A_483, %gather3A_470 : vector<16xf32>
        %max3A_485 = arith.maximumf %max3A_429, %add3A_484 : vector<16xf32>
        %get3A_486 = arith.constant 0 : i32
        %get3A_487 = arith.index_cast %get3A_486 : i32 to index
        %get3A_488 = arith.index_cast %add3A_474 : i32 to index
        %get3A_489 = arith.constant 16 : index
        %get3A_490 = tpu.vector_load %arg6[%get3A_487, %get3A_488, %get3A_489] {strides = array<i32>} : memref<2x208x64xf32, #tpu.memory_space<vmem>>, vector<1x1x16xf32>,
        %get3A_491 = vector.shape_cast %get3A_490 : vector<1x1x16xf32> to vector<16xf32>
        %mul3A_492 = arith.mulf %get3A_491, %gather3A_466 : vector<16xf32>
        %add3A_493 = arith.addf %add3A_437, %mul3A_492 : vector<16xf32>
        %mul3A_494 = arith.mulf %get3A_491, %gather3A_466 : vector<16xf32>
        %add3A_495 = arith.addf %mul3A_494, %gather3A_470 : vector<16xf32>
        %max3A_496 = arith.maximumf %max3A_440, %add3A_495 : vector<16xf32>
        %get3A_497 = arith.constant 0 : i32
        %get3A_498 = arith.index_cast %get3A_497 : i32 to index
        %get3A_499 = arith.index_cast %add3A_474 : i32 to index
        %get3A_500 = arith.constant 32 : index
        %get3A_501 = tpu.vector_load %arg6[%get3A_498, %get3A_499, %get3A_500] {strides = array<i32>} : memref<2x208x64xf32, #tpu.memory_space<vmem>>, vector<1x1x16xf32>,
        %get3A_502 = vector.shape_cast %get3A_501 : vector<1x1x16xf32> to vector<16xf32>
        %mul3A_503 = arith.mulf %get3A_502, %gather3A_466 : vector<16xf32>
        %add3A_504 = arith.addf %add3A_448, %mul3A_503 : vector<16xf32>
        %mul3A_505 = arith.mulf %get3A_502, %gather3A_466 : vector<16xf32>
        %add3A_506 = arith.addf %mul3A_505, %gather3A_470 : vector<16xf32>
        %max3A_507 = arith.maximumf %max3A_451, %add3A_506 : vector<16xf32>
        %get3A_508 = arith.constant 0 : i32
        %get3A_509 = arith.index_cast %get3A_508 : i32 to index
        %get3A_510 = arith.index_cast %add3A_474 : i32 to index
        %get3A_511 = arith.constant 48 : index
        %get3A_512 = tpu.vector_load %arg6[%get3A_509, %get3A_510, %get3A_511] {strides = array<i32>} : memref<2x208x64xf32, #tpu.memory_space<vmem>>, vector<1x1x16xf32>,
        %get3A_513 = vector.shape_cast %get3A_512 : vector<1x1x16xf32> to vector<16xf32>
        %mul3A_514 = arith.mulf %get3A_513, %gather3A_466 : vector<16xf32>
        %add3A_515 = arith.addf %add3A_459, %mul3A_514 : vector<16xf32>
        %mul3A_516 = arith.mulf %get3A_513, %gather3A_466 : vector<16xf32>
        %add3A_517 = arith.addf %mul3A_516, %gather3A_470 : vector<16xf32>
        %max3A_518 = arith.maximumf %max3A_462, %add3A_517 : vector<16xf32>
        %broadcast_in_dim3A_519 = arith.constant 5 : i32
        %broadcast_in_dim3A_520 = vector.broadcast %broadcast_in_dim3A_519 : i32 to vector<16x1xi32>
        %gather3A_521 = vector.shape_cast %broadcast_in_dim3A_520 : vector<16x1xi32> to vector<16xi32>
        %gather3A_522 = tpu.dynamic_gather %select_n3A[%gather3A_521] in [0] : vector<16xf32>, vector<16xi32> -> vector<16xf32>
        %broadcast_in_dim3A_523 = arith.constant 5 : i32
        %broadcast_in_dim3A_524 = vector.broadcast %broadcast_in_dim3A_523 : i32 to vector<16x1xi32>
        %gather3A_525 = vector.shape_cast %broadcast_in_dim3A_524 : vector<16x1xi32> to vector<16xi32>
        %gather3A_526 = tpu.dynamic_gather %select_n3A_240[%gather3A_525] in [0] : vector<16xf32>, vector<16xi32> -> vector<16xf32>
        %mul3A_527 = arith.constant 16 : i32
        %mul3A_528 = arith.muli %scan3A_215, %mul3A_527 : i32
        %add3A_529 = arith.constant 5 : i32
        %add3A_530 = arith.addi %mul3A_528, %add3A_529 : i32
        %get3A_531 = arith.constant 0 : i32
        %get3A_532 = arith.index_cast %get3A_531 : i32 to index
        %get3A_533 = arith.index_cast %add3A_530 : i32 to index
        %get3A_534 = arith.constant 0 : index
        %get3A_535 = tpu.vector_load %arg6[%get3A_532, %get3A_533, %get3A_534] {strides = array<i32>} : memref<2x208x64xf32, #tpu.memory_space<vmem>>, vector<1x1x16xf32>,
        %get3A_536 = vector.shape_cast %get3A_535 : vector<1x1x16xf32> to vector<16xf32>
        %mul3A_537 = arith.mulf %get3A_536, %gather3A_522 : vector<16xf32>
        %add3A_538 = arith.addf %add3A_482, %mul3A_537 : vector<16xf32>
        %mul3A_539 = arith.mulf %get3A_536, %gather3A_522 : vector<16xf32>
        %add3A_540 = arith.addf %mul3A_539, %gather3A_526 : vector<16xf32>
        %max3A_541 = arith.maximumf %max3A_485, %add3A_540 : vector<16xf32>
        %get3A_542 = arith.constant 0 : i32
        %get3A_543 = arith.index_cast %get3A_542 : i32 to index
        %get3A_544 = arith.index_cast %add3A_530 : i32 to index
        %get3A_545 = arith.constant 16 : index
        %get3A_546 = tpu.vector_load %arg6[%get3A_543, %get3A_544, %get3A_545] {strides = array<i32>} : memref<2x208x64xf32, #tpu.memory_space<vmem>>, vector<1x1x16xf32>,
        %get3A_547 = vector.shape_cast %get3A_546 : vector<1x1x16xf32> to vector<16xf32>
        %mul3A_548 = arith.mulf %get3A_547, %gather3A_522 : vector<16xf32>
        %add3A_549 = arith.addf %add3A_493, %mul3A_548 : vector<16xf32>
        %mul3A_550 = arith.mulf %get3A_547, %gather3A_522 : vector<16xf32>
        %add3A_551 = arith.addf %mul3A_550, %gather3A_526 : vector<16xf32>
        %max3A_552 = arith.maximumf %max3A_496, %add3A_551 : vector<16xf32>
        %get3A_553 = arith.constant 0 : i32
        %get3A_554 = arith.index_cast %get3A_553 : i32 to index
        %get3A_555 = arith.index_cast %add3A_530 : i32 to index
        %get3A_556 = arith.constant 32 : index
        %get3A_557 = tpu.vector_load %arg6[%get3A_554, %get3A_555, %get3A_556] {strides = array<i32>} : memref<2x208x64xf32, #tpu.memory_space<vmem>>, vector<1x1x16xf32>,
        %get3A_558 = vector.shape_cast %get3A_557 : vector<1x1x16xf32> to vector<16xf32>
        %mul3A_559 = arith.mulf %get3A_558, %gather3A_522 : vector<16xf32>
        %add3A_560 = arith.addf %add3A_504, %mul3A_559 : vector<16xf32>
        %mul3A_561 = arith.mulf %get3A_558, %gather3A_522 : vector<16xf32>
        %add3A_562 = arith.addf %mul3A_561, %gather3A_526 : vector<16xf32>
        %max3A_563 = arith.maximumf %max3A_507, %add3A_562 : vector<16xf32>
        %get3A_564 = arith.constant 0 : i32
        %get3A_565 = arith.index_cast %get3A_564 : i32 to index
        %get3A_566 = arith.index_cast %add3A_530 : i32 to index
        %get3A_567 = arith.constant 48 : index
        %get3A_568 = tpu.vector_load %arg6[%get3A_565, %get3A_566, %get3A_567] {strides = array<i32>} : memref<2x208x64xf32, #tpu.memory_space<vmem>>, vector<1x1x16xf32>,
        %get3A_569 = vector.shape_cast %get3A_568 : vector<1x1x16xf32> to vector<16xf32>
        %mul3A_570 = arith.mulf %get3A_569, %gather3A_522 : vector<16xf32>
        %add3A_571 = arith.addf %add3A_515, %mul3A_570 : vector<16xf32>
        %mul3A_572 = arith.mulf %get3A_569, %gather3A_522 : vector<16xf32>
        %add3A_573 = arith.addf %mul3A_572, %gather3A_526 : vector<16xf32>
        %max3A_574 = arith.maximumf %max3A_518, %add3A_573 : vector<16xf32>
        %broadcast_in_dim3A_575 = arith.constant 6 : i32
        %broadcast_in_dim3A_576 = vector.broadcast %broadcast_in_dim3A_575 : i32 to vector<16x1xi32>
        %gather3A_577 = vector.shape_cast %broadcast_in_dim3A_576 : vector<16x1xi32> to vector<16xi32>
        %gather3A_578 = tpu.dynamic_gather %select_n3A[%gather3A_577] in [0] : vector<16xf32>, vector<16xi32> -> vector<16xf32>
        %broadcast_in_dim3A_579 = arith.constant 6 : i32
        %broadcast_in_dim3A_580 = vector.broadcast %broadcast_in_dim3A_579 : i32 to vector<16x1xi32>
        %gather3A_581 = vector.shape_cast %broadcast_in_dim3A_580 : vector<16x1xi32> to vector<16xi32>
        %gather3A_582 = tpu.dynamic_gather %select_n3A_240[%gather3A_581] in [0] : vector<16xf32>, vector<16xi32> -> vector<16xf32>
        %mul3A_583 = arith.constant 16 : i32
        %mul3A_584 = arith.muli %scan3A_215, %mul3A_583 : i32
        %add3A_585 = arith.constant 6 : i32
        %add3A_586 = arith.addi %mul3A_584, %add3A_585 : i32
        %get3A_587 = arith.constant 0 : i32
        %get3A_588 = arith.index_cast %get3A_587 : i32 to index
        %get3A_589 = arith.index_cast %add3A_586 : i32 to index
        %get3A_590 = arith.constant 0 : index
        %get3A_591 = tpu.vector_load %arg6[%get3A_588, %get3A_589, %get3A_590] {strides = array<i32>} : memref<2x208x64xf32, #tpu.memory_space<vmem>>, vector<1x1x16xf32>,
        %get3A_592 = vector.shape_cast %get3A_591 : vector<1x1x16xf32> to vector<16xf32>
        %mul3A_593 = arith.mulf %get3A_592, %gather3A_578 : vector<16xf32>
        %add3A_594 = arith.addf %add3A_538, %mul3A_593 : vector<16xf32>
        %mul3A_595 = arith.mulf %get3A_592, %gather3A_578 : vector<16xf32>
        %add3A_596 = arith.addf %mul3A_595, %gather3A_582 : vector<16xf32>
        %max3A_597 = arith.maximumf %max3A_541, %add3A_596 : vector<16xf32>
        %get3A_598 = arith.constant 0 : i32
        %get3A_599 = arith.index_cast %get3A_598 : i32 to index
        %get3A_600 = arith.index_cast %add3A_586 : i32 to index
        %get3A_601 = arith.constant 16 : index
        %get3A_602 = tpu.vector_load %arg6[%get3A_599, %get3A_600, %get3A_601] {strides = array<i32>} : memref<2x208x64xf32, #tpu.memory_space<vmem>>, vector<1x1x16xf32>,
        %get3A_603 = vector.shape_cast %get3A_602 : vector<1x1x16xf32> to vector<16xf32>
        %mul3A_604 = arith.mulf %get3A_603, %gather3A_578 : vector<16xf32>
        %add3A_605 = arith.addf %add3A_549, %mul3A_604 : vector<16xf32>
        %mul3A_606 = arith.mulf %get3A_603, %gather3A_578 : vector<16xf32>
        %add3A_607 = arith.addf %mul3A_606, %gather3A_582 : vector<16xf32>
        %max3A_608 = arith.maximumf %max3A_552, %add3A_607 : vector<16xf32>
        %get3A_609 = arith.constant 0 : i32
        %get3A_610 = arith.index_cast %get3A_609 : i32 to index
        %get3A_611 = arith.index_cast %add3A_586 : i32 to index
        %get3A_612 = arith.constant 32 : index
        %get3A_613 = tpu.vector_load %arg6[%get3A_610, %get3A_611, %get3A_612] {strides = array<i32>} : memref<2x208x64xf32, #tpu.memory_space<vmem>>, vector<1x1x16xf32>,
        %get3A_614 = vector.shape_cast %get3A_613 : vector<1x1x16xf32> to vector<16xf32>
        %mul3A_615 = arith.mulf %get3A_614, %gather3A_578 : vector<16xf32>
        %add3A_616 = arith.addf %add3A_560, %mul3A_615 : vector<16xf32>
        %mul3A_617 = arith.mulf %get3A_614, %gather3A_578 : vector<16xf32>
        %add3A_618 = arith.addf %mul3A_617, %gather3A_582 : vector<16xf32>
        %max3A_619 = arith.maximumf %max3A_563, %add3A_618 : vector<16xf32>
        %get3A_620 = arith.constant 0 : i32
        %get3A_621 = arith.index_cast %get3A_620 : i32 to index
        %get3A_622 = arith.index_cast %add3A_586 : i32 to index
        %get3A_623 = arith.constant 48 : index
        %get3A_624 = tpu.vector_load %arg6[%get3A_621, %get3A_622, %get3A_623] {strides = array<i32>} : memref<2x208x64xf32, #tpu.memory_space<vmem>>, vector<1x1x16xf32>,
        %get3A_625 = vector.shape_cast %get3A_624 : vector<1x1x16xf32> to vector<16xf32>
        %mul3A_626 = arith.mulf %get3A_625, %gather3A_578 : vector<16xf32>
        %add3A_627 = arith.addf %add3A_571, %mul3A_626 : vector<16xf32>
        %mul3A_628 = arith.mulf %get3A_625, %gather3A_578 : vector<16xf32>
        %add3A_629 = arith.addf %mul3A_628, %gather3A_582 : vector<16xf32>
        %max3A_630 = arith.maximumf %max3A_574, %add3A_629 : vector<16xf32>
        %broadcast_in_dim3A_631 = arith.constant 7 : i32
        %broadcast_in_dim3A_632 = vector.broadcast %broadcast_in_dim3A_631 : i32 to vector<16x1xi32>
        %gather3A_633 = vector.shape_cast %broadcast_in_dim3A_632 : vector<16x1xi32> to vector<16xi32>
        %gather3A_634 = tpu.dynamic_gather %select_n3A[%gather3A_633] in [0] : vector<16xf32>, vector<16xi32> -> vector<16xf32>
        %broadcast_in_dim3A_635 = arith.constant 7 : i32
        %broadcast_in_dim3A_636 = vector.broadcast %broadcast_in_dim3A_635 : i32 to vector<16x1xi32>
        %gather3A_637 = vector.shape_cast %broadcast_in_dim3A_636 : vector<16x1xi32> to vector<16xi32>
        %gather3A_638 = tpu.dynamic_gather %select_n3A_240[%gather3A_637] in [0] : vector<16xf32>, vector<16xi32> -> vector<16xf32>
        %mul3A_639 = arith.constant 16 : i32
        %mul3A_640 = arith.muli %scan3A_215, %mul3A_639 : i32
        %add3A_641 = arith.constant 7 : i32
        %add3A_642 = arith.addi %mul3A_640, %add3A_641 : i32
        %get3A_643 = arith.constant 0 : i32
        %get3A_644 = arith.index_cast %get3A_643 : i32 to index
        %get3A_645 = arith.index_cast %add3A_642 : i32 to index
        %get3A_646 = arith.constant 0 : index
        %get3A_647 = tpu.vector_load %arg6[%get3A_644, %get3A_645, %get3A_646] {strides = array<i32>} : memref<2x208x64xf32, #tpu.memory_space<vmem>>, vector<1x1x16xf32>,
        %get3A_648 = vector.shape_cast %get3A_647 : vector<1x1x16xf32> to vector<16xf32>
        %mul3A_649 = arith.mulf %get3A_648, %gather3A_634 : vector<16xf32>
        %add3A_650 = arith.addf %add3A_594, %mul3A_649 : vector<16xf32>
        %mul3A_651 = arith.mulf %get3A_648, %gather3A_634 : vector<16xf32>
        %add3A_652 = arith.addf %mul3A_651, %gather3A_638 : vector<16xf32>
        %max3A_653 = arith.maximumf %max3A_597, %add3A_652 : vector<16xf32>
        %get3A_654 = arith.constant 0 : i32
        %get3A_655 = arith.index_cast %get3A_654 : i32 to index
        %get3A_656 = arith.index_cast %add3A_642 : i32 to index
        %get3A_657 = arith.constant 16 : index
        %get3A_658 = tpu.vector_load %arg6[%get3A_655, %get3A_656, %get3A_657] {strides = array<i32>} : memref<2x208x64xf32, #tpu.memory_space<vmem>>, vector<1x1x16xf32>,
        %get3A_659 = vector.shape_cast %get3A_658 : vector<1x1x16xf32> to vector<16xf32>
        %mul3A_660 = arith.mulf %get3A_659, %gather3A_634 : vector<16xf32>
        %add3A_661 = arith.addf %add3A_605, %mul3A_660 : vector<16xf32>
        %mul3A_662 = arith.mulf %get3A_659, %gather3A_634 : vector<16xf32>
        %add3A_663 = arith.addf %mul3A_662, %gather3A_638 : vector<16xf32>
        %max3A_664 = arith.maximumf %max3A_608, %add3A_663 : vector<16xf32>
        %get3A_665 = arith.constant 0 : i32
        %get3A_666 = arith.index_cast %get3A_665 : i32 to index
        %get3A_667 = arith.index_cast %add3A_642 : i32 to index
        %get3A_668 = arith.constant 32 : index
        %get3A_669 = tpu.vector_load %arg6[%get3A_666, %get3A_667, %get3A_668] {strides = array<i32>} : memref<2x208x64xf32, #tpu.memory_space<vmem>>, vector<1x1x16xf32>,
        %get3A_670 = vector.shape_cast %get3A_669 : vector<1x1x16xf32> to vector<16xf32>
        %mul3A_671 = arith.mulf %get3A_670, %gather3A_634 : vector<16xf32>
        %add3A_672 = arith.addf %add3A_616, %mul3A_671 : vector<16xf32>
        %mul3A_673 = arith.mulf %get3A_670, %gather3A_634 : vector<16xf32>
        %add3A_674 = arith.addf %mul3A_673, %gather3A_638 : vector<16xf32>
        %max3A_675 = arith.maximumf %max3A_619, %add3A_674 : vector<16xf32>
        %get3A_676 = arith.constant 0 : i32
        %get3A_677 = arith.index_cast %get3A_676 : i32 to index
        %get3A_678 = arith.index_cast %add3A_642 : i32 to index
        %get3A_679 = arith.constant 48 : index
        %get3A_680 = tpu.vector_load %arg6[%get3A_677, %get3A_678, %get3A_679] {strides = array<i32>} : memref<2x208x64xf32, #tpu.memory_space<vmem>>, vector<1x1x16xf32>,
        %get3A_681 = vector.shape_cast %get3A_680 : vector<1x1x16xf32> to vector<16xf32>
        %mul3A_682 = arith.mulf %get3A_681, %gather3A_634 : vector<16xf32>
        %add3A_683 = arith.addf %add3A_627, %mul3A_682 : vector<16xf32>
        %mul3A_684 = arith.mulf %get3A_681, %gather3A_634 : vector<16xf32>
        %add3A_685 = arith.addf %mul3A_684, %gather3A_638 : vector<16xf32>
        %max3A_686 = arith.maximumf %max3A_630, %add3A_685 : vector<16xf32>
        %broadcast_in_dim3A_687 = arith.constant 8 : i32
        %broadcast_in_dim3A_688 = vector.broadcast %broadcast_in_dim3A_687 : i32 to vector<16x1xi32>
        %gather3A_689 = vector.shape_cast %broadcast_in_dim3A_688 : vector<16x1xi32> to vector<16xi32>
        %gather3A_690 = tpu.dynamic_gather %select_n3A[%gather3A_689] in [0] : vector<16xf32>, vector<16xi32> -> vector<16xf32>
        %broadcast_in_dim3A_691 = arith.constant 8 : i32
        %broadcast_in_dim3A_692 = vector.broadcast %broadcast_in_dim3A_691 : i32 to vector<16x1xi32>
        %gather3A_693 = vector.shape_cast %broadcast_in_dim3A_692 : vector<16x1xi32> to vector<16xi32>
        %gather3A_694 = tpu.dynamic_gather %select_n3A_240[%gather3A_693] in [0] : vector<16xf32>, vector<16xi32> -> vector<16xf32>
        %mul3A_695 = arith.constant 16 : i32
        %mul3A_696 = arith.muli %scan3A_215, %mul3A_695 : i32
        %add3A_697 = arith.constant 8 : i32
        %add3A_698 = arith.addi %mul3A_696, %add3A_697 : i32
        %get3A_699 = arith.constant 0 : i32
        %get3A_700 = arith.index_cast %get3A_699 : i32 to index
        %get3A_701 = arith.index_cast %add3A_698 : i32 to index
        %get3A_702 = arith.constant 0 : index
        %get3A_703 = tpu.vector_load %arg6[%get3A_700, %get3A_701, %get3A_702] {strides = array<i32>} : memref<2x208x64xf32, #tpu.memory_space<vmem>>, vector<1x1x16xf32>,
        %get3A_704 = vector.shape_cast %get3A_703 : vector<1x1x16xf32> to vector<16xf32>
        %mul3A_705 = arith.mulf %get3A_704, %gather3A_690 : vector<16xf32>
        %add3A_706 = arith.addf %add3A_650, %mul3A_705 : vector<16xf32>
        %mul3A_707 = arith.mulf %get3A_704, %gather3A_690 : vector<16xf32>
        %add3A_708 = arith.addf %mul3A_707, %gather3A_694 : vector<16xf32>
        %max3A_709 = arith.maximumf %max3A_653, %add3A_708 : vector<16xf32>
        %get3A_710 = arith.constant 0 : i32
        %get3A_711 = arith.index_cast %get3A_710 : i32 to index
        %get3A_712 = arith.index_cast %add3A_698 : i32 to index
        %get3A_713 = arith.constant 16 : index
        %get3A_714 = tpu.vector_load %arg6[%get3A_711, %get3A_712, %get3A_713] {strides = array<i32>} : memref<2x208x64xf32, #tpu.memory_space<vmem>>, vector<1x1x16xf32>,
        %get3A_715 = vector.shape_cast %get3A_714 : vector<1x1x16xf32> to vector<16xf32>
        %mul3A_716 = arith.mulf %get3A_715, %gather3A_690 : vector<16xf32>
        %add3A_717 = arith.addf %add3A_661, %mul3A_716 : vector<16xf32>
        %mul3A_718 = arith.mulf %get3A_715, %gather3A_690 : vector<16xf32>
        %add3A_719 = arith.addf %mul3A_718, %gather3A_694 : vector<16xf32>
        %max3A_720 = arith.maximumf %max3A_664, %add3A_719 : vector<16xf32>
        %get3A_721 = arith.constant 0 : i32
        %get3A_722 = arith.index_cast %get3A_721 : i32 to index
        %get3A_723 = arith.index_cast %add3A_698 : i32 to index
        %get3A_724 = arith.constant 32 : index
        %get3A_725 = tpu.vector_load %arg6[%get3A_722, %get3A_723, %get3A_724] {strides = array<i32>} : memref<2x208x64xf32, #tpu.memory_space<vmem>>, vector<1x1x16xf32>,
        %get3A_726 = vector.shape_cast %get3A_725 : vector<1x1x16xf32> to vector<16xf32>
        %mul3A_727 = arith.mulf %get3A_726, %gather3A_690 : vector<16xf32>
        %add3A_728 = arith.addf %add3A_672, %mul3A_727 : vector<16xf32>
        %mul3A_729 = arith.mulf %get3A_726, %gather3A_690 : vector<16xf32>
        %add3A_730 = arith.addf %mul3A_729, %gather3A_694 : vector<16xf32>
        %max3A_731 = arith.maximumf %max3A_675, %add3A_730 : vector<16xf32>
        %get3A_732 = arith.constant 0 : i32
        %get3A_733 = arith.index_cast %get3A_732 : i32 to index
        %get3A_734 = arith.index_cast %add3A_698 : i32 to index
        %get3A_735 = arith.constant 48 : index
        %get3A_736 = tpu.vector_load %arg6[%get3A_733, %get3A_734, %get3A_735] {strides = array<i32>} : memref<2x208x64xf32, #tpu.memory_space<vmem>>, vector<1x1x16xf32>,
        %get3A_737 = vector.shape_cast %get3A_736 : vector<1x1x16xf32> to vector<16xf32>
        %mul3A_738 = arith.mulf %get3A_737, %gather3A_690 : vector<16xf32>
        %add3A_739 = arith.addf %add3A_683, %mul3A_738 : vector<16xf32>
        %mul3A_740 = arith.mulf %get3A_737, %gather3A_690 : vector<16xf32>
        %add3A_741 = arith.addf %mul3A_740, %gather3A_694 : vector<16xf32>
        %max3A_742 = arith.maximumf %max3A_686, %add3A_741 : vector<16xf32>
        %broadcast_in_dim3A_743 = arith.constant 9 : i32
        %broadcast_in_dim3A_744 = vector.broadcast %broadcast_in_dim3A_743 : i32 to vector<16x1xi32>
        %gather3A_745 = vector.shape_cast %broadcast_in_dim3A_744 : vector<16x1xi32> to vector<16xi32>
        %gather3A_746 = tpu.dynamic_gather %select_n3A[%gather3A_745] in [0] : vector<16xf32>, vector<16xi32> -> vector<16xf32>
        %broadcast_in_dim3A_747 = arith.constant 9 : i32
        %broadcast_in_dim3A_748 = vector.broadcast %broadcast_in_dim3A_747 : i32 to vector<16x1xi32>
        %gather3A_749 = vector.shape_cast %broadcast_in_dim3A_748 : vector<16x1xi32> to vector<16xi32>
        %gather3A_750 = tpu.dynamic_gather %select_n3A_240[%gather3A_749] in [0] : vector<16xf32>, vector<16xi32> -> vector<16xf32>
        %mul3A_751 = arith.constant 16 : i32
        %mul3A_752 = arith.muli %scan3A_215, %mul3A_751 : i32
        %add3A_753 = arith.constant 9 : i32
        %add3A_754 = arith.addi %mul3A_752, %add3A_753 : i32
        %get3A_755 = arith.constant 0 : i32
        %get3A_756 = arith.index_cast %get3A_755 : i32 to index
        %get3A_757 = arith.index_cast %add3A_754 : i32 to index
        %get3A_758 = arith.constant 0 : index
        %get3A_759 = tpu.vector_load %arg6[%get3A_756, %get3A_757, %get3A_758] {strides = array<i32>} : memref<2x208x64xf32, #tpu.memory_space<vmem>>, vector<1x1x16xf32>,
        %get3A_760 = vector.shape_cast %get3A_759 : vector<1x1x16xf32> to vector<16xf32>
        %mul3A_761 = arith.mulf %get3A_760, %gather3A_746 : vector<16xf32>
        %add3A_762 = arith.addf %add3A_706, %mul3A_761 : vector<16xf32>
        %mul3A_763 = arith.mulf %get3A_760, %gather3A_746 : vector<16xf32>
        %add3A_764 = arith.addf %mul3A_763, %gather3A_750 : vector<16xf32>
        %max3A_765 = arith.maximumf %max3A_709, %add3A_764 : vector<16xf32>
        %get3A_766 = arith.constant 0 : i32
        %get3A_767 = arith.index_cast %get3A_766 : i32 to index
        %get3A_768 = arith.index_cast %add3A_754 : i32 to index
        %get3A_769 = arith.constant 16 : index
        %get3A_770 = tpu.vector_load %arg6[%get3A_767, %get3A_768, %get3A_769] {strides = array<i32>} : memref<2x208x64xf32, #tpu.memory_space<vmem>>, vector<1x1x16xf32>,
        %get3A_771 = vector.shape_cast %get3A_770 : vector<1x1x16xf32> to vector<16xf32>
        %mul3A_772 = arith.mulf %get3A_771, %gather3A_746 : vector<16xf32>
        %add3A_773 = arith.addf %add3A_717, %mul3A_772 : vector<16xf32>
        %mul3A_774 = arith.mulf %get3A_771, %gather3A_746 : vector<16xf32>
        %add3A_775 = arith.addf %mul3A_774, %gather3A_750 : vector<16xf32>
        %max3A_776 = arith.maximumf %max3A_720, %add3A_775 : vector<16xf32>
        %get3A_777 = arith.constant 0 : i32
        %get3A_778 = arith.index_cast %get3A_777 : i32 to index
        %get3A_779 = arith.index_cast %add3A_754 : i32 to index
        %get3A_780 = arith.constant 32 : index
        %get3A_781 = tpu.vector_load %arg6[%get3A_778, %get3A_779, %get3A_780] {strides = array<i32>} : memref<2x208x64xf32, #tpu.memory_space<vmem>>, vector<1x1x16xf32>,
        %get3A_782 = vector.shape_cast %get3A_781 : vector<1x1x16xf32> to vector<16xf32>
        %mul3A_783 = arith.mulf %get3A_782, %gather3A_746 : vector<16xf32>
        %add3A_784 = arith.addf %add3A_728, %mul3A_783 : vector<16xf32>
        %mul3A_785 = arith.mulf %get3A_782, %gather3A_746 : vector<16xf32>
        %add3A_786 = arith.addf %mul3A_785, %gather3A_750 : vector<16xf32>
        %max3A_787 = arith.maximumf %max3A_731, %add3A_786 : vector<16xf32>
        %get3A_788 = arith.constant 0 : i32
        %get3A_789 = arith.index_cast %get3A_788 : i32 to index
        %get3A_790 = arith.index_cast %add3A_754 : i32 to index
        %get3A_791 = arith.constant 48 : index
        %get3A_792 = tpu.vector_load %arg6[%get3A_789, %get3A_790, %get3A_791] {strides = array<i32>} : memref<2x208x64xf32, #tpu.memory_space<vmem>>, vector<1x1x16xf32>,
        %get3A_793 = vector.shape_cast %get3A_792 : vector<1x1x16xf32> to vector<16xf32>
        %mul3A_794 = arith.mulf %get3A_793, %gather3A_746 : vector<16xf32>
        %add3A_795 = arith.addf %add3A_739, %mul3A_794 : vector<16xf32>
        %mul3A_796 = arith.mulf %get3A_793, %gather3A_746 : vector<16xf32>
        %add3A_797 = arith.addf %mul3A_796, %gather3A_750 : vector<16xf32>
        %max3A_798 = arith.maximumf %max3A_742, %add3A_797 : vector<16xf32>
        %broadcast_in_dim3A_799 = arith.constant 10 : i32
        %broadcast_in_dim3A_800 = vector.broadcast %broadcast_in_dim3A_799 : i32 to vector<16x1xi32>
        %gather3A_801 = vector.shape_cast %broadcast_in_dim3A_800 : vector<16x1xi32> to vector<16xi32>
        %gather3A_802 = tpu.dynamic_gather %select_n3A[%gather3A_801] in [0] : vector<16xf32>, vector<16xi32> -> vector<16xf32>
        %broadcast_in_dim3A_803 = arith.constant 10 : i32
        %broadcast_in_dim3A_804 = vector.broadcast %broadcast_in_dim3A_803 : i32 to vector<16x1xi32>
        %gather3A_805 = vector.shape_cast %broadcast_in_dim3A_804 : vector<16x1xi32> to vector<16xi32>
        %gather3A_806 = tpu.dynamic_gather %select_n3A_240[%gather3A_805] in [0] : vector<16xf32>, vector<16xi32> -> vector<16xf32>
        %mul3A_807 = arith.constant 16 : i32
        %mul3A_808 = arith.muli %scan3A_215, %mul3A_807 : i32
        %add3A_809 = arith.constant 10 : i32
        %add3A_810 = arith.addi %mul3A_808, %add3A_809 : i32
        %get3A_811 = arith.constant 0 : i32
        %get3A_812 = arith.index_cast %get3A_811 : i32 to index
        %get3A_813 = arith.index_cast %add3A_810 : i32 to index
        %get3A_814 = arith.constant 0 : index
        %get3A_815 = tpu.vector_load %arg6[%get3A_812, %get3A_813, %get3A_814] {strides = array<i32>} : memref<2x208x64xf32, #tpu.memory_space<vmem>>, vector<1x1x16xf32>,
        %get3A_816 = vector.shape_cast %get3A_815 : vector<1x1x16xf32> to vector<16xf32>
        %mul3A_817 = arith.mulf %get3A_816, %gather3A_802 : vector<16xf32>
        %add3A_818 = arith.addf %add3A_762, %mul3A_817 : vector<16xf32>
        %mul3A_819 = arith.mulf %get3A_816, %gather3A_802 : vector<16xf32>
        %add3A_820 = arith.addf %mul3A_819, %gather3A_806 : vector<16xf32>
        %max3A_821 = arith.maximumf %max3A_765, %add3A_820 : vector<16xf32>
        %get3A_822 = arith.constant 0 : i32
        %get3A_823 = arith.index_cast %get3A_822 : i32 to index
        %get3A_824 = arith.index_cast %add3A_810 : i32 to index
        %get3A_825 = arith.constant 16 : index
        %get3A_826 = tpu.vector_load %arg6[%get3A_823, %get3A_824, %get3A_825] {strides = array<i32>} : memref<2x208x64xf32, #tpu.memory_space<vmem>>, vector<1x1x16xf32>,
        %get3A_827 = vector.shape_cast %get3A_826 : vector<1x1x16xf32> to vector<16xf32>
        %mul3A_828 = arith.mulf %get3A_827, %gather3A_802 : vector<16xf32>
        %add3A_829 = arith.addf %add3A_773, %mul3A_828 : vector<16xf32>
        %mul3A_830 = arith.mulf %get3A_827, %gather3A_802 : vector<16xf32>
        %add3A_831 = arith.addf %mul3A_830, %gather3A_806 : vector<16xf32>
        %max3A_832 = arith.maximumf %max3A_776, %add3A_831 : vector<16xf32>
        %get3A_833 = arith.constant 0 : i32
        %get3A_834 = arith.index_cast %get3A_833 : i32 to index
        %get3A_835 = arith.index_cast %add3A_810 : i32 to index
        %get3A_836 = arith.constant 32 : index
        %get3A_837 = tpu.vector_load %arg6[%get3A_834, %get3A_835, %get3A_836] {strides = array<i32>} : memref<2x208x64xf32, #tpu.memory_space<vmem>>, vector<1x1x16xf32>,
        %get3A_838 = vector.shape_cast %get3A_837 : vector<1x1x16xf32> to vector<16xf32>
        %mul3A_839 = arith.mulf %get3A_838, %gather3A_802 : vector<16xf32>
        %add3A_840 = arith.addf %add3A_784, %mul3A_839 : vector<16xf32>
        %mul3A_841 = arith.mulf %get3A_838, %gather3A_802 : vector<16xf32>
        %add3A_842 = arith.addf %mul3A_841, %gather3A_806 : vector<16xf32>
        %max3A_843 = arith.maximumf %max3A_787, %add3A_842 : vector<16xf32>
        %get3A_844 = arith.constant 0 : i32
        %get3A_845 = arith.index_cast %get3A_844 : i32 to index
        %get3A_846 = arith.index_cast %add3A_810 : i32 to index
        %get3A_847 = arith.constant 48 : index
        %get3A_848 = tpu.vector_load %arg6[%get3A_845, %get3A_846, %get3A_847] {strides = array<i32>} : memref<2x208x64xf32, #tpu.memory_space<vmem>>, vector<1x1x16xf32>,
        %get3A_849 = vector.shape_cast %get3A_848 : vector<1x1x16xf32> to vector<16xf32>
        %mul3A_850 = arith.mulf %get3A_849, %gather3A_802 : vector<16xf32>
        %add3A_851 = arith.addf %add3A_795, %mul3A_850 : vector<16xf32>
        %mul3A_852 = arith.mulf %get3A_849, %gather3A_802 : vector<16xf32>
        %add3A_853 = arith.addf %mul3A_852, %gather3A_806 : vector<16xf32>
        %max3A_854 = arith.maximumf %max3A_798, %add3A_853 : vector<16xf32>
        %broadcast_in_dim3A_855 = arith.constant 11 : i32
        %broadcast_in_dim3A_856 = vector.broadcast %broadcast_in_dim3A_855 : i32 to vector<16x1xi32>
        %gather3A_857 = vector.shape_cast %broadcast_in_dim3A_856 : vector<16x1xi32> to vector<16xi32>
        %gather3A_858 = tpu.dynamic_gather %select_n3A[%gather3A_857] in [0] : vector<16xf32>, vector<16xi32> -> vector<16xf32>
        %broadcast_in_dim3A_859 = arith.constant 11 : i32
        %broadcast_in_dim3A_860 = vector.broadcast %broadcast_in_dim3A_859 : i32 to vector<16x1xi32>
        %gather3A_861 = vector.shape_cast %broadcast_in_dim3A_860 : vector<16x1xi32> to vector<16xi32>
        %gather3A_862 = tpu.dynamic_gather %select_n3A_240[%gather3A_861] in [0] : vector<16xf32>, vector<16xi32> -> vector<16xf32>
        %mul3A_863 = arith.constant 16 : i32
        %mul3A_864 = arith.muli %scan3A_215, %mul3A_863 : i32
        %add3A_865 = arith.constant 11 : i32
        %add3A_866 = arith.addi %mul3A_864, %add3A_865 : i32
        %get3A_867 = arith.constant 0 : i32
        %get3A_868 = arith.index_cast %get3A_867 : i32 to index
        %get3A_869 = arith.index_cast %add3A_866 : i32 to index
        %get3A_870 = arith.constant 0 : index
        %get3A_871 = tpu.vector_load %arg6[%get3A_868, %get3A_869, %get3A_870] {strides = array<i32>} : memref<2x208x64xf32, #tpu.memory_space<vmem>>, vector<1x1x16xf32>,
        %get3A_872 = vector.shape_cast %get3A_871 : vector<1x1x16xf32> to vector<16xf32>
        %mul3A_873 = arith.mulf %get3A_872, %gather3A_858 : vector<16xf32>
        %add3A_874 = arith.addf %add3A_818, %mul3A_873 : vector<16xf32>
        %mul3A_875 = arith.mulf %get3A_872, %gather3A_858 : vector<16xf32>
        %add3A_876 = arith.addf %mul3A_875, %gather3A_862 : vector<16xf32>
        %max3A_877 = arith.maximumf %max3A_821, %add3A_876 : vector<16xf32>
        %get3A_878 = arith.constant 0 : i32
        %get3A_879 = arith.index_cast %get3A_878 : i32 to index
        %get3A_880 = arith.index_cast %add3A_866 : i32 to index
        %get3A_881 = arith.constant 16 : index
        %get3A_882 = tpu.vector_load %arg6[%get3A_879, %get3A_880, %get3A_881] {strides = array<i32>} : memref<2x208x64xf32, #tpu.memory_space<vmem>>, vector<1x1x16xf32>,
        %get3A_883 = vector.shape_cast %get3A_882 : vector<1x1x16xf32> to vector<16xf32>
        %mul3A_884 = arith.mulf %get3A_883, %gather3A_858 : vector<16xf32>
        %add3A_885 = arith.addf %add3A_829, %mul3A_884 : vector<16xf32>
        %mul3A_886 = arith.mulf %get3A_883, %gather3A_858 : vector<16xf32>
        %add3A_887 = arith.addf %mul3A_886, %gather3A_862 : vector<16xf32>
        %max3A_888 = arith.maximumf %max3A_832, %add3A_887 : vector<16xf32>
        %get3A_889 = arith.constant 0 : i32
        %get3A_890 = arith.index_cast %get3A_889 : i32 to index
        %get3A_891 = arith.index_cast %add3A_866 : i32 to index
        %get3A_892 = arith.constant 32 : index
        %get3A_893 = tpu.vector_load %arg6[%get3A_890, %get3A_891, %get3A_892] {strides = array<i32>} : memref<2x208x64xf32, #tpu.memory_space<vmem>>, vector<1x1x16xf32>,
        %get3A_894 = vector.shape_cast %get3A_893 : vector<1x1x16xf32> to vector<16xf32>
        %mul3A_895 = arith.mulf %get3A_894, %gather3A_858 : vector<16xf32>
        %add3A_896 = arith.addf %add3A_840, %mul3A_895 : vector<16xf32>
        %mul3A_897 = arith.mulf %get3A_894, %gather3A_858 : vector<16xf32>
        %add3A_898 = arith.addf %mul3A_897, %gather3A_862 : vector<16xf32>
        %max3A_899 = arith.maximumf %max3A_843, %add3A_898 : vector<16xf32>
        %get3A_900 = arith.constant 0 : i32
        %get3A_901 = arith.index_cast %get3A_900 : i32 to index
        %get3A_902 = arith.index_cast %add3A_866 : i32 to index
        %get3A_903 = arith.constant 48 : index
        %get3A_904 = tpu.vector_load %arg6[%get3A_901, %get3A_902, %get3A_903] {strides = array<i32>} : memref<2x208x64xf32, #tpu.memory_space<vmem>>, vector<1x1x16xf32>,
        %get3A_905 = vector.shape_cast %get3A_904 : vector<1x1x16xf32> to vector<16xf32>
        %mul3A_906 = arith.mulf %get3A_905, %gather3A_858 : vector<16xf32>
        %add3A_907 = arith.addf %add3A_851, %mul3A_906 : vector<16xf32>
        %mul3A_908 = arith.mulf %get3A_905, %gather3A_858 : vector<16xf32>
        %add3A_909 = arith.addf %mul3A_908, %gather3A_862 : vector<16xf32>
        %max3A_910 = arith.maximumf %max3A_854, %add3A_909 : vector<16xf32>
        %broadcast_in_dim3A_911 = arith.constant 12 : i32
        %broadcast_in_dim3A_912 = vector.broadcast %broadcast_in_dim3A_911 : i32 to vector<16x1xi32>
        %gather3A_913 = vector.shape_cast %broadcast_in_dim3A_912 : vector<16x1xi32> to vector<16xi32>
        %gather3A_914 = tpu.dynamic_gather %select_n3A[%gather3A_913] in [0] : vector<16xf32>, vector<16xi32> -> vector<16xf32>
        %broadcast_in_dim3A_915 = arith.constant 12 : i32
        %broadcast_in_dim3A_916 = vector.broadcast %broadcast_in_dim3A_915 : i32 to vector<16x1xi32>
        %gather3A_917 = vector.shape_cast %broadcast_in_dim3A_916 : vector<16x1xi32> to vector<16xi32>
        %gather3A_918 = tpu.dynamic_gather %select_n3A_240[%gather3A_917] in [0] : vector<16xf32>, vector<16xi32> -> vector<16xf32>
        %mul3A_919 = arith.constant 16 : i32
        %mul3A_920 = arith.muli %scan3A_215, %mul3A_919 : i32
        %add3A_921 = arith.constant 12 : i32
        %add3A_922 = arith.addi %mul3A_920, %add3A_921 : i32
        %get3A_923 = arith.constant 0 : i32
        %get3A_924 = arith.index_cast %get3A_923 : i32 to index
        %get3A_925 = arith.index_cast %add3A_922 : i32 to index
        %get3A_926 = arith.constant 0 : index
        %get3A_927 = tpu.vector_load %arg6[%get3A_924, %get3A_925, %get3A_926] {strides = array<i32>} : memref<2x208x64xf32, #tpu.memory_space<vmem>>, vector<1x1x16xf32>,
        %get3A_928 = vector.shape_cast %get3A_927 : vector<1x1x16xf32> to vector<16xf32>
        %mul3A_929 = arith.mulf %get3A_928, %gather3A_914 : vector<16xf32>
        %add3A_930 = arith.addf %add3A_874, %mul3A_929 : vector<16xf32>
        %mul3A_931 = arith.mulf %get3A_928, %gather3A_914 : vector<16xf32>
        %add3A_932 = arith.addf %mul3A_931, %gather3A_918 : vector<16xf32>
        %max3A_933 = arith.maximumf %max3A_877, %add3A_932 : vector<16xf32>
        %get3A_934 = arith.constant 0 : i32
        %get3A_935 = arith.index_cast %get3A_934 : i32 to index
        %get3A_936 = arith.index_cast %add3A_922 : i32 to index
        %get3A_937 = arith.constant 16 : index
        %get3A_938 = tpu.vector_load %arg6[%get3A_935, %get3A_936, %get3A_937] {strides = array<i32>} : memref<2x208x64xf32, #tpu.memory_space<vmem>>, vector<1x1x16xf32>,
        %get3A_939 = vector.shape_cast %get3A_938 : vector<1x1x16xf32> to vector<16xf32>
        %mul3A_940 = arith.mulf %get3A_939, %gather3A_914 : vector<16xf32>
        %add3A_941 = arith.addf %add3A_885, %mul3A_940 : vector<16xf32>
        %mul3A_942 = arith.mulf %get3A_939, %gather3A_914 : vector<16xf32>
        %add3A_943 = arith.addf %mul3A_942, %gather3A_918 : vector<16xf32>
        %max3A_944 = arith.maximumf %max3A_888, %add3A_943 : vector<16xf32>
        %get3A_945 = arith.constant 0 : i32
        %get3A_946 = arith.index_cast %get3A_945 : i32 to index
        %get3A_947 = arith.index_cast %add3A_922 : i32 to index
        %get3A_948 = arith.constant 32 : index
        %get3A_949 = tpu.vector_load %arg6[%get3A_946, %get3A_947, %get3A_948] {strides = array<i32>} : memref<2x208x64xf32, #tpu.memory_space<vmem>>, vector<1x1x16xf32>,
        %get3A_950 = vector.shape_cast %get3A_949 : vector<1x1x16xf32> to vector<16xf32>
        %mul3A_951 = arith.mulf %get3A_950, %gather3A_914 : vector<16xf32>
        %add3A_952 = arith.addf %add3A_896, %mul3A_951 : vector<16xf32>
        %mul3A_953 = arith.mulf %get3A_950, %gather3A_914 : vector<16xf32>
        %add3A_954 = arith.addf %mul3A_953, %gather3A_918 : vector<16xf32>
        %max3A_955 = arith.maximumf %max3A_899, %add3A_954 : vector<16xf32>
        %get3A_956 = arith.constant 0 : i32
        %get3A_957 = arith.index_cast %get3A_956 : i32 to index
        %get3A_958 = arith.index_cast %add3A_922 : i32 to index
        %get3A_959 = arith.constant 48 : index
        %get3A_960 = tpu.vector_load %arg6[%get3A_957, %get3A_958, %get3A_959] {strides = array<i32>} : memref<2x208x64xf32, #tpu.memory_space<vmem>>, vector<1x1x16xf32>,
        %get3A_961 = vector.shape_cast %get3A_960 : vector<1x1x16xf32> to vector<16xf32>
        %mul3A_962 = arith.mulf %get3A_961, %gather3A_914 : vector<16xf32>
        %add3A_963 = arith.addf %add3A_907, %mul3A_962 : vector<16xf32>
        %mul3A_964 = arith.mulf %get3A_961, %gather3A_914 : vector<16xf32>
        %add3A_965 = arith.addf %mul3A_964, %gather3A_918 : vector<16xf32>
        %max3A_966 = arith.maximumf %max3A_910, %add3A_965 : vector<16xf32>
        %broadcast_in_dim3A_967 = arith.constant 13 : i32
        %broadcast_in_dim3A_968 = vector.broadcast %broadcast_in_dim3A_967 : i32 to vector<16x1xi32>
        %gather3A_969 = vector.shape_cast %broadcast_in_dim3A_968 : vector<16x1xi32> to vector<16xi32>
        %gather3A_970 = tpu.dynamic_gather %select_n3A[%gather3A_969] in [0] : vector<16xf32>, vector<16xi32> -> vector<16xf32>
        %broadcast_in_dim3A_971 = arith.constant 13 : i32
        %broadcast_in_dim3A_972 = vector.broadcast %broadcast_in_dim3A_971 : i32 to vector<16x1xi32>
        %gather3A_973 = vector.shape_cast %broadcast_in_dim3A_972 : vector<16x1xi32> to vector<16xi32>
        %gather3A_974 = tpu.dynamic_gather %select_n3A_240[%gather3A_973] in [0] : vector<16xf32>, vector<16xi32> -> vector<16xf32>
        %mul3A_975 = arith.constant 16 : i32
        %mul3A_976 = arith.muli %scan3A_215, %mul3A_975 : i32
        %add3A_977 = arith.constant 13 : i32
        %add3A_978 = arith.addi %mul3A_976, %add3A_977 : i32
        %get3A_979 = arith.constant 0 : i32
        %get3A_980 = arith.index_cast %get3A_979 : i32 to index
        %get3A_981 = arith.index_cast %add3A_978 : i32 to index
        %get3A_982 = arith.constant 0 : index
        %get3A_983 = tpu.vector_load %arg6[%get3A_980, %get3A_981, %get3A_982] {strides = array<i32>} : memref<2x208x64xf32, #tpu.memory_space<vmem>>, vector<1x1x16xf32>,
        %get3A_984 = vector.shape_cast %get3A_983 : vector<1x1x16xf32> to vector<16xf32>
        %mul3A_985 = arith.mulf %get3A_984, %gather3A_970 : vector<16xf32>
        %add3A_986 = arith.addf %add3A_930, %mul3A_985 : vector<16xf32>
        %mul3A_987 = arith.mulf %get3A_984, %gather3A_970 : vector<16xf32>
        %add3A_988 = arith.addf %mul3A_987, %gather3A_974 : vector<16xf32>
        %max3A_989 = arith.maximumf %max3A_933, %add3A_988 : vector<16xf32>
        %get3A_990 = arith.constant 0 : i32
        %get3A_991 = arith.index_cast %get3A_990 : i32 to index
        %get3A_992 = arith.index_cast %add3A_978 : i32 to index
        %get3A_993 = arith.constant 16 : index
        %get3A_994 = tpu.vector_load %arg6[%get3A_991, %get3A_992, %get3A_993] {strides = array<i32>} : memref<2x208x64xf32, #tpu.memory_space<vmem>>, vector<1x1x16xf32>,
        %get3A_995 = vector.shape_cast %get3A_994 : vector<1x1x16xf32> to vector<16xf32>
        %mul3A_996 = arith.mulf %get3A_995, %gather3A_970 : vector<16xf32>
        %add3A_997 = arith.addf %add3A_941, %mul3A_996 : vector<16xf32>
        %mul3A_998 = arith.mulf %get3A_995, %gather3A_970 : vector<16xf32>
        %add3A_999 = arith.addf %mul3A_998, %gather3A_974 : vector<16xf32>
        %max3A_1000 = arith.maximumf %max3A_944, %add3A_999 : vector<16xf32>
        %get3A_1001 = arith.constant 0 : i32
        %get3A_1002 = arith.index_cast %get3A_1001 : i32 to index
        %get3A_1003 = arith.index_cast %add3A_978 : i32 to index
        %get3A_1004 = arith.constant 32 : index
        %get3A_1005 = tpu.vector_load %arg6[%get3A_1002, %get3A_1003, %get3A_1004] {strides = array<i32>} : memref<2x208x64xf32, #tpu.memory_space<vmem>>, vector<1x1x16xf32>,
        %get3A_1006 = vector.shape_cast %get3A_1005 : vector<1x1x16xf32> to vector<16xf32>
        %mul3A_1007 = arith.mulf %get3A_1006, %gather3A_970 : vector<16xf32>
        %add3A_1008 = arith.addf %add3A_952, %mul3A_1007 : vector<16xf32>
        %mul3A_1009 = arith.mulf %get3A_1006, %gather3A_970 : vector<16xf32>
        %add3A_1010 = arith.addf %mul3A_1009, %gather3A_974 : vector<16xf32>
        %max3A_1011 = arith.maximumf %max3A_955, %add3A_1010 : vector<16xf32>
        %get3A_1012 = arith.constant 0 : i32
        %get3A_1013 = arith.index_cast %get3A_1012 : i32 to index
        %get3A_1014 = arith.index_cast %add3A_978 : i32 to index
        %get3A_1015 = arith.constant 48 : index
        %get3A_1016 = tpu.vector_load %arg6[%get3A_1013, %get3A_1014, %get3A_1015] {strides = array<i32>} : memref<2x208x64xf32, #tpu.memory_space<vmem>>, vector<1x1x16xf32>,
        %get3A_1017 = vector.shape_cast %get3A_1016 : vector<1x1x16xf32> to vector<16xf32>
        %mul3A_1018 = arith.mulf %get3A_1017, %gather3A_970 : vector<16xf32>
        %add3A_1019 = arith.addf %add3A_963, %mul3A_1018 : vector<16xf32>
        %mul3A_1020 = arith.mulf %get3A_1017, %gather3A_970 : vector<16xf32>
        %add3A_1021 = arith.addf %mul3A_1020, %gather3A_974 : vector<16xf32>
        %max3A_1022 = arith.maximumf %max3A_966, %add3A_1021 : vector<16xf32>
        %broadcast_in_dim3A_1023 = arith.constant 14 : i32
        %broadcast_in_dim3A_1024 = vector.broadcast %broadcast_in_dim3A_1023 : i32 to vector<16x1xi32>
        %gather3A_1025 = vector.shape_cast %broadcast_in_dim3A_1024 : vector<16x1xi32> to vector<16xi32>
        %gather3A_1026 = tpu.dynamic_gather %select_n3A[%gather3A_1025] in [0] : vector<16xf32>, vector<16xi32> -> vector<16xf32>
        %broadcast_in_dim3A_1027 = arith.constant 14 : i32
        %broadcast_in_dim3A_1028 = vector.broadcast %broadcast_in_dim3A_1027 : i32 to vector<16x1xi32>
        %gather3A_1029 = vector.shape_cast %broadcast_in_dim3A_1028 : vector<16x1xi32> to vector<16xi32>
        %gather3A_1030 = tpu.dynamic_gather %select_n3A_240[%gather3A_1029] in [0] : vector<16xf32>, vector<16xi32> -> vector<16xf32>
        %mul3A_1031 = arith.constant 16 : i32
        %mul3A_1032 = arith.muli %scan3A_215, %mul3A_1031 : i32
        %add3A_1033 = arith.constant 14 : i32
        %add3A_1034 = arith.addi %mul3A_1032, %add3A_1033 : i32
        %get3A_1035 = arith.constant 0 : i32
        %get3A_1036 = arith.index_cast %get3A_1035 : i32 to index
        %get3A_1037 = arith.index_cast %add3A_1034 : i32 to index
        %get3A_1038 = arith.constant 0 : index
        %get3A_1039 = tpu.vector_load %arg6[%get3A_1036, %get3A_1037, %get3A_1038] {strides = array<i32>} : memref<2x208x64xf32, #tpu.memory_space<vmem>>, vector<1x1x16xf32>,
        %get3A_1040 = vector.shape_cast %get3A_1039 : vector<1x1x16xf32> to vector<16xf32>
        %mul3A_1041 = arith.mulf %get3A_1040, %gather3A_1026 : vector<16xf32>
        %add3A_1042 = arith.addf %add3A_986, %mul3A_1041 : vector<16xf32>
        %mul3A_1043 = arith.mulf %get3A_1040, %gather3A_1026 : vector<16xf32>
        %add3A_1044 = arith.addf %mul3A_1043, %gather3A_1030 : vector<16xf32>
        %max3A_1045 = arith.maximumf %max3A_989, %add3A_1044 : vector<16xf32>
        %get3A_1046 = arith.constant 0 : i32
        %get3A_1047 = arith.index_cast %get3A_1046 : i32 to index
        %get3A_1048 = arith.index_cast %add3A_1034 : i32 to index
        %get3A_1049 = arith.constant 16 : index
        %get3A_1050 = tpu.vector_load %arg6[%get3A_1047, %get3A_1048, %get3A_1049] {strides = array<i32>} : memref<2x208x64xf32, #tpu.memory_space<vmem>>, vector<1x1x16xf32>,
        %get3A_1051 = vector.shape_cast %get3A_1050 : vector<1x1x16xf32> to vector<16xf32>
        %mul3A_1052 = arith.mulf %get3A_1051, %gather3A_1026 : vector<16xf32>
        %add3A_1053 = arith.addf %add3A_997, %mul3A_1052 : vector<16xf32>
        %mul3A_1054 = arith.mulf %get3A_1051, %gather3A_1026 : vector<16xf32>
        %add3A_1055 = arith.addf %mul3A_1054, %gather3A_1030 : vector<16xf32>
        %max3A_1056 = arith.maximumf %max3A_1000, %add3A_1055 : vector<16xf32>
        %get3A_1057 = arith.constant 0 : i32
        %get3A_1058 = arith.index_cast %get3A_1057 : i32 to index
        %get3A_1059 = arith.index_cast %add3A_1034 : i32 to index
        %get3A_1060 = arith.constant 32 : index
        %get3A_1061 = tpu.vector_load %arg6[%get3A_1058, %get3A_1059, %get3A_1060] {strides = array<i32>} : memref<2x208x64xf32, #tpu.memory_space<vmem>>, vector<1x1x16xf32>,
        %get3A_1062 = vector.shape_cast %get3A_1061 : vector<1x1x16xf32> to vector<16xf32>
        %mul3A_1063 = arith.mulf %get3A_1062, %gather3A_1026 : vector<16xf32>
        %add3A_1064 = arith.addf %add3A_1008, %mul3A_1063 : vector<16xf32>
        %mul3A_1065 = arith.mulf %get3A_1062, %gather3A_1026 : vector<16xf32>
        %add3A_1066 = arith.addf %mul3A_1065, %gather3A_1030 : vector<16xf32>
        %max3A_1067 = arith.maximumf %max3A_1011, %add3A_1066 : vector<16xf32>
        %get3A_1068 = arith.constant 0 : i32
        %get3A_1069 = arith.index_cast %get3A_1068 : i32 to index
        %get3A_1070 = arith.index_cast %add3A_1034 : i32 to index
        %get3A_1071 = arith.constant 48 : index
        %get3A_1072 = tpu.vector_load %arg6[%get3A_1069, %get3A_1070, %get3A_1071] {strides = array<i32>} : memref<2x208x64xf32, #tpu.memory_space<vmem>>, vector<1x1x16xf32>,
        %get3A_1073 = vector.shape_cast %get3A_1072 : vector<1x1x16xf32> to vector<16xf32>
        %mul3A_1074 = arith.mulf %get3A_1073, %gather3A_1026 : vector<16xf32>
        %add3A_1075 = arith.addf %add3A_1019, %mul3A_1074 : vector<16xf32>
        %mul3A_1076 = arith.mulf %get3A_1073, %gather3A_1026 : vector<16xf32>
        %add3A_1077 = arith.addf %mul3A_1076, %gather3A_1030 : vector<16xf32>
        %max3A_1078 = arith.maximumf %max3A_1022, %add3A_1077 : vector<16xf32>
        %broadcast_in_dim3A_1079 = arith.constant 15 : i32
        %broadcast_in_dim3A_1080 = vector.broadcast %broadcast_in_dim3A_1079 : i32 to vector<16x1xi32>
        %gather3A_1081 = vector.shape_cast %broadcast_in_dim3A_1080 : vector<16x1xi32> to vector<16xi32>
        %gather3A_1082 = tpu.dynamic_gather %select_n3A[%gather3A_1081] in [0] : vector<16xf32>, vector<16xi32> -> vector<16xf32>
        %broadcast_in_dim3A_1083 = arith.constant 15 : i32
        %broadcast_in_dim3A_1084 = vector.broadcast %broadcast_in_dim3A_1083 : i32 to vector<16x1xi32>
        %gather3A_1085 = vector.shape_cast %broadcast_in_dim3A_1084 : vector<16x1xi32> to vector<16xi32>
        %gather3A_1086 = tpu.dynamic_gather %select_n3A_240[%gather3A_1085] in [0] : vector<16xf32>, vector<16xi32> -> vector<16xf32>
        %mul3A_1087 = arith.constant 16 : i32
        %mul3A_1088 = arith.muli %scan3A_215, %mul3A_1087 : i32
        %add3A_1089 = arith.constant 15 : i32
        %add3A_1090 = arith.addi %mul3A_1088, %add3A_1089 : i32
        %get3A_1091 = arith.constant 0 : i32
        %get3A_1092 = arith.index_cast %get3A_1091 : i32 to index
        %get3A_1093 = arith.index_cast %add3A_1090 : i32 to index
        %get3A_1094 = arith.constant 0 : index
        %get3A_1095 = tpu.vector_load %arg6[%get3A_1092, %get3A_1093, %get3A_1094] {strides = array<i32>} : memref<2x208x64xf32, #tpu.memory_space<vmem>>, vector<1x1x16xf32>,
        %get3A_1096 = vector.shape_cast %get3A_1095 : vector<1x1x16xf32> to vector<16xf32>
        %mul3A_1097 = arith.mulf %get3A_1096, %gather3A_1082 : vector<16xf32>
        %add3A_1098 = arith.addf %add3A_1042, %mul3A_1097 : vector<16xf32>
        %mul3A_1099 = arith.mulf %get3A_1096, %gather3A_1082 : vector<16xf32>
        %add3A_1100 = arith.addf %mul3A_1099, %gather3A_1086 : vector<16xf32>
        %max3A_1101 = arith.maximumf %max3A_1045, %add3A_1100 : vector<16xf32>
        %get3A_1102 = arith.constant 0 : i32
        %get3A_1103 = arith.index_cast %get3A_1102 : i32 to index
        %get3A_1104 = arith.index_cast %add3A_1090 : i32 to index
        %get3A_1105 = arith.constant 16 : index
        %get3A_1106 = tpu.vector_load %arg6[%get3A_1103, %get3A_1104, %get3A_1105] {strides = array<i32>} : memref<2x208x64xf32, #tpu.memory_space<vmem>>, vector<1x1x16xf32>,
        %get3A_1107 = vector.shape_cast %get3A_1106 : vector<1x1x16xf32> to vector<16xf32>
        %mul3A_1108 = arith.mulf %get3A_1107, %gather3A_1082 : vector<16xf32>
        %add3A_1109 = arith.addf %add3A_1053, %mul3A_1108 : vector<16xf32>
        %mul3A_1110 = arith.mulf %get3A_1107, %gather3A_1082 : vector<16xf32>
        %add3A_1111 = arith.addf %mul3A_1110, %gather3A_1086 : vector<16xf32>
        %max3A_1112 = arith.maximumf %max3A_1056, %add3A_1111 : vector<16xf32>
        %get3A_1113 = arith.constant 0 : i32
        %get3A_1114 = arith.index_cast %get3A_1113 : i32 to index
        %get3A_1115 = arith.index_cast %add3A_1090 : i32 to index
        %get3A_1116 = arith.constant 32 : index
        %get3A_1117 = tpu.vector_load %arg6[%get3A_1114, %get3A_1115, %get3A_1116] {strides = array<i32>} : memref<2x208x64xf32, #tpu.memory_space<vmem>>, vector<1x1x16xf32>,
        %get3A_1118 = vector.shape_cast %get3A_1117 : vector<1x1x16xf32> to vector<16xf32>
        %mul3A_1119 = arith.mulf %get3A_1118, %gather3A_1082 : vector<16xf32>
        %add3A_1120 = arith.addf %add3A_1064, %mul3A_1119 : vector<16xf32>
        %mul3A_1121 = arith.mulf %get3A_1118, %gather3A_1082 : vector<16xf32>
        %add3A_1122 = arith.addf %mul3A_1121, %gather3A_1086 : vector<16xf32>
        %max3A_1123 = arith.maximumf %max3A_1067, %add3A_1122 : vector<16xf32>
        %get3A_1124 = arith.constant 0 : i32
        %get3A_1125 = arith.index_cast %get3A_1124 : i32 to index
        %get3A_1126 = arith.index_cast %add3A_1090 : i32 to index
        %get3A_1127 = arith.constant 48 : index
        %get3A_1128 = tpu.vector_load %arg6[%get3A_1125, %get3A_1126, %get3A_1127] {strides = array<i32>} : memref<2x208x64xf32, #tpu.memory_space<vmem>>, vector<1x1x16xf32>,
        %get3A_1129 = vector.shape_cast %get3A_1128 : vector<1x1x16xf32> to vector<16xf32>
        %mul3A_1130 = arith.mulf %get3A_1129, %gather3A_1082 : vector<16xf32>
        %add3A_1131 = arith.addf %add3A_1075, %mul3A_1130 : vector<16xf32>
        %mul3A_1132 = arith.mulf %get3A_1129, %gather3A_1082 : vector<16xf32>
        %add3A_1133 = arith.addf %mul3A_1132, %gather3A_1086 : vector<16xf32>
        %max3A_1134 = arith.maximumf %max3A_1078, %add3A_1133 : vector<16xf32>
        scf.yield %add3A_1098, %add3A_1109, %add3A_1120, %add3A_1131, %max3A_1101, %max3A_1112, %max3A_1123, %max3A_1134 : vector<16xf32>, vector<16xf32>, vector<16xf32>, vector<16xf32>, vector<16xf32>, vector<16xf32>, vector<16xf32>, vector<16xf32>
      }
      %scan3A_84 = arith.constant 13 : i32
      %swap3A = arith.index_cast %add3A_40 : i32 to index
      %swap3A_85 = arith.constant 0 : index
      %swap3A_86 = tpu.vector_load %arg7[%swap3A, %swap3A_85] {strides = array<i32>} : memref<128x128xf32, #tpu.memory_space<vmem>>, vector<1x16xf32>,
      %swap3A_87 = vector.shape_cast %swap3A_86 : vector<1x16xf32> to vector<16xf32>
      %swap3A_88 = vector.shape_cast %scan3A_83#0 : vector<16xf32> to vector<1x16xf32>
      tpu.vector_store %arg7[%swap3A, %swap3A_85], %swap3A_88 {strides = array<i32>} : memref<128x128xf32, #tpu.memory_space<vmem>>, vector<1x16xf32>,
      %swap3A_89 = arith.index_cast %add3A_40 : i32 to index
      %swap3A_90 = arith.constant 64 : index
      %swap3A_91 = tpu.vector_load %arg7[%swap3A_89, %swap3A_90] {strides = array<i32>} : memref<128x128xf32, #tpu.memory_space<vmem>>, vector<1x16xf32>,
      %swap3A_92 = vector.shape_cast %swap3A_91 : vector<1x16xf32> to vector<16xf32>
      %swap3A_93 = vector.shape_cast %scan3A_83#4 : vector<16xf32> to vector<1x16xf32>
      tpu.vector_store %arg7[%swap3A_89, %swap3A_90], %swap3A_93 {strides = array<i32>} : memref<128x128xf32, #tpu.memory_space<vmem>>, vector<1x16xf32>,
      %swap3A_94 = arith.index_cast %add3A_40 : i32 to index
      %swap3A_95 = arith.constant 16 : index
      %swap3A_96 = tpu.vector_load %arg7[%swap3A_94, %swap3A_95] {strides = array<i32>} : memref<128x128xf32, #tpu.memory_space<vmem>>, vector<1x16xf32>,
      %swap3A_97 = vector.shape_cast %swap3A_96 : vector<1x16xf32> to vector<16xf32>
      %swap3A_98 = vector.shape_cast %scan3A_83#1 : vector<16xf32> to vector<1x16xf32>
      tpu.vector_store %arg7[%swap3A_94, %swap3A_95], %swap3A_98 {strides = array<i32>} : memref<128x128xf32, #tpu.memory_space<vmem>>, vector<1x16xf32>,
      %swap3A_99 = arith.index_cast %add3A_40 : i32 to index
      %swap3A_100 = arith.constant 80 : index
      %swap3A_101 = tpu.vector_load %arg7[%swap3A_99, %swap3A_100] {strides = array<i32>} : memref<128x128xf32, #tpu.memory_space<vmem>>, vector<1x16xf32>,
      %swap3A_102 = vector.shape_cast %swap3A_101 : vector<1x16xf32> to vector<16xf32>
      %swap3A_103 = vector.shape_cast %scan3A_83#5 : vector<16xf32> to vector<1x16xf32>
      tpu.vector_store %arg7[%swap3A_99, %swap3A_100], %swap3A_103 {strides = array<i32>} : memref<128x128xf32, #tpu.memory_space<vmem>>, vector<1x16xf32>,
      %swap3A_104 = arith.index_cast %add3A_40 : i32 to index
      %swap3A_105 = arith.constant 32 : index
      %swap3A_106 = tpu.vector_load %arg7[%swap3A_104, %swap3A_105] {strides = array<i32>} : memref<128x128xf32, #tpu.memory_space<vmem>>, vector<1x16xf32>,
      %swap3A_107 = vector.shape_cast %swap3A_106 : vector<1x16xf32> to vector<16xf32>
      %swap3A_108 = vector.shape_cast %scan3A_83#2 : vector<16xf32> to vector<1x16xf32>
      tpu.vector_store %arg7[%swap3A_104, %swap3A_105], %swap3A_108 {strides = array<i32>} : memref<128x128xf32, #tpu.memory_space<vmem>>, vector<1x16xf32>,
      %swap3A_109 = arith.index_cast %add3A_40 : i32 to index
      %swap3A_110 = arith.constant 96 : index
      %swap3A_111 = tpu.vector_load %arg7[%swap3A_109, %swap3A_110] {strides = array<i32>} : memref<128x128xf32, #tpu.memory_space<vmem>>, vector<1x16xf32>,
      %swap3A_112 = vector.shape_cast %swap3A_111 : vector<1x16xf32> to vector<16xf32>
      %swap3A_113 = vector.shape_cast %scan3A_83#6 : vector<16xf32> to vector<1x16xf32>
      tpu.vector_store %arg7[%swap3A_109, %swap3A_110], %swap3A_113 {strides = array<i32>} : memref<128x128xf32, #tpu.memory_space<vmem>>, vector<1x16xf32>,
      %swap3A_114 = arith.index_cast %add3A_40 : i32 to index
      %swap3A_115 = arith.constant 48 : index
      %swap3A_116 = tpu.vector_load %arg7[%swap3A_114, %swap3A_115] {strides = array<i32>} : memref<128x128xf32, #tpu.memory_space<vmem>>, vector<1x16xf32>,
      %swap3A_117 = vector.shape_cast %swap3A_116 : vector<1x16xf32> to vector<16xf32>
      %swap3A_118 = vector.shape_cast %scan3A_83#3 : vector<16xf32> to vector<1x16xf32>
      tpu.vector_store %arg7[%swap3A_114, %swap3A_115], %swap3A_118 {strides = array<i32>} : memref<128x128xf32, #tpu.memory_space<vmem>>, vector<1x16xf32>,
      %swap3A_119 = arith.index_cast %add3A_40 : i32 to index
      %swap3A_120 = arith.constant 112 : index
      %swap3A_121 = tpu.vector_load %arg7[%swap3A_119, %swap3A_120] {strides = array<i32>} : memref<128x128xf32, #tpu.memory_space<vmem>>, vector<1x16xf32>,
      %swap3A_122 = vector.shape_cast %swap3A_121 : vector<1x16xf32> to vector<16xf32>
      %swap3A_123 = vector.shape_cast %scan3A_83#7 : vector<16xf32> to vector<1x16xf32>
      tpu.vector_store %arg7[%swap3A_119, %swap3A_120], %swap3A_123 {strides = array<i32>} : memref<128x128xf32, #tpu.memory_space<vmem>>, vector<1x16xf32>,
      %add3A_124 = arith.constant 1 : i32
      %add3A_125 = arith.addi %add3A_38, %add3A_124 : i32
      %add3A_126 = arith.constant 1 : i32
      %add3A_127 = arith.addi %add3A_125, %add3A_126 : i32
      %lt3A_128 = arith.constant 128 : i32
      %lt3A_129 = arith.cmpi slt, %add3A_127, %lt3A_128 : i32
      %convert_element_type3A_130 = arith.extui %lt3A_129 : i1 to i32
      %cond3A_131 = arith.constant 0 : i32
      %cond3A_132 = arith.cmpi ne, %convert_element_type3A_130, %cond3A_131 : i32
      scf.if %cond3A_132 {
        %add3A_215 = arith.constant 1 : i32
        %add3A_216 = arith.addi %add3A_125, %add3A_215 : i32
        %mul3A_217 = arith.constant 256 : i32
        %mul3A_218 = arith.muli %add3A_216, %mul3A_217 : i32
        %add3A_219 = arith.constant 0 : i32
        %add3A_220 = arith.addi %mul3A_218, %add3A_219 : i32
        %mul3A_221 = arith.constant 256 : i32
        %mul3A_222 = arith.muli %add3A_216, %mul3A_221 : i32
        %add3A_223 = arith.constant 104 : i32
        %add3A_224 = arith.addi %mul3A_222, %add3A_223 : i32
        %dma_start3A_225 = arith.constant 0 : i32
        %dma_start3A_226 = arith.constant 0 : i32
        %dma_start3A_227 = arith.constant 0 : i32
        %dma_start3A_228 = arith.constant 0 : i32
        %dma_start3A_229 = tpu.memref_slice %arg6[%dma_start3A_225, %dma_start3A_227, %dma_start3A_228] : memref<2x208x64xf32, #tpu.memory_space<vmem>> -> memref<1x104x64xf32, #tpu.memory_space<vmem>>
        %dma_start3A_230 = tpu.memref_squeeze %dma_start3A_229 : memref<1x104x64xf32, #tpu.memory_space<vmem>> -> memref<104x64xf32, #tpu.memory_space<vmem>>
        %dma_start3A_231 = tpu.memref_slice %arg5[%add3A_220] : memref<32768xi32, #tpu.memory_space<vmem>> -> memref<104xi32, #tpu.memory_space<vmem>>
        %dma_start3A_232 = arith.constant 0 : i32
        %dma_start3A_233 = arith.constant 0 : i32
        %dma_start3A_234 = tpu.memref_slice %arg3[%dma_start3A_232, %dma_start3A_233] : memref<1000000x64xf32, #tpu.memory_space<hbm>> -> memref<1000000x64xf32, #tpu.memory_space<hbm>>
        %dma_start3A_235 = tpu.memref_slice %arg8[%dma_start3A_226] : memref<2x!tpu.dma_semaphore, #tpu.memory_space<semaphore_mem>> -> memref<1x!tpu.dma_semaphore, #tpu.memory_space<semaphore_mem>>
        %dma_start3A_236 = tpu.memref_squeeze %dma_start3A_235 : memref<1x!tpu.dma_semaphore, #tpu.memory_space<semaphore_mem>> -> memref<!tpu.dma_semaphore, #tpu.memory_space<semaphore_mem>>
        tpu.enqueue_indirect_dma source(%dma_start3A_234 : memref<1000000x64xf32, #tpu.memory_space<hbm>>) target(%dma_start3A_230 : memref<104x64xf32, #tpu.memory_space<vmem>>) offsets(%dma_start3A_231 : memref<104xi32, #tpu.memory_space<vmem>>) semaphore(%dma_start3A_236 : memref<!tpu.dma_semaphore, #tpu.memory_space<semaphore_mem>>)
        %dma_start3A_237 = arith.constant 0 : i32
        %dma_start3A_238 = arith.constant 0 : i32
        %dma_start3A_239 = arith.constant 104 : i32
        %dma_start3A_240 = arith.constant 0 : i32
        %dma_start3A_241 = tpu.memref_slice %arg6[%dma_start3A_237, %dma_start3A_239, %dma_start3A_240] : memref<2x208x64xf32, #tpu.memory_space<vmem>> -> memref<1x104x64xf32, #tpu.memory_space<vmem>>
        %dma_start3A_242 = tpu.memref_squeeze %dma_start3A_241 : memref<1x104x64xf32, #tpu.memory_space<vmem>> -> memref<104x64xf32, #tpu.memory_space<vmem>>
        %dma_start3A_243 = tpu.memref_slice %arg5[%add3A_224] : memref<32768xi32, #tpu.memory_space<vmem>> -> memref<104xi32, #tpu.memory_space<vmem>>
        %dma_start3A_244 = arith.constant 0 : i32
        %dma_start3A_245 = arith.constant 0 : i32
        %dma_start3A_246 = tpu.memref_slice %arg3[%dma_start3A_244, %dma_start3A_245] : memref<1000000x64xf32, #tpu.memory_space<hbm>> -> memref<1000000x64xf32, #tpu.memory_space<hbm>>
        %dma_start3A_247 = tpu.memref_slice %arg8[%dma_start3A_238] : memref<2x!tpu.dma_semaphore, #tpu.memory_space<semaphore_mem>> -> memref<1x!tpu.dma_semaphore, #tpu.memory_space<semaphore_mem>>
        %dma_start3A_248 = tpu.memref_squeeze %dma_start3A_247 : memref<1x!tpu.dma_semaphore, #tpu.memory_space<semaphore_mem>> -> memref<!tpu.dma_semaphore, #tpu.memory_space<semaphore_mem>>
        tpu.enqueue_indirect_dma source(%dma_start3A_246 : memref<1000000x64xf32, #tpu.memory_space<hbm>>) target(%dma_start3A_242 : memref<104x64xf32, #tpu.memory_space<vmem>>) offsets(%dma_start3A_243 : memref<104xi32, #tpu.memory_space<vmem>>) semaphore(%dma_start3A_248 : memref<!tpu.dma_semaphore, #tpu.memory_space<semaphore_mem>>)
      } else {
      }
      %mul3A_133 = arith.constant 256 : i32
      %mul3A_134 = arith.muli %add3A_125, %mul3A_133 : i32
      %add3A_135 = arith.constant 0 : i32
      %add3A_136 = arith.addi %mul3A_134, %add3A_135 : i32
      %mul3A_137 = arith.constant 256 : i32
      %mul3A_138 = arith.muli %add3A_125, %mul3A_137 : i32
      %add3A_139 = arith.constant 104 : i32
      %add3A_140 = arith.addi %mul3A_138, %add3A_139 : i32
      %dma_wait3A_141 = arith.constant 1 : i32
      %dma_wait3A_142 = arith.constant 1 : i32
      %dma_wait3A_143 = arith.constant 0 : i32
      %dma_wait3A_144 = arith.constant 0 : i32
      %dma_wait3A_145 = tpu.memref_slice %arg6[%dma_wait3A_141, %dma_wait3A_143, %dma_wait3A_144] : memref<2x208x64xf32, #tpu.memory_space<vmem>> -> memref<1x104x64xf32, #tpu.memory_space<vmem>>
      %dma_wait3A_146 = tpu.memref_squeeze %dma_wait3A_145 : memref<1x104x64xf32, #tpu.memory_space<vmem>> -> memref<104x64xf32, #tpu.memory_space<vmem>>
      %dma_wait3A_147 = tpu.memref_slice %arg5[%add3A_136] : memref<32768xi32, #tpu.memory_space<vmem>> -> memref<104xi32, #tpu.memory_space<vmem>>
      %dma_wait3A_148 = arith.constant 0 : i32
      %dma_wait3A_149 = arith.constant 0 : i32
      %dma_wait3A_150 = tpu.memref_slice %arg3[%dma_wait3A_148, %dma_wait3A_149] : memref<1000000x64xf32, #tpu.memory_space<hbm>> -> memref<1000000x64xf32, #tpu.memory_space<hbm>>
      %dma_wait3A_151 = tpu.memref_slice %arg8[%dma_wait3A_142] : memref<2x!tpu.dma_semaphore, #tpu.memory_space<semaphore_mem>> -> memref<1x!tpu.dma_semaphore, #tpu.memory_space<semaphore_mem>>
      %dma_wait3A_152 = tpu.memref_squeeze %dma_wait3A_151 : memref<1x!tpu.dma_semaphore, #tpu.memory_space<semaphore_mem>> -> memref<!tpu.dma_semaphore, #tpu.memory_space<semaphore_mem>>
      tpu.wait_indirect_dma semaphore(%dma_wait3A_152 : memref<!tpu.dma_semaphore, #tpu.memory_space<semaphore_mem>>) src(%dma_wait3A_150 : memref<1000000x64xf32, #tpu.memory_space<hbm>>) dst(%dma_wait3A_146 : memref<104x64xf32, #tpu.memory_space<vmem>>)
      %dma_wait3A_153 = arith.constant 1 : i32
      %dma_wait3A_154 = arith.constant 1 : i32
      %dma_wait3A_155 = arith.constant 104 : i32
      %dma_wait3A_156 = arith.constant 0 : i32
      %dma_wait3A_157 = tpu.memref_slice %arg6[%dma_wait3A_153, %dma_wait3A_155, %dma_wait3A_156] : memref<2x208x64xf32, #tpu.memory_space<vmem>> -> memref<1x104x64xf32, #tpu.memory_space<vmem>>
      %dma_wait3A_158 = tpu.memref_squeeze %dma_wait3A_157 : memref<1x104x64xf32, #tpu.memory_space<vmem>> -> memref<104x64xf32, #tpu.memory_space<vmem>>
      %dma_wait3A_159 = tpu.memref_slice %arg5[%add3A_140] : memref<32768xi32, #tpu.memory_space<vmem>> -> memref<104xi32, #tpu.memory_space<vmem>>
      %dma_wait3A_160 = arith.constant 0 : i32
      %dma_wait3A_161 = arith.constant 0 : i32
      %dma_wait3A_162 = tpu.memref_slice %arg3[%dma_wait3A_160, %dma_wait3A_161] : memref<1000000x64xf32, #tpu.memory_space<hbm>> -> memref<1000000x64xf32, #tpu.memory_space<hbm>>
      %dma_wait3A_163 = tpu.memref_slice %arg8[%dma_wait3A_154] : memref<2x!tpu.dma_semaphore, #tpu.memory_space<semaphore_mem>> -> memref<1x!tpu.dma_semaphore, #tpu.memory_space<semaphore_mem>>
      %dma_wait3A_164 = tpu.memref_squeeze %dma_wait3A_163 : memref<1x!tpu.dma_semaphore, #tpu.memory_space<semaphore_mem>> -> memref<!tpu.dma_semaphore, #tpu.memory_space<semaphore_mem>>
      tpu.wait_indirect_dma semaphore(%dma_wait3A_164 : memref<!tpu.dma_semaphore, #tpu.memory_space<semaphore_mem>>) src(%dma_wait3A_162 : memref<1000000x64xf32, #tpu.memory_space<hbm>>) dst(%dma_wait3A_158 : memref<104x64xf32, #tpu.memory_space<vmem>>)
      %broadcast_in_dim3A_165 = arith.constant 0.000000e+00 : f32
      %broadcast_in_dim3A_166 = vector.broadcast %broadcast_in_dim3A_165 : f32 to vector<16xf32>
      %broadcast_in_dim3A_167 = arith.constant 0xFF800000 : f32
      %broadcast_in_dim3A_168 = vector.broadcast %broadcast_in_dim3A_167 : f32 to vector<16xf32>
      %scan3A_169 = arith.constant 0 : i32
      %scan3A_170 = arith.constant 13 : i32
      %scan3A_171 = arith.addi %scan3A_169, %scan3A_170 : i32
      %scan3A_172 = arith.constant 1 : i32
      %scan3A_173:8 = scf.for %scan3A_215 = %scan3A_169 to %scan3A_171 step %scan3A_172 iter_args(%scan3A_216 = %broadcast_in_dim3A_166, %scan3A_217 = %broadcast_in_dim3A_166, %scan3A_218 = %broadcast_in_dim3A_166, %scan3A_219 = %broadcast_in_dim3A_166, %scan3A_220 = %broadcast_in_dim3A_168, %scan3A_221 = %broadcast_in_dim3A_168, %scan3A_222 = %broadcast_in_dim3A_168, %scan3A_223 = %broadcast_in_dim3A_168) -> (vector<16xf32>, vector<16xf32>, vector<16xf32>, vector<16xf32>, vector<16xf32>, vector<16xf32>, vector<16xf32>, vector<16xf32>)  : i32 {
        %mul3A_224 = arith.constant 256 : i32
        %mul3A_225 = arith.muli %add3A_125, %mul3A_224 : i32
        %mul3A_226 = arith.constant 16 : i32
        %mul3A_227 = arith.muli %scan3A_215, %mul3A_226 : i32
        %add3A_228 = arith.addi %mul3A_225, %mul3A_227 : i32
        %get3A = arith.index_cast %add3A_228 : i32 to index
        %get3A_229 = tpu.vector_load %arg5[%get3A] {strides = array<i32>} : memref<32768xi32, #tpu.memory_space<vmem>>, vector<16xi32>,
        %get3A_230 = vector.shape_cast %get3A_229 : vector<16xi32> to vector<16xi32>
        %ne3A = arith.constant 0 : i32
        %ne3A_231 = vector.broadcast %ne3A : i32 to vector<16xi32>
        %ne3A_232 = arith.cmpi ne, %get3A_230, %ne3A_231 : vector<16xi32>
        %jit3A = arith.constant 1.000000e+00 : f32
        %jit3A_233 = arith.constant 0.000000e+00 : f32
        %broadcast_in_dim3A_234 = vector.broadcast %jit3A : f32 to vector<16xf32>
        %broadcast_in_dim3A_235 = vector.broadcast %jit3A_233 : f32 to vector<16xf32>
        %select_n3A = arith.select %ne3A_232, %broadcast_in_dim3A_234, %broadcast_in_dim3A_235 : vector<16xi1>, vector<16xf32>
        %jit3A_236 = arith.constant 0.000000e+00 : f32
        %jit3A_237 = arith.constant 0xFF800000 : f32
        %broadcast_in_dim3A_238 = vector.broadcast %jit3A_236 : f32 to vector<16xf32>
        %broadcast_in_dim3A_239 = vector.broadcast %jit3A_237 : f32 to vector<16xf32>
        %select_n3A_240 = arith.select %ne3A_232, %broadcast_in_dim3A_238, %broadcast_in_dim3A_239 : vector<16xi1>, vector<16xf32>
        %broadcast_in_dim3A_241 = arith.constant 0 : i32
        %broadcast_in_dim3A_242 = vector.broadcast %broadcast_in_dim3A_241 : i32 to vector<16x1xi32>
        %gather3A = vector.shape_cast %broadcast_in_dim3A_242 : vector<16x1xi32> to vector<16xi32>
        %gather3A_243 = tpu.dynamic_gather %select_n3A[%gather3A] in [0] : vector<16xf32>, vector<16xi32> -> vector<16xf32>
        %broadcast_in_dim3A_244 = arith.constant 0 : i32
        %broadcast_in_dim3A_245 = vector.broadcast %broadcast_in_dim3A_244 : i32 to vector<16x1xi32>
        %gather3A_246 = vector.shape_cast %broadcast_in_dim3A_245 : vector<16x1xi32> to vector<16xi32>
        %gather3A_247 = tpu.dynamic_gather %select_n3A_240[%gather3A_246] in [0] : vector<16xf32>, vector<16xi32> -> vector<16xf32>
        %mul3A_248 = arith.constant 16 : i32
        %mul3A_249 = arith.muli %scan3A_215, %mul3A_248 : i32
        %add3A_250 = arith.constant 0 : i32
        %add3A_251 = arith.addi %mul3A_249, %add3A_250 : i32
        %get3A_252 = arith.constant 1 : i32
        %get3A_253 = arith.index_cast %get3A_252 : i32 to index
        %get3A_254 = arith.index_cast %add3A_251 : i32 to index
        %get3A_255 = arith.constant 0 : index
        %get3A_256 = tpu.vector_load %arg6[%get3A_253, %get3A_254, %get3A_255] {strides = array<i32>} : memref<2x208x64xf32, #tpu.memory_space<vmem>>, vector<1x1x16xf32>,
        %get3A_257 = vector.shape_cast %get3A_256 : vector<1x1x16xf32> to vector<16xf32>
        %mul3A_258 = arith.mulf %get3A_257, %gather3A_243 : vector<16xf32>
        %add3A_259 = arith.addf %scan3A_216, %mul3A_258 : vector<16xf32>
        %mul3A_260 = arith.mulf %get3A_257, %gather3A_243 : vector<16xf32>
        %add3A_261 = arith.addf %mul3A_260, %gather3A_247 : vector<16xf32>
        %max3A = arith.maximumf %scan3A_220, %add3A_261 : vector<16xf32>
        %get3A_262 = arith.constant 1 : i32
        %get3A_263 = arith.index_cast %get3A_262 : i32 to index
        %get3A_264 = arith.index_cast %add3A_251 : i32 to index
        %get3A_265 = arith.constant 16 : index
        %get3A_266 = tpu.vector_load %arg6[%get3A_263, %get3A_264, %get3A_265] {strides = array<i32>} : memref<2x208x64xf32, #tpu.memory_space<vmem>>, vector<1x1x16xf32>,
        %get3A_267 = vector.shape_cast %get3A_266 : vector<1x1x16xf32> to vector<16xf32>
        %mul3A_268 = arith.mulf %get3A_267, %gather3A_243 : vector<16xf32>
        %add3A_269 = arith.addf %scan3A_217, %mul3A_268 : vector<16xf32>
        %mul3A_270 = arith.mulf %get3A_267, %gather3A_243 : vector<16xf32>
        %add3A_271 = arith.addf %mul3A_270, %gather3A_247 : vector<16xf32>
        %max3A_272 = arith.maximumf %scan3A_221, %add3A_271 : vector<16xf32>
        %get3A_273 = arith.constant 1 : i32
        %get3A_274 = arith.index_cast %get3A_273 : i32 to index
        %get3A_275 = arith.index_cast %add3A_251 : i32 to index
        %get3A_276 = arith.constant 32 : index
        %get3A_277 = tpu.vector_load %arg6[%get3A_274, %get3A_275, %get3A_276] {strides = array<i32>} : memref<2x208x64xf32, #tpu.memory_space<vmem>>, vector<1x1x16xf32>,
        %get3A_278 = vector.shape_cast %get3A_277 : vector<1x1x16xf32> to vector<16xf32>
        %mul3A_279 = arith.mulf %get3A_278, %gather3A_243 : vector<16xf32>
        %add3A_280 = arith.addf %scan3A_218, %mul3A_279 : vector<16xf32>
        %mul3A_281 = arith.mulf %get3A_278, %gather3A_243 : vector<16xf32>
        %add3A_282 = arith.addf %mul3A_281, %gather3A_247 : vector<16xf32>
        %max3A_283 = arith.maximumf %scan3A_222, %add3A_282 : vector<16xf32>
        %get3A_284 = arith.constant 1 : i32
        %get3A_285 = arith.index_cast %get3A_284 : i32 to index
        %get3A_286 = arith.index_cast %add3A_251 : i32 to index
        %get3A_287 = arith.constant 48 : index
        %get3A_288 = tpu.vector_load %arg6[%get3A_285, %get3A_286, %get3A_287] {strides = array<i32>} : memref<2x208x64xf32, #tpu.memory_space<vmem>>, vector<1x1x16xf32>,
        %get3A_289 = vector.shape_cast %get3A_288 : vector<1x1x16xf32> to vector<16xf32>
        %mul3A_290 = arith.mulf %get3A_289, %gather3A_243 : vector<16xf32>
        %add3A_291 = arith.addf %scan3A_219, %mul3A_290 : vector<16xf32>
        %mul3A_292 = arith.mulf %get3A_289, %gather3A_243 : vector<16xf32>
        %add3A_293 = arith.addf %mul3A_292, %gather3A_247 : vector<16xf32>
        %max3A_294 = arith.maximumf %scan3A_223, %add3A_293 : vector<16xf32>
        %broadcast_in_dim3A_295 = arith.constant 1 : i32
        %broadcast_in_dim3A_296 = vector.broadcast %broadcast_in_dim3A_295 : i32 to vector<16x1xi32>
        %gather3A_297 = vector.shape_cast %broadcast_in_dim3A_296 : vector<16x1xi32> to vector<16xi32>
        %gather3A_298 = tpu.dynamic_gather %select_n3A[%gather3A_297] in [0] : vector<16xf32>, vector<16xi32> -> vector<16xf32>
        %broadcast_in_dim3A_299 = arith.constant 1 : i32
        %broadcast_in_dim3A_300 = vector.broadcast %broadcast_in_dim3A_299 : i32 to vector<16x1xi32>
        %gather3A_301 = vector.shape_cast %broadcast_in_dim3A_300 : vector<16x1xi32> to vector<16xi32>
        %gather3A_302 = tpu.dynamic_gather %select_n3A_240[%gather3A_301] in [0] : vector<16xf32>, vector<16xi32> -> vector<16xf32>
        %mul3A_303 = arith.constant 16 : i32
        %mul3A_304 = arith.muli %scan3A_215, %mul3A_303 : i32
        %add3A_305 = arith.constant 1 : i32
        %add3A_306 = arith.addi %mul3A_304, %add3A_305 : i32
        %get3A_307 = arith.constant 1 : i32
        %get3A_308 = arith.index_cast %get3A_307 : i32 to index
        %get3A_309 = arith.index_cast %add3A_306 : i32 to index
        %get3A_310 = arith.constant 0 : index
        %get3A_311 = tpu.vector_load %arg6[%get3A_308, %get3A_309, %get3A_310] {strides = array<i32>} : memref<2x208x64xf32, #tpu.memory_space<vmem>>, vector<1x1x16xf32>,
        %get3A_312 = vector.shape_cast %get3A_311 : vector<1x1x16xf32> to vector<16xf32>
        %mul3A_313 = arith.mulf %get3A_312, %gather3A_298 : vector<16xf32>
        %add3A_314 = arith.addf %add3A_259, %mul3A_313 : vector<16xf32>
        %mul3A_315 = arith.mulf %get3A_312, %gather3A_298 : vector<16xf32>
        %add3A_316 = arith.addf %mul3A_315, %gather3A_302 : vector<16xf32>
        %max3A_317 = arith.maximumf %max3A, %add3A_316 : vector<16xf32>
        %get3A_318 = arith.constant 1 : i32
        %get3A_319 = arith.index_cast %get3A_318 : i32 to index
        %get3A_320 = arith.index_cast %add3A_306 : i32 to index
        %get3A_321 = arith.constant 16 : index
        %get3A_322 = tpu.vector_load %arg6[%get3A_319, %get3A_320, %get3A_321] {strides = array<i32>} : memref<2x208x64xf32, #tpu.memory_space<vmem>>, vector<1x1x16xf32>,
        %get3A_323 = vector.shape_cast %get3A_322 : vector<1x1x16xf32> to vector<16xf32>
        %mul3A_324 = arith.mulf %get3A_323, %gather3A_298 : vector<16xf32>
        %add3A_325 = arith.addf %add3A_269, %mul3A_324 : vector<16xf32>
        %mul3A_326 = arith.mulf %get3A_323, %gather3A_298 : vector<16xf32>
        %add3A_327 = arith.addf %mul3A_326, %gather3A_302 : vector<16xf32>
        %max3A_328 = arith.maximumf %max3A_272, %add3A_327 : vector<16xf32>
        %get3A_329 = arith.constant 1 : i32
        %get3A_330 = arith.index_cast %get3A_329 : i32 to index
        %get3A_331 = arith.index_cast %add3A_306 : i32 to index
        %get3A_332 = arith.constant 32 : index
        %get3A_333 = tpu.vector_load %arg6[%get3A_330, %get3A_331, %get3A_332] {strides = array<i32>} : memref<2x208x64xf32, #tpu.memory_space<vmem>>, vector<1x1x16xf32>,
        %get3A_334 = vector.shape_cast %get3A_333 : vector<1x1x16xf32> to vector<16xf32>
        %mul3A_335 = arith.mulf %get3A_334, %gather3A_298 : vector<16xf32>
        %add3A_336 = arith.addf %add3A_280, %mul3A_335 : vector<16xf32>
        %mul3A_337 = arith.mulf %get3A_334, %gather3A_298 : vector<16xf32>
        %add3A_338 = arith.addf %mul3A_337, %gather3A_302 : vector<16xf32>
        %max3A_339 = arith.maximumf %max3A_283, %add3A_338 : vector<16xf32>
        %get3A_340 = arith.constant 1 : i32
        %get3A_341 = arith.index_cast %get3A_340 : i32 to index
        %get3A_342 = arith.index_cast %add3A_306 : i32 to index
        %get3A_343 = arith.constant 48 : index
        %get3A_344 = tpu.vector_load %arg6[%get3A_341, %get3A_342, %get3A_343] {strides = array<i32>} : memref<2x208x64xf32, #tpu.memory_space<vmem>>, vector<1x1x16xf32>,
        %get3A_345 = vector.shape_cast %get3A_344 : vector<1x1x16xf32> to vector<16xf32>
        %mul3A_346 = arith.mulf %get3A_345, %gather3A_298 : vector<16xf32>
        %add3A_347 = arith.addf %add3A_291, %mul3A_346 : vector<16xf32>
        %mul3A_348 = arith.mulf %get3A_345, %gather3A_298 : vector<16xf32>
        %add3A_349 = arith.addf %mul3A_348, %gather3A_302 : vector<16xf32>
        %max3A_350 = arith.maximumf %max3A_294, %add3A_349 : vector<16xf32>
        %broadcast_in_dim3A_351 = arith.constant 2 : i32
        %broadcast_in_dim3A_352 = vector.broadcast %broadcast_in_dim3A_351 : i32 to vector<16x1xi32>
        %gather3A_353 = vector.shape_cast %broadcast_in_dim3A_352 : vector<16x1xi32> to vector<16xi32>
        %gather3A_354 = tpu.dynamic_gather %select_n3A[%gather3A_353] in [0] : vector<16xf32>, vector<16xi32> -> vector<16xf32>
        %broadcast_in_dim3A_355 = arith.constant 2 : i32
        %broadcast_in_dim3A_356 = vector.broadcast %broadcast_in_dim3A_355 : i32 to vector<16x1xi32>
        %gather3A_357 = vector.shape_cast %broadcast_in_dim3A_356 : vector<16x1xi32> to vector<16xi32>
        %gather3A_358 = tpu.dynamic_gather %select_n3A_240[%gather3A_357] in [0] : vector<16xf32>, vector<16xi32> -> vector<16xf32>
        %mul3A_359 = arith.constant 16 : i32
        %mul3A_360 = arith.muli %scan3A_215, %mul3A_359 : i32
        %add3A_361 = arith.constant 2 : i32
        %add3A_362 = arith.addi %mul3A_360, %add3A_361 : i32
        %get3A_363 = arith.constant 1 : i32
        %get3A_364 = arith.index_cast %get3A_363 : i32 to index
        %get3A_365 = arith.index_cast %add3A_362 : i32 to index
        %get3A_366 = arith.constant 0 : index
        %get3A_367 = tpu.vector_load %arg6[%get3A_364, %get3A_365, %get3A_366] {strides = array<i32>} : memref<2x208x64xf32, #tpu.memory_space<vmem>>, vector<1x1x16xf32>,
        %get3A_368 = vector.shape_cast %get3A_367 : vector<1x1x16xf32> to vector<16xf32>
        %mul3A_369 = arith.mulf %get3A_368, %gather3A_354 : vector<16xf32>
        %add3A_370 = arith.addf %add3A_314, %mul3A_369 : vector<16xf32>
        %mul3A_371 = arith.mulf %get3A_368, %gather3A_354 : vector<16xf32>
        %add3A_372 = arith.addf %mul3A_371, %gather3A_358 : vector<16xf32>
        %max3A_373 = arith.maximumf %max3A_317, %add3A_372 : vector<16xf32>
        %get3A_374 = arith.constant 1 : i32
        %get3A_375 = arith.index_cast %get3A_374 : i32 to index
        %get3A_376 = arith.index_cast %add3A_362 : i32 to index
        %get3A_377 = arith.constant 16 : index
        %get3A_378 = tpu.vector_load %arg6[%get3A_375, %get3A_376, %get3A_377] {strides = array<i32>} : memref<2x208x64xf32, #tpu.memory_space<vmem>>, vector<1x1x16xf32>,
        %get3A_379 = vector.shape_cast %get3A_378 : vector<1x1x16xf32> to vector<16xf32>
        %mul3A_380 = arith.mulf %get3A_379, %gather3A_354 : vector<16xf32>
        %add3A_381 = arith.addf %add3A_325, %mul3A_380 : vector<16xf32>
        %mul3A_382 = arith.mulf %get3A_379, %gather3A_354 : vector<16xf32>
        %add3A_383 = arith.addf %mul3A_382, %gather3A_358 : vector<16xf32>
        %max3A_384 = arith.maximumf %max3A_328, %add3A_383 : vector<16xf32>
        %get3A_385 = arith.constant 1 : i32
        %get3A_386 = arith.index_cast %get3A_385 : i32 to index
        %get3A_387 = arith.index_cast %add3A_362 : i32 to index
        %get3A_388 = arith.constant 32 : index
        %get3A_389 = tpu.vector_load %arg6[%get3A_386, %get3A_387, %get3A_388] {strides = array<i32>} : memref<2x208x64xf32, #tpu.memory_space<vmem>>, vector<1x1x16xf32>,
        %get3A_390 = vector.shape_cast %get3A_389 : vector<1x1x16xf32> to vector<16xf32>
        %mul3A_391 = arith.mulf %get3A_390, %gather3A_354 : vector<16xf32>
        %add3A_392 = arith.addf %add3A_336, %mul3A_391 : vector<16xf32>
        %mul3A_393 = arith.mulf %get3A_390, %gather3A_354 : vector<16xf32>
        %add3A_394 = arith.addf %mul3A_393, %gather3A_358 : vector<16xf32>
        %max3A_395 = arith.maximumf %max3A_339, %add3A_394 : vector<16xf32>
        %get3A_396 = arith.constant 1 : i32
        %get3A_397 = arith.index_cast %get3A_396 : i32 to index
        %get3A_398 = arith.index_cast %add3A_362 : i32 to index
        %get3A_399 = arith.constant 48 : index
        %get3A_400 = tpu.vector_load %arg6[%get3A_397, %get3A_398, %get3A_399] {strides = array<i32>} : memref<2x208x64xf32, #tpu.memory_space<vmem>>, vector<1x1x16xf32>,
        %get3A_401 = vector.shape_cast %get3A_400 : vector<1x1x16xf32> to vector<16xf32>
        %mul3A_402 = arith.mulf %get3A_401, %gather3A_354 : vector<16xf32>
        %add3A_403 = arith.addf %add3A_347, %mul3A_402 : vector<16xf32>
        %mul3A_404 = arith.mulf %get3A_401, %gather3A_354 : vector<16xf32>
        %add3A_405 = arith.addf %mul3A_404, %gather3A_358 : vector<16xf32>
        %max3A_406 = arith.maximumf %max3A_350, %add3A_405 : vector<16xf32>
        %broadcast_in_dim3A_407 = arith.constant 3 : i32
        %broadcast_in_dim3A_408 = vector.broadcast %broadcast_in_dim3A_407 : i32 to vector<16x1xi32>
        %gather3A_409 = vector.shape_cast %broadcast_in_dim3A_408 : vector<16x1xi32> to vector<16xi32>
        %gather3A_410 = tpu.dynamic_gather %select_n3A[%gather3A_409] in [0] : vector<16xf32>, vector<16xi32> -> vector<16xf32>
        %broadcast_in_dim3A_411 = arith.constant 3 : i32
        %broadcast_in_dim3A_412 = vector.broadcast %broadcast_in_dim3A_411 : i32 to vector<16x1xi32>
        %gather3A_413 = vector.shape_cast %broadcast_in_dim3A_412 : vector<16x1xi32> to vector<16xi32>
        %gather3A_414 = tpu.dynamic_gather %select_n3A_240[%gather3A_413] in [0] : vector<16xf32>, vector<16xi32> -> vector<16xf32>
        %mul3A_415 = arith.constant 16 : i32
        %mul3A_416 = arith.muli %scan3A_215, %mul3A_415 : i32
        %add3A_417 = arith.constant 3 : i32
        %add3A_418 = arith.addi %mul3A_416, %add3A_417 : i32
        %get3A_419 = arith.constant 1 : i32
        %get3A_420 = arith.index_cast %get3A_419 : i32 to index
        %get3A_421 = arith.index_cast %add3A_418 : i32 to index
        %get3A_422 = arith.constant 0 : index
        %get3A_423 = tpu.vector_load %arg6[%get3A_420, %get3A_421, %get3A_422] {strides = array<i32>} : memref<2x208x64xf32, #tpu.memory_space<vmem>>, vector<1x1x16xf32>,
        %get3A_424 = vector.shape_cast %get3A_423 : vector<1x1x16xf32> to vector<16xf32>
        %mul3A_425 = arith.mulf %get3A_424, %gather3A_410 : vector<16xf32>
        %add3A_426 = arith.addf %add3A_370, %mul3A_425 : vector<16xf32>
        %mul3A_427 = arith.mulf %get3A_424, %gather3A_410 : vector<16xf32>
        %add3A_428 = arith.addf %mul3A_427, %gather3A_414 : vector<16xf32>
        %max3A_429 = arith.maximumf %max3A_373, %add3A_428 : vector<16xf32>
        %get3A_430 = arith.constant 1 : i32
        %get3A_431 = arith.index_cast %get3A_430 : i32 to index
        %get3A_432 = arith.index_cast %add3A_418 : i32 to index
        %get3A_433 = arith.constant 16 : index
        %get3A_434 = tpu.vector_load %arg6[%get3A_431, %get3A_432, %get3A_433] {strides = array<i32>} : memref<2x208x64xf32, #tpu.memory_space<vmem>>, vector<1x1x16xf32>,
        %get3A_435 = vector.shape_cast %get3A_434 : vector<1x1x16xf32> to vector<16xf32>
        %mul3A_436 = arith.mulf %get3A_435, %gather3A_410 : vector<16xf32>
        %add3A_437 = arith.addf %add3A_381, %mul3A_436 : vector<16xf32>
        %mul3A_438 = arith.mulf %get3A_435, %gather3A_410 : vector<16xf32>
        %add3A_439 = arith.addf %mul3A_438, %gather3A_414 : vector<16xf32>
        %max3A_440 = arith.maximumf %max3A_384, %add3A_439 : vector<16xf32>
        %get3A_441 = arith.constant 1 : i32
        %get3A_442 = arith.index_cast %get3A_441 : i32 to index
        %get3A_443 = arith.index_cast %add3A_418 : i32 to index
        %get3A_444 = arith.constant 32 : index
        %get3A_445 = tpu.vector_load %arg6[%get3A_442, %get3A_443, %get3A_444] {strides = array<i32>} : memref<2x208x64xf32, #tpu.memory_space<vmem>>, vector<1x1x16xf32>,
        %get3A_446 = vector.shape_cast %get3A_445 : vector<1x1x16xf32> to vector<16xf32>
        %mul3A_447 = arith.mulf %get3A_446, %gather3A_410 : vector<16xf32>
        %add3A_448 = arith.addf %add3A_392, %mul3A_447 : vector<16xf32>
        %mul3A_449 = arith.mulf %get3A_446, %gather3A_410 : vector<16xf32>
        %add3A_450 = arith.addf %mul3A_449, %gather3A_414 : vector<16xf32>
        %max3A_451 = arith.maximumf %max3A_395, %add3A_450 : vector<16xf32>
        %get3A_452 = arith.constant 1 : i32
        %get3A_453 = arith.index_cast %get3A_452 : i32 to index
        %get3A_454 = arith.index_cast %add3A_418 : i32 to index
        %get3A_455 = arith.constant 48 : index
        %get3A_456 = tpu.vector_load %arg6[%get3A_453, %get3A_454, %get3A_455] {strides = array<i32>} : memref<2x208x64xf32, #tpu.memory_space<vmem>>, vector<1x1x16xf32>,
        %get3A_457 = vector.shape_cast %get3A_456 : vector<1x1x16xf32> to vector<16xf32>
        %mul3A_458 = arith.mulf %get3A_457, %gather3A_410 : vector<16xf32>
        %add3A_459 = arith.addf %add3A_403, %mul3A_458 : vector<16xf32>
        %mul3A_460 = arith.mulf %get3A_457, %gather3A_410 : vector<16xf32>
        %add3A_461 = arith.addf %mul3A_460, %gather3A_414 : vector<16xf32>
        %max3A_462 = arith.maximumf %max3A_406, %add3A_461 : vector<16xf32>
        %broadcast_in_dim3A_463 = arith.constant 4 : i32
        %broadcast_in_dim3A_464 = vector.broadcast %broadcast_in_dim3A_463 : i32 to vector<16x1xi32>
        %gather3A_465 = vector.shape_cast %broadcast_in_dim3A_464 : vector<16x1xi32> to vector<16xi32>
        %gather3A_466 = tpu.dynamic_gather %select_n3A[%gather3A_465] in [0] : vector<16xf32>, vector<16xi32> -> vector<16xf32>
        %broadcast_in_dim3A_467 = arith.constant 4 : i32
        %broadcast_in_dim3A_468 = vector.broadcast %broadcast_in_dim3A_467 : i32 to vector<16x1xi32>
        %gather3A_469 = vector.shape_cast %broadcast_in_dim3A_468 : vector<16x1xi32> to vector<16xi32>
        %gather3A_470 = tpu.dynamic_gather %select_n3A_240[%gather3A_469] in [0] : vector<16xf32>, vector<16xi32> -> vector<16xf32>
        %mul3A_471 = arith.constant 16 : i32
        %mul3A_472 = arith.muli %scan3A_215, %mul3A_471 : i32
        %add3A_473 = arith.constant 4 : i32
        %add3A_474 = arith.addi %mul3A_472, %add3A_473 : i32
        %get3A_475 = arith.constant 1 : i32
        %get3A_476 = arith.index_cast %get3A_475 : i32 to index
        %get3A_477 = arith.index_cast %add3A_474 : i32 to index
        %get3A_478 = arith.constant 0 : index
        %get3A_479 = tpu.vector_load %arg6[%get3A_476, %get3A_477, %get3A_478] {strides = array<i32>} : memref<2x208x64xf32, #tpu.memory_space<vmem>>, vector<1x1x16xf32>,
        %get3A_480 = vector.shape_cast %get3A_479 : vector<1x1x16xf32> to vector<16xf32>
        %mul3A_481 = arith.mulf %get3A_480, %gather3A_466 : vector<16xf32>
        %add3A_482 = arith.addf %add3A_426, %mul3A_481 : vector<16xf32>
        %mul3A_483 = arith.mulf %get3A_480, %gather3A_466 : vector<16xf32>
        %add3A_484 = arith.addf %mul3A_483, %gather3A_470 : vector<16xf32>
        %max3A_485 = arith.maximumf %max3A_429, %add3A_484 : vector<16xf32>
        %get3A_486 = arith.constant 1 : i32
        %get3A_487 = arith.index_cast %get3A_486 : i32 to index
        %get3A_488 = arith.index_cast %add3A_474 : i32 to index
        %get3A_489 = arith.constant 16 : index
        %get3A_490 = tpu.vector_load %arg6[%get3A_487, %get3A_488, %get3A_489] {strides = array<i32>} : memref<2x208x64xf32, #tpu.memory_space<vmem>>, vector<1x1x16xf32>,
        %get3A_491 = vector.shape_cast %get3A_490 : vector<1x1x16xf32> to vector<16xf32>
        %mul3A_492 = arith.mulf %get3A_491, %gather3A_466 : vector<16xf32>
        %add3A_493 = arith.addf %add3A_437, %mul3A_492 : vector<16xf32>
        %mul3A_494 = arith.mulf %get3A_491, %gather3A_466 : vector<16xf32>
        %add3A_495 = arith.addf %mul3A_494, %gather3A_470 : vector<16xf32>
        %max3A_496 = arith.maximumf %max3A_440, %add3A_495 : vector<16xf32>
        %get3A_497 = arith.constant 1 : i32
        %get3A_498 = arith.index_cast %get3A_497 : i32 to index
        %get3A_499 = arith.index_cast %add3A_474 : i32 to index
        %get3A_500 = arith.constant 32 : index
        %get3A_501 = tpu.vector_load %arg6[%get3A_498, %get3A_499, %get3A_500] {strides = array<i32>} : memref<2x208x64xf32, #tpu.memory_space<vmem>>, vector<1x1x16xf32>,
        %get3A_502 = vector.shape_cast %get3A_501 : vector<1x1x16xf32> to vector<16xf32>
        %mul3A_503 = arith.mulf %get3A_502, %gather3A_466 : vector<16xf32>
        %add3A_504 = arith.addf %add3A_448, %mul3A_503 : vector<16xf32>
        %mul3A_505 = arith.mulf %get3A_502, %gather3A_466 : vector<16xf32>
        %add3A_506 = arith.addf %mul3A_505, %gather3A_470 : vector<16xf32>
        %max3A_507 = arith.maximumf %max3A_451, %add3A_506 : vector<16xf32>
        %get3A_508 = arith.constant 1 : i32
        %get3A_509 = arith.index_cast %get3A_508 : i32 to index
        %get3A_510 = arith.index_cast %add3A_474 : i32 to index
        %get3A_511 = arith.constant 48 : index
        %get3A_512 = tpu.vector_load %arg6[%get3A_509, %get3A_510, %get3A_511] {strides = array<i32>} : memref<2x208x64xf32, #tpu.memory_space<vmem>>, vector<1x1x16xf32>,
        %get3A_513 = vector.shape_cast %get3A_512 : vector<1x1x16xf32> to vector<16xf32>
        %mul3A_514 = arith.mulf %get3A_513, %gather3A_466 : vector<16xf32>
        %add3A_515 = arith.addf %add3A_459, %mul3A_514 : vector<16xf32>
        %mul3A_516 = arith.mulf %get3A_513, %gather3A_466 : vector<16xf32>
        %add3A_517 = arith.addf %mul3A_516, %gather3A_470 : vector<16xf32>
        %max3A_518 = arith.maximumf %max3A_462, %add3A_517 : vector<16xf32>
        %broadcast_in_dim3A_519 = arith.constant 5 : i32
        %broadcast_in_dim3A_520 = vector.broadcast %broadcast_in_dim3A_519 : i32 to vector<16x1xi32>
        %gather3A_521 = vector.shape_cast %broadcast_in_dim3A_520 : vector<16x1xi32> to vector<16xi32>
        %gather3A_522 = tpu.dynamic_gather %select_n3A[%gather3A_521] in [0] : vector<16xf32>, vector<16xi32> -> vector<16xf32>
        %broadcast_in_dim3A_523 = arith.constant 5 : i32
        %broadcast_in_dim3A_524 = vector.broadcast %broadcast_in_dim3A_523 : i32 to vector<16x1xi32>
        %gather3A_525 = vector.shape_cast %broadcast_in_dim3A_524 : vector<16x1xi32> to vector<16xi32>
        %gather3A_526 = tpu.dynamic_gather %select_n3A_240[%gather3A_525] in [0] : vector<16xf32>, vector<16xi32> -> vector<16xf32>
        %mul3A_527 = arith.constant 16 : i32
        %mul3A_528 = arith.muli %scan3A_215, %mul3A_527 : i32
        %add3A_529 = arith.constant 5 : i32
        %add3A_530 = arith.addi %mul3A_528, %add3A_529 : i32
        %get3A_531 = arith.constant 1 : i32
        %get3A_532 = arith.index_cast %get3A_531 : i32 to index
        %get3A_533 = arith.index_cast %add3A_530 : i32 to index
        %get3A_534 = arith.constant 0 : index
        %get3A_535 = tpu.vector_load %arg6[%get3A_532, %get3A_533, %get3A_534] {strides = array<i32>} : memref<2x208x64xf32, #tpu.memory_space<vmem>>, vector<1x1x16xf32>,
        %get3A_536 = vector.shape_cast %get3A_535 : vector<1x1x16xf32> to vector<16xf32>
        %mul3A_537 = arith.mulf %get3A_536, %gather3A_522 : vector<16xf32>
        %add3A_538 = arith.addf %add3A_482, %mul3A_537 : vector<16xf32>
        %mul3A_539 = arith.mulf %get3A_536, %gather3A_522 : vector<16xf32>
        %add3A_540 = arith.addf %mul3A_539, %gather3A_526 : vector<16xf32>
        %max3A_541 = arith.maximumf %max3A_485, %add3A_540 : vector<16xf32>
        %get3A_542 = arith.constant 1 : i32
        %get3A_543 = arith.index_cast %get3A_542 : i32 to index
        %get3A_544 = arith.index_cast %add3A_530 : i32 to index
        %get3A_545 = arith.constant 16 : index
        %get3A_546 = tpu.vector_load %arg6[%get3A_543, %get3A_544, %get3A_545] {strides = array<i32>} : memref<2x208x64xf32, #tpu.memory_space<vmem>>, vector<1x1x16xf32>,
        %get3A_547 = vector.shape_cast %get3A_546 : vector<1x1x16xf32> to vector<16xf32>
        %mul3A_548 = arith.mulf %get3A_547, %gather3A_522 : vector<16xf32>
        %add3A_549 = arith.addf %add3A_493, %mul3A_548 : vector<16xf32>
        %mul3A_550 = arith.mulf %get3A_547, %gather3A_522 : vector<16xf32>
        %add3A_551 = arith.addf %mul3A_550, %gather3A_526 : vector<16xf32>
        %max3A_552 = arith.maximumf %max3A_496, %add3A_551 : vector<16xf32>
        %get3A_553 = arith.constant 1 : i32
        %get3A_554 = arith.index_cast %get3A_553 : i32 to index
        %get3A_555 = arith.index_cast %add3A_530 : i32 to index
        %get3A_556 = arith.constant 32 : index
        %get3A_557 = tpu.vector_load %arg6[%get3A_554, %get3A_555, %get3A_556] {strides = array<i32>} : memref<2x208x64xf32, #tpu.memory_space<vmem>>, vector<1x1x16xf32>,
        %get3A_558 = vector.shape_cast %get3A_557 : vector<1x1x16xf32> to vector<16xf32>
        %mul3A_559 = arith.mulf %get3A_558, %gather3A_522 : vector<16xf32>
        %add3A_560 = arith.addf %add3A_504, %mul3A_559 : vector<16xf32>
        %mul3A_561 = arith.mulf %get3A_558, %gather3A_522 : vector<16xf32>
        %add3A_562 = arith.addf %mul3A_561, %gather3A_526 : vector<16xf32>
        %max3A_563 = arith.maximumf %max3A_507, %add3A_562 : vector<16xf32>
        %get3A_564 = arith.constant 1 : i32
        %get3A_565 = arith.index_cast %get3A_564 : i32 to index
        %get3A_566 = arith.index_cast %add3A_530 : i32 to index
        %get3A_567 = arith.constant 48 : index
        %get3A_568 = tpu.vector_load %arg6[%get3A_565, %get3A_566, %get3A_567] {strides = array<i32>} : memref<2x208x64xf32, #tpu.memory_space<vmem>>, vector<1x1x16xf32>,
        %get3A_569 = vector.shape_cast %get3A_568 : vector<1x1x16xf32> to vector<16xf32>
        %mul3A_570 = arith.mulf %get3A_569, %gather3A_522 : vector<16xf32>
        %add3A_571 = arith.addf %add3A_515, %mul3A_570 : vector<16xf32>
        %mul3A_572 = arith.mulf %get3A_569, %gather3A_522 : vector<16xf32>
        %add3A_573 = arith.addf %mul3A_572, %gather3A_526 : vector<16xf32>
        %max3A_574 = arith.maximumf %max3A_518, %add3A_573 : vector<16xf32>
        %broadcast_in_dim3A_575 = arith.constant 6 : i32
        %broadcast_in_dim3A_576 = vector.broadcast %broadcast_in_dim3A_575 : i32 to vector<16x1xi32>
        %gather3A_577 = vector.shape_cast %broadcast_in_dim3A_576 : vector<16x1xi32> to vector<16xi32>
        %gather3A_578 = tpu.dynamic_gather %select_n3A[%gather3A_577] in [0] : vector<16xf32>, vector<16xi32> -> vector<16xf32>
        %broadcast_in_dim3A_579 = arith.constant 6 : i32
        %broadcast_in_dim3A_580 = vector.broadcast %broadcast_in_dim3A_579 : i32 to vector<16x1xi32>
        %gather3A_581 = vector.shape_cast %broadcast_in_dim3A_580 : vector<16x1xi32> to vector<16xi32>
        %gather3A_582 = tpu.dynamic_gather %select_n3A_240[%gather3A_581] in [0] : vector<16xf32>, vector<16xi32> -> vector<16xf32>
        %mul3A_583 = arith.constant 16 : i32
        %mul3A_584 = arith.muli %scan3A_215, %mul3A_583 : i32
        %add3A_585 = arith.constant 6 : i32
        %add3A_586 = arith.addi %mul3A_584, %add3A_585 : i32
        %get3A_587 = arith.constant 1 : i32
        %get3A_588 = arith.index_cast %get3A_587 : i32 to index
        %get3A_589 = arith.index_cast %add3A_586 : i32 to index
        %get3A_590 = arith.constant 0 : index
        %get3A_591 = tpu.vector_load %arg6[%get3A_588, %get3A_589, %get3A_590] {strides = array<i32>} : memref<2x208x64xf32, #tpu.memory_space<vmem>>, vector<1x1x16xf32>,
        %get3A_592 = vector.shape_cast %get3A_591 : vector<1x1x16xf32> to vector<16xf32>
        %mul3A_593 = arith.mulf %get3A_592, %gather3A_578 : vector<16xf32>
        %add3A_594 = arith.addf %add3A_538, %mul3A_593 : vector<16xf32>
        %mul3A_595 = arith.mulf %get3A_592, %gather3A_578 : vector<16xf32>
        %add3A_596 = arith.addf %mul3A_595, %gather3A_582 : vector<16xf32>
        %max3A_597 = arith.maximumf %max3A_541, %add3A_596 : vector<16xf32>
        %get3A_598 = arith.constant 1 : i32
        %get3A_599 = arith.index_cast %get3A_598 : i32 to index
        %get3A_600 = arith.index_cast %add3A_586 : i32 to index
        %get3A_601 = arith.constant 16 : index
        %get3A_602 = tpu.vector_load %arg6[%get3A_599, %get3A_600, %get3A_601] {strides = array<i32>} : memref<2x208x64xf32, #tpu.memory_space<vmem>>, vector<1x1x16xf32>,
        %get3A_603 = vector.shape_cast %get3A_602 : vector<1x1x16xf32> to vector<16xf32>
        %mul3A_604 = arith.mulf %get3A_603, %gather3A_578 : vector<16xf32>
        %add3A_605 = arith.addf %add3A_549, %mul3A_604 : vector<16xf32>
        %mul3A_606 = arith.mulf %get3A_603, %gather3A_578 : vector<16xf32>
        %add3A_607 = arith.addf %mul3A_606, %gather3A_582 : vector<16xf32>
        %max3A_608 = arith.maximumf %max3A_552, %add3A_607 : vector<16xf32>
        %get3A_609 = arith.constant 1 : i32
        %get3A_610 = arith.index_cast %get3A_609 : i32 to index
        %get3A_611 = arith.index_cast %add3A_586 : i32 to index
        %get3A_612 = arith.constant 32 : index
        %get3A_613 = tpu.vector_load %arg6[%get3A_610, %get3A_611, %get3A_612] {strides = array<i32>} : memref<2x208x64xf32, #tpu.memory_space<vmem>>, vector<1x1x16xf32>,
        %get3A_614 = vector.shape_cast %get3A_613 : vector<1x1x16xf32> to vector<16xf32>
        %mul3A_615 = arith.mulf %get3A_614, %gather3A_578 : vector<16xf32>
        %add3A_616 = arith.addf %add3A_560, %mul3A_615 : vector<16xf32>
        %mul3A_617 = arith.mulf %get3A_614, %gather3A_578 : vector<16xf32>
        %add3A_618 = arith.addf %mul3A_617, %gather3A_582 : vector<16xf32>
        %max3A_619 = arith.maximumf %max3A_563, %add3A_618 : vector<16xf32>
        %get3A_620 = arith.constant 1 : i32
        %get3A_621 = arith.index_cast %get3A_620 : i32 to index
        %get3A_622 = arith.index_cast %add3A_586 : i32 to index
        %get3A_623 = arith.constant 48 : index
        %get3A_624 = tpu.vector_load %arg6[%get3A_621, %get3A_622, %get3A_623] {strides = array<i32>} : memref<2x208x64xf32, #tpu.memory_space<vmem>>, vector<1x1x16xf32>,
        %get3A_625 = vector.shape_cast %get3A_624 : vector<1x1x16xf32> to vector<16xf32>
        %mul3A_626 = arith.mulf %get3A_625, %gather3A_578 : vector<16xf32>
        %add3A_627 = arith.addf %add3A_571, %mul3A_626 : vector<16xf32>
        %mul3A_628 = arith.mulf %get3A_625, %gather3A_578 : vector<16xf32>
        %add3A_629 = arith.addf %mul3A_628, %gather3A_582 : vector<16xf32>
        %max3A_630 = arith.maximumf %max3A_574, %add3A_629 : vector<16xf32>
        %broadcast_in_dim3A_631 = arith.constant 7 : i32
        %broadcast_in_dim3A_632 = vector.broadcast %broadcast_in_dim3A_631 : i32 to vector<16x1xi32>
        %gather3A_633 = vector.shape_cast %broadcast_in_dim3A_632 : vector<16x1xi32> to vector<16xi32>
        %gather3A_634 = tpu.dynamic_gather %select_n3A[%gather3A_633] in [0] : vector<16xf32>, vector<16xi32> -> vector<16xf32>
        %broadcast_in_dim3A_635 = arith.constant 7 : i32
        %broadcast_in_dim3A_636 = vector.broadcast %broadcast_in_dim3A_635 : i32 to vector<16x1xi32>
        %gather3A_637 = vector.shape_cast %broadcast_in_dim3A_636 : vector<16x1xi32> to vector<16xi32>
        %gather3A_638 = tpu.dynamic_gather %select_n3A_240[%gather3A_637] in [0] : vector<16xf32>, vector<16xi32> -> vector<16xf32>
        %mul3A_639 = arith.constant 16 : i32
        %mul3A_640 = arith.muli %scan3A_215, %mul3A_639 : i32
        %add3A_641 = arith.constant 7 : i32
        %add3A_642 = arith.addi %mul3A_640, %add3A_641 : i32
        %get3A_643 = arith.constant 1 : i32
        %get3A_644 = arith.index_cast %get3A_643 : i32 to index
        %get3A_645 = arith.index_cast %add3A_642 : i32 to index
        %get3A_646 = arith.constant 0 : index
        %get3A_647 = tpu.vector_load %arg6[%get3A_644, %get3A_645, %get3A_646] {strides = array<i32>} : memref<2x208x64xf32, #tpu.memory_space<vmem>>, vector<1x1x16xf32>,
        %get3A_648 = vector.shape_cast %get3A_647 : vector<1x1x16xf32> to vector<16xf32>
        %mul3A_649 = arith.mulf %get3A_648, %gather3A_634 : vector<16xf32>
        %add3A_650 = arith.addf %add3A_594, %mul3A_649 : vector<16xf32>
        %mul3A_651 = arith.mulf %get3A_648, %gather3A_634 : vector<16xf32>
        %add3A_652 = arith.addf %mul3A_651, %gather3A_638 : vector<16xf32>
        %max3A_653 = arith.maximumf %max3A_597, %add3A_652 : vector<16xf32>
        %get3A_654 = arith.constant 1 : i32
        %get3A_655 = arith.index_cast %get3A_654 : i32 to index
        %get3A_656 = arith.index_cast %add3A_642 : i32 to index
        %get3A_657 = arith.constant 16 : index
        %get3A_658 = tpu.vector_load %arg6[%get3A_655, %get3A_656, %get3A_657] {strides = array<i32>} : memref<2x208x64xf32, #tpu.memory_space<vmem>>, vector<1x1x16xf32>,
        %get3A_659 = vector.shape_cast %get3A_658 : vector<1x1x16xf32> to vector<16xf32>
        %mul3A_660 = arith.mulf %get3A_659, %gather3A_634 : vector<16xf32>
        %add3A_661 = arith.addf %add3A_605, %mul3A_660 : vector<16xf32>
        %mul3A_662 = arith.mulf %get3A_659, %gather3A_634 : vector<16xf32>
        %add3A_663 = arith.addf %mul3A_662, %gather3A_638 : vector<16xf32>
        %max3A_664 = arith.maximumf %max3A_608, %add3A_663 : vector<16xf32>
        %get3A_665 = arith.constant 1 : i32
        %get3A_666 = arith.index_cast %get3A_665 : i32 to index
        %get3A_667 = arith.index_cast %add3A_642 : i32 to index
        %get3A_668 = arith.constant 32 : index
        %get3A_669 = tpu.vector_load %arg6[%get3A_666, %get3A_667, %get3A_668] {strides = array<i32>} : memref<2x208x64xf32, #tpu.memory_space<vmem>>, vector<1x1x16xf32>,
        %get3A_670 = vector.shape_cast %get3A_669 : vector<1x1x16xf32> to vector<16xf32>
        %mul3A_671 = arith.mulf %get3A_670, %gather3A_634 : vector<16xf32>
        %add3A_672 = arith.addf %add3A_616, %mul3A_671 : vector<16xf32>
        %mul3A_673 = arith.mulf %get3A_670, %gather3A_634 : vector<16xf32>
        %add3A_674 = arith.addf %mul3A_673, %gather3A_638 : vector<16xf32>
        %max3A_675 = arith.maximumf %max3A_619, %add3A_674 : vector<16xf32>
        %get3A_676 = arith.constant 1 : i32
        %get3A_677 = arith.index_cast %get3A_676 : i32 to index
        %get3A_678 = arith.index_cast %add3A_642 : i32 to index
        %get3A_679 = arith.constant 48 : index
        %get3A_680 = tpu.vector_load %arg6[%get3A_677, %get3A_678, %get3A_679] {strides = array<i32>} : memref<2x208x64xf32, #tpu.memory_space<vmem>>, vector<1x1x16xf32>,
        %get3A_681 = vector.shape_cast %get3A_680 : vector<1x1x16xf32> to vector<16xf32>
        %mul3A_682 = arith.mulf %get3A_681, %gather3A_634 : vector<16xf32>
        %add3A_683 = arith.addf %add3A_627, %mul3A_682 : vector<16xf32>
        %mul3A_684 = arith.mulf %get3A_681, %gather3A_634 : vector<16xf32>
        %add3A_685 = arith.addf %mul3A_684, %gather3A_638 : vector<16xf32>
        %max3A_686 = arith.maximumf %max3A_630, %add3A_685 : vector<16xf32>
        %broadcast_in_dim3A_687 = arith.constant 8 : i32
        %broadcast_in_dim3A_688 = vector.broadcast %broadcast_in_dim3A_687 : i32 to vector<16x1xi32>
        %gather3A_689 = vector.shape_cast %broadcast_in_dim3A_688 : vector<16x1xi32> to vector<16xi32>
        %gather3A_690 = tpu.dynamic_gather %select_n3A[%gather3A_689] in [0] : vector<16xf32>, vector<16xi32> -> vector<16xf32>
        %broadcast_in_dim3A_691 = arith.constant 8 : i32
        %broadcast_in_dim3A_692 = vector.broadcast %broadcast_in_dim3A_691 : i32 to vector<16x1xi32>
        %gather3A_693 = vector.shape_cast %broadcast_in_dim3A_692 : vector<16x1xi32> to vector<16xi32>
        %gather3A_694 = tpu.dynamic_gather %select_n3A_240[%gather3A_693] in [0] : vector<16xf32>, vector<16xi32> -> vector<16xf32>
        %mul3A_695 = arith.constant 16 : i32
        %mul3A_696 = arith.muli %scan3A_215, %mul3A_695 : i32
        %add3A_697 = arith.constant 8 : i32
        %add3A_698 = arith.addi %mul3A_696, %add3A_697 : i32
        %get3A_699 = arith.constant 1 : i32
        %get3A_700 = arith.index_cast %get3A_699 : i32 to index
        %get3A_701 = arith.index_cast %add3A_698 : i32 to index
        %get3A_702 = arith.constant 0 : index
        %get3A_703 = tpu.vector_load %arg6[%get3A_700, %get3A_701, %get3A_702] {strides = array<i32>} : memref<2x208x64xf32, #tpu.memory_space<vmem>>, vector<1x1x16xf32>,
        %get3A_704 = vector.shape_cast %get3A_703 : vector<1x1x16xf32> to vector<16xf32>
        %mul3A_705 = arith.mulf %get3A_704, %gather3A_690 : vector<16xf32>
        %add3A_706 = arith.addf %add3A_650, %mul3A_705 : vector<16xf32>
        %mul3A_707 = arith.mulf %get3A_704, %gather3A_690 : vector<16xf32>
        %add3A_708 = arith.addf %mul3A_707, %gather3A_694 : vector<16xf32>
        %max3A_709 = arith.maximumf %max3A_653, %add3A_708 : vector<16xf32>
        %get3A_710 = arith.constant 1 : i32
        %get3A_711 = arith.index_cast %get3A_710 : i32 to index
        %get3A_712 = arith.index_cast %add3A_698 : i32 to index
        %get3A_713 = arith.constant 16 : index
        %get3A_714 = tpu.vector_load %arg6[%get3A_711, %get3A_712, %get3A_713] {strides = array<i32>} : memref<2x208x64xf32, #tpu.memory_space<vmem>>, vector<1x1x16xf32>,
        %get3A_715 = vector.shape_cast %get3A_714 : vector<1x1x16xf32> to vector<16xf32>
        %mul3A_716 = arith.mulf %get3A_715, %gather3A_690 : vector<16xf32>
        %add3A_717 = arith.addf %add3A_661, %mul3A_716 : vector<16xf32>
        %mul3A_718 = arith.mulf %get3A_715, %gather3A_690 : vector<16xf32>
        %add3A_719 = arith.addf %mul3A_718, %gather3A_694 : vector<16xf32>
        %max3A_720 = arith.maximumf %max3A_664, %add3A_719 : vector<16xf32>
        %get3A_721 = arith.constant 1 : i32
        %get3A_722 = arith.index_cast %get3A_721 : i32 to index
        %get3A_723 = arith.index_cast %add3A_698 : i32 to index
        %get3A_724 = arith.constant 32 : index
        %get3A_725 = tpu.vector_load %arg6[%get3A_722, %get3A_723, %get3A_724] {strides = array<i32>} : memref<2x208x64xf32, #tpu.memory_space<vmem>>, vector<1x1x16xf32>,
        %get3A_726 = vector.shape_cast %get3A_725 : vector<1x1x16xf32> to vector<16xf32>
        %mul3A_727 = arith.mulf %get3A_726, %gather3A_690 : vector<16xf32>
        %add3A_728 = arith.addf %add3A_672, %mul3A_727 : vector<16xf32>
        %mul3A_729 = arith.mulf %get3A_726, %gather3A_690 : vector<16xf32>
        %add3A_730 = arith.addf %mul3A_729, %gather3A_694 : vector<16xf32>
        %max3A_731 = arith.maximumf %max3A_675, %add3A_730 : vector<16xf32>
        %get3A_732 = arith.constant 1 : i32
        %get3A_733 = arith.index_cast %get3A_732 : i32 to index
        %get3A_734 = arith.index_cast %add3A_698 : i32 to index
        %get3A_735 = arith.constant 48 : index
        %get3A_736 = tpu.vector_load %arg6[%get3A_733, %get3A_734, %get3A_735] {strides = array<i32>} : memref<2x208x64xf32, #tpu.memory_space<vmem>>, vector<1x1x16xf32>,
        %get3A_737 = vector.shape_cast %get3A_736 : vector<1x1x16xf32> to vector<16xf32>
        %mul3A_738 = arith.mulf %get3A_737, %gather3A_690 : vector<16xf32>
        %add3A_739 = arith.addf %add3A_683, %mul3A_738 : vector<16xf32>
        %mul3A_740 = arith.mulf %get3A_737, %gather3A_690 : vector<16xf32>
        %add3A_741 = arith.addf %mul3A_740, %gather3A_694 : vector<16xf32>
        %max3A_742 = arith.maximumf %max3A_686, %add3A_741 : vector<16xf32>
        %broadcast_in_dim3A_743 = arith.constant 9 : i32
        %broadcast_in_dim3A_744 = vector.broadcast %broadcast_in_dim3A_743 : i32 to vector<16x1xi32>
        %gather3A_745 = vector.shape_cast %broadcast_in_dim3A_744 : vector<16x1xi32> to vector<16xi32>
        %gather3A_746 = tpu.dynamic_gather %select_n3A[%gather3A_745] in [0] : vector<16xf32>, vector<16xi32> -> vector<16xf32>
        %broadcast_in_dim3A_747 = arith.constant 9 : i32
        %broadcast_in_dim3A_748 = vector.broadcast %broadcast_in_dim3A_747 : i32 to vector<16x1xi32>
        %gather3A_749 = vector.shape_cast %broadcast_in_dim3A_748 : vector<16x1xi32> to vector<16xi32>
        %gather3A_750 = tpu.dynamic_gather %select_n3A_240[%gather3A_749] in [0] : vector<16xf32>, vector<16xi32> -> vector<16xf32>
        %mul3A_751 = arith.constant 16 : i32
        %mul3A_752 = arith.muli %scan3A_215, %mul3A_751 : i32
        %add3A_753 = arith.constant 9 : i32
        %add3A_754 = arith.addi %mul3A_752, %add3A_753 : i32
        %get3A_755 = arith.constant 1 : i32
        %get3A_756 = arith.index_cast %get3A_755 : i32 to index
        %get3A_757 = arith.index_cast %add3A_754 : i32 to index
        %get3A_758 = arith.constant 0 : index
        %get3A_759 = tpu.vector_load %arg6[%get3A_756, %get3A_757, %get3A_758] {strides = array<i32>} : memref<2x208x64xf32, #tpu.memory_space<vmem>>, vector<1x1x16xf32>,
        %get3A_760 = vector.shape_cast %get3A_759 : vector<1x1x16xf32> to vector<16xf32>
        %mul3A_761 = arith.mulf %get3A_760, %gather3A_746 : vector<16xf32>
        %add3A_762 = arith.addf %add3A_706, %mul3A_761 : vector<16xf32>
        %mul3A_763 = arith.mulf %get3A_760, %gather3A_746 : vector<16xf32>
        %add3A_764 = arith.addf %mul3A_763, %gather3A_750 : vector<16xf32>
        %max3A_765 = arith.maximumf %max3A_709, %add3A_764 : vector<16xf32>
        %get3A_766 = arith.constant 1 : i32
        %get3A_767 = arith.index_cast %get3A_766 : i32 to index
        %get3A_768 = arith.index_cast %add3A_754 : i32 to index
        %get3A_769 = arith.constant 16 : index
        %get3A_770 = tpu.vector_load %arg6[%get3A_767, %get3A_768, %get3A_769] {strides = array<i32>} : memref<2x208x64xf32, #tpu.memory_space<vmem>>, vector<1x1x16xf32>,
        %get3A_771 = vector.shape_cast %get3A_770 : vector<1x1x16xf32> to vector<16xf32>
        %mul3A_772 = arith.mulf %get3A_771, %gather3A_746 : vector<16xf32>
        %add3A_773 = arith.addf %add3A_717, %mul3A_772 : vector<16xf32>
        %mul3A_774 = arith.mulf %get3A_771, %gather3A_746 : vector<16xf32>
        %add3A_775 = arith.addf %mul3A_774, %gather3A_750 : vector<16xf32>
        %max3A_776 = arith.maximumf %max3A_720, %add3A_775 : vector<16xf32>
        %get3A_777 = arith.constant 1 : i32
        %get3A_778 = arith.index_cast %get3A_777 : i32 to index
        %get3A_779 = arith.index_cast %add3A_754 : i32 to index
        %get3A_780 = arith.constant 32 : index
        %get3A_781 = tpu.vector_load %arg6[%get3A_778, %get3A_779, %get3A_780] {strides = array<i32>} : memref<2x208x64xf32, #tpu.memory_space<vmem>>, vector<1x1x16xf32>,
        %get3A_782 = vector.shape_cast %get3A_781 : vector<1x1x16xf32> to vector<16xf32>
        %mul3A_783 = arith.mulf %get3A_782, %gather3A_746 : vector<16xf32>
        %add3A_784 = arith.addf %add3A_728, %mul3A_783 : vector<16xf32>
        %mul3A_785 = arith.mulf %get3A_782, %gather3A_746 : vector<16xf32>
        %add3A_786 = arith.addf %mul3A_785, %gather3A_750 : vector<16xf32>
        %max3A_787 = arith.maximumf %max3A_731, %add3A_786 : vector<16xf32>
        %get3A_788 = arith.constant 1 : i32
        %get3A_789 = arith.index_cast %get3A_788 : i32 to index
        %get3A_790 = arith.index_cast %add3A_754 : i32 to index
        %get3A_791 = arith.constant 48 : index
        %get3A_792 = tpu.vector_load %arg6[%get3A_789, %get3A_790, %get3A_791] {strides = array<i32>} : memref<2x208x64xf32, #tpu.memory_space<vmem>>, vector<1x1x16xf32>,
        %get3A_793 = vector.shape_cast %get3A_792 : vector<1x1x16xf32> to vector<16xf32>
        %mul3A_794 = arith.mulf %get3A_793, %gather3A_746 : vector<16xf32>
        %add3A_795 = arith.addf %add3A_739, %mul3A_794 : vector<16xf32>
        %mul3A_796 = arith.mulf %get3A_793, %gather3A_746 : vector<16xf32>
        %add3A_797 = arith.addf %mul3A_796, %gather3A_750 : vector<16xf32>
        %max3A_798 = arith.maximumf %max3A_742, %add3A_797 : vector<16xf32>
        %broadcast_in_dim3A_799 = arith.constant 10 : i32
        %broadcast_in_dim3A_800 = vector.broadcast %broadcast_in_dim3A_799 : i32 to vector<16x1xi32>
        %gather3A_801 = vector.shape_cast %broadcast_in_dim3A_800 : vector<16x1xi32> to vector<16xi32>
        %gather3A_802 = tpu.dynamic_gather %select_n3A[%gather3A_801] in [0] : vector<16xf32>, vector<16xi32> -> vector<16xf32>
        %broadcast_in_dim3A_803 = arith.constant 10 : i32
        %broadcast_in_dim3A_804 = vector.broadcast %broadcast_in_dim3A_803 : i32 to vector<16x1xi32>
        %gather3A_805 = vector.shape_cast %broadcast_in_dim3A_804 : vector<16x1xi32> to vector<16xi32>
        %gather3A_806 = tpu.dynamic_gather %select_n3A_240[%gather3A_805] in [0] : vector<16xf32>, vector<16xi32> -> vector<16xf32>
        %mul3A_807 = arith.constant 16 : i32
        %mul3A_808 = arith.muli %scan3A_215, %mul3A_807 : i32
        %add3A_809 = arith.constant 10 : i32
        %add3A_810 = arith.addi %mul3A_808, %add3A_809 : i32
        %get3A_811 = arith.constant 1 : i32
        %get3A_812 = arith.index_cast %get3A_811 : i32 to index
        %get3A_813 = arith.index_cast %add3A_810 : i32 to index
        %get3A_814 = arith.constant 0 : index
        %get3A_815 = tpu.vector_load %arg6[%get3A_812, %get3A_813, %get3A_814] {strides = array<i32>} : memref<2x208x64xf32, #tpu.memory_space<vmem>>, vector<1x1x16xf32>,
        %get3A_816 = vector.shape_cast %get3A_815 : vector<1x1x16xf32> to vector<16xf32>
        %mul3A_817 = arith.mulf %get3A_816, %gather3A_802 : vector<16xf32>
        %add3A_818 = arith.addf %add3A_762, %mul3A_817 : vector<16xf32>
        %mul3A_819 = arith.mulf %get3A_816, %gather3A_802 : vector<16xf32>
        %add3A_820 = arith.addf %mul3A_819, %gather3A_806 : vector<16xf32>
        %max3A_821 = arith.maximumf %max3A_765, %add3A_820 : vector<16xf32>
        %get3A_822 = arith.constant 1 : i32
        %get3A_823 = arith.index_cast %get3A_822 : i32 to index
        %get3A_824 = arith.index_cast %add3A_810 : i32 to index
        %get3A_825 = arith.constant 16 : index
        %get3A_826 = tpu.vector_load %arg6[%get3A_823, %get3A_824, %get3A_825] {strides = array<i32>} : memref<2x208x64xf32, #tpu.memory_space<vmem>>, vector<1x1x16xf32>,
        %get3A_827 = vector.shape_cast %get3A_826 : vector<1x1x16xf32> to vector<16xf32>
        %mul3A_828 = arith.mulf %get3A_827, %gather3A_802 : vector<16xf32>
        %add3A_829 = arith.addf %add3A_773, %mul3A_828 : vector<16xf32>
        %mul3A_830 = arith.mulf %get3A_827, %gather3A_802 : vector<16xf32>
        %add3A_831 = arith.addf %mul3A_830, %gather3A_806 : vector<16xf32>
        %max3A_832 = arith.maximumf %max3A_776, %add3A_831 : vector<16xf32>
        %get3A_833 = arith.constant 1 : i32
        %get3A_834 = arith.index_cast %get3A_833 : i32 to index
        %get3A_835 = arith.index_cast %add3A_810 : i32 to index
        %get3A_836 = arith.constant 32 : index
        %get3A_837 = tpu.vector_load %arg6[%get3A_834, %get3A_835, %get3A_836] {strides = array<i32>} : memref<2x208x64xf32, #tpu.memory_space<vmem>>, vector<1x1x16xf32>,
        %get3A_838 = vector.shape_cast %get3A_837 : vector<1x1x16xf32> to vector<16xf32>
        %mul3A_839 = arith.mulf %get3A_838, %gather3A_802 : vector<16xf32>
        %add3A_840 = arith.addf %add3A_784, %mul3A_839 : vector<16xf32>
        %mul3A_841 = arith.mulf %get3A_838, %gather3A_802 : vector<16xf32>
        %add3A_842 = arith.addf %mul3A_841, %gather3A_806 : vector<16xf32>
        %max3A_843 = arith.maximumf %max3A_787, %add3A_842 : vector<16xf32>
        %get3A_844 = arith.constant 1 : i32
        %get3A_845 = arith.index_cast %get3A_844 : i32 to index
        %get3A_846 = arith.index_cast %add3A_810 : i32 to index
        %get3A_847 = arith.constant 48 : index
        %get3A_848 = tpu.vector_load %arg6[%get3A_845, %get3A_846, %get3A_847] {strides = array<i32>} : memref<2x208x64xf32, #tpu.memory_space<vmem>>, vector<1x1x16xf32>,
        %get3A_849 = vector.shape_cast %get3A_848 : vector<1x1x16xf32> to vector<16xf32>
        %mul3A_850 = arith.mulf %get3A_849, %gather3A_802 : vector<16xf32>
        %add3A_851 = arith.addf %add3A_795, %mul3A_850 : vector<16xf32>
        %mul3A_852 = arith.mulf %get3A_849, %gather3A_802 : vector<16xf32>
        %add3A_853 = arith.addf %mul3A_852, %gather3A_806 : vector<16xf32>
        %max3A_854 = arith.maximumf %max3A_798, %add3A_853 : vector<16xf32>
        %broadcast_in_dim3A_855 = arith.constant 11 : i32
        %broadcast_in_dim3A_856 = vector.broadcast %broadcast_in_dim3A_855 : i32 to vector<16x1xi32>
        %gather3A_857 = vector.shape_cast %broadcast_in_dim3A_856 : vector<16x1xi32> to vector<16xi32>
        %gather3A_858 = tpu.dynamic_gather %select_n3A[%gather3A_857] in [0] : vector<16xf32>, vector<16xi32> -> vector<16xf32>
        %broadcast_in_dim3A_859 = arith.constant 11 : i32
        %broadcast_in_dim3A_860 = vector.broadcast %broadcast_in_dim3A_859 : i32 to vector<16x1xi32>
        %gather3A_861 = vector.shape_cast %broadcast_in_dim3A_860 : vector<16x1xi32> to vector<16xi32>
        %gather3A_862 = tpu.dynamic_gather %select_n3A_240[%gather3A_861] in [0] : vector<16xf32>, vector<16xi32> -> vector<16xf32>
        %mul3A_863 = arith.constant 16 : i32
        %mul3A_864 = arith.muli %scan3A_215, %mul3A_863 : i32
        %add3A_865 = arith.constant 11 : i32
        %add3A_866 = arith.addi %mul3A_864, %add3A_865 : i32
        %get3A_867 = arith.constant 1 : i32
        %get3A_868 = arith.index_cast %get3A_867 : i32 to index
        %get3A_869 = arith.index_cast %add3A_866 : i32 to index
        %get3A_870 = arith.constant 0 : index
        %get3A_871 = tpu.vector_load %arg6[%get3A_868, %get3A_869, %get3A_870] {strides = array<i32>} : memref<2x208x64xf32, #tpu.memory_space<vmem>>, vector<1x1x16xf32>,
        %get3A_872 = vector.shape_cast %get3A_871 : vector<1x1x16xf32> to vector<16xf32>
        %mul3A_873 = arith.mulf %get3A_872, %gather3A_858 : vector<16xf32>
        %add3A_874 = arith.addf %add3A_818, %mul3A_873 : vector<16xf32>
        %mul3A_875 = arith.mulf %get3A_872, %gather3A_858 : vector<16xf32>
        %add3A_876 = arith.addf %mul3A_875, %gather3A_862 : vector<16xf32>
        %max3A_877 = arith.maximumf %max3A_821, %add3A_876 : vector<16xf32>
        %get3A_878 = arith.constant 1 : i32
        %get3A_879 = arith.index_cast %get3A_878 : i32 to index
        %get3A_880 = arith.index_cast %add3A_866 : i32 to index
        %get3A_881 = arith.constant 16 : index
        %get3A_882 = tpu.vector_load %arg6[%get3A_879, %get3A_880, %get3A_881] {strides = array<i32>} : memref<2x208x64xf32, #tpu.memory_space<vmem>>, vector<1x1x16xf32>,
        %get3A_883 = vector.shape_cast %get3A_882 : vector<1x1x16xf32> to vector<16xf32>
        %mul3A_884 = arith.mulf %get3A_883, %gather3A_858 : vector<16xf32>
        %add3A_885 = arith.addf %add3A_829, %mul3A_884 : vector<16xf32>
        %mul3A_886 = arith.mulf %get3A_883, %gather3A_858 : vector<16xf32>
        %add3A_887 = arith.addf %mul3A_886, %gather3A_862 : vector<16xf32>
        %max3A_888 = arith.maximumf %max3A_832, %add3A_887 : vector<16xf32>
        %get3A_889 = arith.constant 1 : i32
        %get3A_890 = arith.index_cast %get3A_889 : i32 to index
        %get3A_891 = arith.index_cast %add3A_866 : i32 to index
        %get3A_892 = arith.constant 32 : index
        %get3A_893 = tpu.vector_load %arg6[%get3A_890, %get3A_891, %get3A_892] {strides = array<i32>} : memref<2x208x64xf32, #tpu.memory_space<vmem>>, vector<1x1x16xf32>,
        %get3A_894 = vector.shape_cast %get3A_893 : vector<1x1x16xf32> to vector<16xf32>
        %mul3A_895 = arith.mulf %get3A_894, %gather3A_858 : vector<16xf32>
        %add3A_896 = arith.addf %add3A_840, %mul3A_895 : vector<16xf32>
        %mul3A_897 = arith.mulf %get3A_894, %gather3A_858 : vector<16xf32>
        %add3A_898 = arith.addf %mul3A_897, %gather3A_862 : vector<16xf32>
        %max3A_899 = arith.maximumf %max3A_843, %add3A_898 : vector<16xf32>
        %get3A_900 = arith.constant 1 : i32
        %get3A_901 = arith.index_cast %get3A_900 : i32 to index
        %get3A_902 = arith.index_cast %add3A_866 : i32 to index
        %get3A_903 = arith.constant 48 : index
        %get3A_904 = tpu.vector_load %arg6[%get3A_901, %get3A_902, %get3A_903] {strides = array<i32>} : memref<2x208x64xf32, #tpu.memory_space<vmem>>, vector<1x1x16xf32>,
        %get3A_905 = vector.shape_cast %get3A_904 : vector<1x1x16xf32> to vector<16xf32>
        %mul3A_906 = arith.mulf %get3A_905, %gather3A_858 : vector<16xf32>
        %add3A_907 = arith.addf %add3A_851, %mul3A_906 : vector<16xf32>
        %mul3A_908 = arith.mulf %get3A_905, %gather3A_858 : vector<16xf32>
        %add3A_909 = arith.addf %mul3A_908, %gather3A_862 : vector<16xf32>
        %max3A_910 = arith.maximumf %max3A_854, %add3A_909 : vector<16xf32>
        %broadcast_in_dim3A_911 = arith.constant 12 : i32
        %broadcast_in_dim3A_912 = vector.broadcast %broadcast_in_dim3A_911 : i32 to vector<16x1xi32>
        %gather3A_913 = vector.shape_cast %broadcast_in_dim3A_912 : vector<16x1xi32> to vector<16xi32>
        %gather3A_914 = tpu.dynamic_gather %select_n3A[%gather3A_913] in [0] : vector<16xf32>, vector<16xi32> -> vector<16xf32>
        %broadcast_in_dim3A_915 = arith.constant 12 : i32
        %broadcast_in_dim3A_916 = vector.broadcast %broadcast_in_dim3A_915 : i32 to vector<16x1xi32>
        %gather3A_917 = vector.shape_cast %broadcast_in_dim3A_916 : vector<16x1xi32> to vector<16xi32>
        %gather3A_918 = tpu.dynamic_gather %select_n3A_240[%gather3A_917] in [0] : vector<16xf32>, vector<16xi32> -> vector<16xf32>
        %mul3A_919 = arith.constant 16 : i32
        %mul3A_920 = arith.muli %scan3A_215, %mul3A_919 : i32
        %add3A_921 = arith.constant 12 : i32
        %add3A_922 = arith.addi %mul3A_920, %add3A_921 : i32
        %get3A_923 = arith.constant 1 : i32
        %get3A_924 = arith.index_cast %get3A_923 : i32 to index
        %get3A_925 = arith.index_cast %add3A_922 : i32 to index
        %get3A_926 = arith.constant 0 : index
        %get3A_927 = tpu.vector_load %arg6[%get3A_924, %get3A_925, %get3A_926] {strides = array<i32>} : memref<2x208x64xf32, #tpu.memory_space<vmem>>, vector<1x1x16xf32>,
        %get3A_928 = vector.shape_cast %get3A_927 : vector<1x1x16xf32> to vector<16xf32>
        %mul3A_929 = arith.mulf %get3A_928, %gather3A_914 : vector<16xf32>
        %add3A_930 = arith.addf %add3A_874, %mul3A_929 : vector<16xf32>
        %mul3A_931 = arith.mulf %get3A_928, %gather3A_914 : vector<16xf32>
        %add3A_932 = arith.addf %mul3A_931, %gather3A_918 : vector<16xf32>
        %max3A_933 = arith.maximumf %max3A_877, %add3A_932 : vector<16xf32>
        %get3A_934 = arith.constant 1 : i32
        %get3A_935 = arith.index_cast %get3A_934 : i32 to index
        %get3A_936 = arith.index_cast %add3A_922 : i32 to index
        %get3A_937 = arith.constant 16 : index
        %get3A_938 = tpu.vector_load %arg6[%get3A_935, %get3A_936, %get3A_937] {strides = array<i32>} : memref<2x208x64xf32, #tpu.memory_space<vmem>>, vector<1x1x16xf32>,
        %get3A_939 = vector.shape_cast %get3A_938 : vector<1x1x16xf32> to vector<16xf32>
        %mul3A_940 = arith.mulf %get3A_939, %gather3A_914 : vector<16xf32>
        %add3A_941 = arith.addf %add3A_885, %mul3A_940 : vector<16xf32>
        %mul3A_942 = arith.mulf %get3A_939, %gather3A_914 : vector<16xf32>
        %add3A_943 = arith.addf %mul3A_942, %gather3A_918 : vector<16xf32>
        %max3A_944 = arith.maximumf %max3A_888, %add3A_943 : vector<16xf32>
        %get3A_945 = arith.constant 1 : i32
        %get3A_946 = arith.index_cast %get3A_945 : i32 to index
        %get3A_947 = arith.index_cast %add3A_922 : i32 to index
        %get3A_948 = arith.constant 32 : index
        %get3A_949 = tpu.vector_load %arg6[%get3A_946, %get3A_947, %get3A_948] {strides = array<i32>} : memref<2x208x64xf32, #tpu.memory_space<vmem>>, vector<1x1x16xf32>,
        %get3A_950 = vector.shape_cast %get3A_949 : vector<1x1x16xf32> to vector<16xf32>
        %mul3A_951 = arith.mulf %get3A_950, %gather3A_914 : vector<16xf32>
        %add3A_952 = arith.addf %add3A_896, %mul3A_951 : vector<16xf32>
        %mul3A_953 = arith.mulf %get3A_950, %gather3A_914 : vector<16xf32>
        %add3A_954 = arith.addf %mul3A_953, %gather3A_918 : vector<16xf32>
        %max3A_955 = arith.maximumf %max3A_899, %add3A_954 : vector<16xf32>
        %get3A_956 = arith.constant 1 : i32
        %get3A_957 = arith.index_cast %get3A_956 : i32 to index
        %get3A_958 = arith.index_cast %add3A_922 : i32 to index
        %get3A_959 = arith.constant 48 : index
        %get3A_960 = tpu.vector_load %arg6[%get3A_957, %get3A_958, %get3A_959] {strides = array<i32>} : memref<2x208x64xf32, #tpu.memory_space<vmem>>, vector<1x1x16xf32>,
        %get3A_961 = vector.shape_cast %get3A_960 : vector<1x1x16xf32> to vector<16xf32>
        %mul3A_962 = arith.mulf %get3A_961, %gather3A_914 : vector<16xf32>
        %add3A_963 = arith.addf %add3A_907, %mul3A_962 : vector<16xf32>
        %mul3A_964 = arith.mulf %get3A_961, %gather3A_914 : vector<16xf32>
        %add3A_965 = arith.addf %mul3A_964, %gather3A_918 : vector<16xf32>
        %max3A_966 = arith.maximumf %max3A_910, %add3A_965 : vector<16xf32>
        %broadcast_in_dim3A_967 = arith.constant 13 : i32
        %broadcast_in_dim3A_968 = vector.broadcast %broadcast_in_dim3A_967 : i32 to vector<16x1xi32>
        %gather3A_969 = vector.shape_cast %broadcast_in_dim3A_968 : vector<16x1xi32> to vector<16xi32>
        %gather3A_970 = tpu.dynamic_gather %select_n3A[%gather3A_969] in [0] : vector<16xf32>, vector<16xi32> -> vector<16xf32>
        %broadcast_in_dim3A_971 = arith.constant 13 : i32
        %broadcast_in_dim3A_972 = vector.broadcast %broadcast_in_dim3A_971 : i32 to vector<16x1xi32>
        %gather3A_973 = vector.shape_cast %broadcast_in_dim3A_972 : vector<16x1xi32> to vector<16xi32>
        %gather3A_974 = tpu.dynamic_gather %select_n3A_240[%gather3A_973] in [0] : vector<16xf32>, vector<16xi32> -> vector<16xf32>
        %mul3A_975 = arith.constant 16 : i32
        %mul3A_976 = arith.muli %scan3A_215, %mul3A_975 : i32
        %add3A_977 = arith.constant 13 : i32
        %add3A_978 = arith.addi %mul3A_976, %add3A_977 : i32
        %get3A_979 = arith.constant 1 : i32
        %get3A_980 = arith.index_cast %get3A_979 : i32 to index
        %get3A_981 = arith.index_cast %add3A_978 : i32 to index
        %get3A_982 = arith.constant 0 : index
        %get3A_983 = tpu.vector_load %arg6[%get3A_980, %get3A_981, %get3A_982] {strides = array<i32>} : memref<2x208x64xf32, #tpu.memory_space<vmem>>, vector<1x1x16xf32>,
        %get3A_984 = vector.shape_cast %get3A_983 : vector<1x1x16xf32> to vector<16xf32>
        %mul3A_985 = arith.mulf %get3A_984, %gather3A_970 : vector<16xf32>
        %add3A_986 = arith.addf %add3A_930, %mul3A_985 : vector<16xf32>
        %mul3A_987 = arith.mulf %get3A_984, %gather3A_970 : vector<16xf32>
        %add3A_988 = arith.addf %mul3A_987, %gather3A_974 : vector<16xf32>
        %max3A_989 = arith.maximumf %max3A_933, %add3A_988 : vector<16xf32>
        %get3A_990 = arith.constant 1 : i32
        %get3A_991 = arith.index_cast %get3A_990 : i32 to index
        %get3A_992 = arith.index_cast %add3A_978 : i32 to index
        %get3A_993 = arith.constant 16 : index
        %get3A_994 = tpu.vector_load %arg6[%get3A_991, %get3A_992, %get3A_993] {strides = array<i32>} : memref<2x208x64xf32, #tpu.memory_space<vmem>>, vector<1x1x16xf32>,
        %get3A_995 = vector.shape_cast %get3A_994 : vector<1x1x16xf32> to vector<16xf32>
        %mul3A_996 = arith.mulf %get3A_995, %gather3A_970 : vector<16xf32>
        %add3A_997 = arith.addf %add3A_941, %mul3A_996 : vector<16xf32>
        %mul3A_998 = arith.mulf %get3A_995, %gather3A_970 : vector<16xf32>
        %add3A_999 = arith.addf %mul3A_998, %gather3A_974 : vector<16xf32>
        %max3A_1000 = arith.maximumf %max3A_944, %add3A_999 : vector<16xf32>
        %get3A_1001 = arith.constant 1 : i32
        %get3A_1002 = arith.index_cast %get3A_1001 : i32 to index
        %get3A_1003 = arith.index_cast %add3A_978 : i32 to index
        %get3A_1004 = arith.constant 32 : index
        %get3A_1005 = tpu.vector_load %arg6[%get3A_1002, %get3A_1003, %get3A_1004] {strides = array<i32>} : memref<2x208x64xf32, #tpu.memory_space<vmem>>, vector<1x1x16xf32>,
        %get3A_1006 = vector.shape_cast %get3A_1005 : vector<1x1x16xf32> to vector<16xf32>
        %mul3A_1007 = arith.mulf %get3A_1006, %gather3A_970 : vector<16xf32>
        %add3A_1008 = arith.addf %add3A_952, %mul3A_1007 : vector<16xf32>
        %mul3A_1009 = arith.mulf %get3A_1006, %gather3A_970 : vector<16xf32>
        %add3A_1010 = arith.addf %mul3A_1009, %gather3A_974 : vector<16xf32>
        %max3A_1011 = arith.maximumf %max3A_955, %add3A_1010 : vector<16xf32>
        %get3A_1012 = arith.constant 1 : i32
        %get3A_1013 = arith.index_cast %get3A_1012 : i32 to index
        %get3A_1014 = arith.index_cast %add3A_978 : i32 to index
        %get3A_1015 = arith.constant 48 : index
        %get3A_1016 = tpu.vector_load %arg6[%get3A_1013, %get3A_1014, %get3A_1015] {strides = array<i32>} : memref<2x208x64xf32, #tpu.memory_space<vmem>>, vector<1x1x16xf32>,
        %get3A_1017 = vector.shape_cast %get3A_1016 : vector<1x1x16xf32> to vector<16xf32>
        %mul3A_1018 = arith.mulf %get3A_1017, %gather3A_970 : vector<16xf32>
        %add3A_1019 = arith.addf %add3A_963, %mul3A_1018 : vector<16xf32>
        %mul3A_1020 = arith.mulf %get3A_1017, %gather3A_970 : vector<16xf32>
        %add3A_1021 = arith.addf %mul3A_1020, %gather3A_974 : vector<16xf32>
        %max3A_1022 = arith.maximumf %max3A_966, %add3A_1021 : vector<16xf32>
        %broadcast_in_dim3A_1023 = arith.constant 14 : i32
        %broadcast_in_dim3A_1024 = vector.broadcast %broadcast_in_dim3A_1023 : i32 to vector<16x1xi32>
        %gather3A_1025 = vector.shape_cast %broadcast_in_dim3A_1024 : vector<16x1xi32> to vector<16xi32>
        %gather3A_1026 = tpu.dynamic_gather %select_n3A[%gather3A_1025] in [0] : vector<16xf32>, vector<16xi32> -> vector<16xf32>
        %broadcast_in_dim3A_1027 = arith.constant 14 : i32
        %broadcast_in_dim3A_1028 = vector.broadcast %broadcast_in_dim3A_1027 : i32 to vector<16x1xi32>
        %gather3A_1029 = vector.shape_cast %broadcast_in_dim3A_1028 : vector<16x1xi32> to vector<16xi32>
        %gather3A_1030 = tpu.dynamic_gather %select_n3A_240[%gather3A_1029] in [0] : vector<16xf32>, vector<16xi32> -> vector<16xf32>
        %mul3A_1031 = arith.constant 16 : i32
        %mul3A_1032 = arith.muli %scan3A_215, %mul3A_1031 : i32
        %add3A_1033 = arith.constant 14 : i32
        %add3A_1034 = arith.addi %mul3A_1032, %add3A_1033 : i32
        %get3A_1035 = arith.constant 1 : i32
        %get3A_1036 = arith.index_cast %get3A_1035 : i32 to index
        %get3A_1037 = arith.index_cast %add3A_1034 : i32 to index
        %get3A_1038 = arith.constant 0 : index
        %get3A_1039 = tpu.vector_load %arg6[%get3A_1036, %get3A_1037, %get3A_1038] {strides = array<i32>} : memref<2x208x64xf32, #tpu.memory_space<vmem>>, vector<1x1x16xf32>,
        %get3A_1040 = vector.shape_cast %get3A_1039 : vector<1x1x16xf32> to vector<16xf32>
        %mul3A_1041 = arith.mulf %get3A_1040, %gather3A_1026 : vector<16xf32>
        %add3A_1042 = arith.addf %add3A_986, %mul3A_1041 : vector<16xf32>
        %mul3A_1043 = arith.mulf %get3A_1040, %gather3A_1026 : vector<16xf32>
        %add3A_1044 = arith.addf %mul3A_1043, %gather3A_1030 : vector<16xf32>
        %max3A_1045 = arith.maximumf %max3A_989, %add3A_1044 : vector<16xf32>
        %get3A_1046 = arith.constant 1 : i32
        %get3A_1047 = arith.index_cast %get3A_1046 : i32 to index
        %get3A_1048 = arith.index_cast %add3A_1034 : i32 to index
        %get3A_1049 = arith.constant 16 : index
        %get3A_1050 = tpu.vector_load %arg6[%get3A_1047, %get3A_1048, %get3A_1049] {strides = array<i32>} : memref<2x208x64xf32, #tpu.memory_space<vmem>>, vector<1x1x16xf32>,
        %get3A_1051 = vector.shape_cast %get3A_1050 : vector<1x1x16xf32> to vector<16xf32>
        %mul3A_1052 = arith.mulf %get3A_1051, %gather3A_1026 : vector<16xf32>
        %add3A_1053 = arith.addf %add3A_997, %mul3A_1052 : vector<16xf32>
        %mul3A_1054 = arith.mulf %get3A_1051, %gather3A_1026 : vector<16xf32>
        %add3A_1055 = arith.addf %mul3A_1054, %gather3A_1030 : vector<16xf32>
        %max3A_1056 = arith.maximumf %max3A_1000, %add3A_1055 : vector<16xf32>
        %get3A_1057 = arith.constant 1 : i32
        %get3A_1058 = arith.index_cast %get3A_1057 : i32 to index
        %get3A_1059 = arith.index_cast %add3A_1034 : i32 to index
        %get3A_1060 = arith.constant 32 : index
        %get3A_1061 = tpu.vector_load %arg6[%get3A_1058, %get3A_1059, %get3A_1060] {strides = array<i32>} : memref<2x208x64xf32, #tpu.memory_space<vmem>>, vector<1x1x16xf32>,
        %get3A_1062 = vector.shape_cast %get3A_1061 : vector<1x1x16xf32> to vector<16xf32>
        %mul3A_1063 = arith.mulf %get3A_1062, %gather3A_1026 : vector<16xf32>
        %add3A_1064 = arith.addf %add3A_1008, %mul3A_1063 : vector<16xf32>
        %mul3A_1065 = arith.mulf %get3A_1062, %gather3A_1026 : vector<16xf32>
        %add3A_1066 = arith.addf %mul3A_1065, %gather3A_1030 : vector<16xf32>
        %max3A_1067 = arith.maximumf %max3A_1011, %add3A_1066 : vector<16xf32>
        %get3A_1068 = arith.constant 1 : i32
        %get3A_1069 = arith.index_cast %get3A_1068 : i32 to index
        %get3A_1070 = arith.index_cast %add3A_1034 : i32 to index
        %get3A_1071 = arith.constant 48 : index
        %get3A_1072 = tpu.vector_load %arg6[%get3A_1069, %get3A_1070, %get3A_1071] {strides = array<i32>} : memref<2x208x64xf32, #tpu.memory_space<vmem>>, vector<1x1x16xf32>,
        %get3A_1073 = vector.shape_cast %get3A_1072 : vector<1x1x16xf32> to vector<16xf32>
        %mul3A_1074 = arith.mulf %get3A_1073, %gather3A_1026 : vector<16xf32>
        %add3A_1075 = arith.addf %add3A_1019, %mul3A_1074 : vector<16xf32>
        %mul3A_1076 = arith.mulf %get3A_1073, %gather3A_1026 : vector<16xf32>
        %add3A_1077 = arith.addf %mul3A_1076, %gather3A_1030 : vector<16xf32>
        %max3A_1078 = arith.maximumf %max3A_1022, %add3A_1077 : vector<16xf32>
        %broadcast_in_dim3A_1079 = arith.constant 15 : i32
        %broadcast_in_dim3A_1080 = vector.broadcast %broadcast_in_dim3A_1079 : i32 to vector<16x1xi32>
        %gather3A_1081 = vector.shape_cast %broadcast_in_dim3A_1080 : vector<16x1xi32> to vector<16xi32>
        %gather3A_1082 = tpu.dynamic_gather %select_n3A[%gather3A_1081] in [0] : vector<16xf32>, vector<16xi32> -> vector<16xf32>
        %broadcast_in_dim3A_1083 = arith.constant 15 : i32
        %broadcast_in_dim3A_1084 = vector.broadcast %broadcast_in_dim3A_1083 : i32 to vector<16x1xi32>
        %gather3A_1085 = vector.shape_cast %broadcast_in_dim3A_1084 : vector<16x1xi32> to vector<16xi32>
        %gather3A_1086 = tpu.dynamic_gather %select_n3A_240[%gather3A_1085] in [0] : vector<16xf32>, vector<16xi32> -> vector<16xf32>
        %mul3A_1087 = arith.constant 16 : i32
        %mul3A_1088 = arith.muli %scan3A_215, %mul3A_1087 : i32
        %add3A_1089 = arith.constant 15 : i32
        %add3A_1090 = arith.addi %mul3A_1088, %add3A_1089 : i32
        %get3A_1091 = arith.constant 1 : i32
        %get3A_1092 = arith.index_cast %get3A_1091 : i32 to index
        %get3A_1093 = arith.index_cast %add3A_1090 : i32 to index
        %get3A_1094 = arith.constant 0 : index
        %get3A_1095 = tpu.vector_load %arg6[%get3A_1092, %get3A_1093, %get3A_1094] {strides = array<i32>} : memref<2x208x64xf32, #tpu.memory_space<vmem>>, vector<1x1x16xf32>,
        %get3A_1096 = vector.shape_cast %get3A_1095 : vector<1x1x16xf32> to vector<16xf32>
        %mul3A_1097 = arith.mulf %get3A_1096, %gather3A_1082 : vector<16xf32>
        %add3A_1098 = arith.addf %add3A_1042, %mul3A_1097 : vector<16xf32>
        %mul3A_1099 = arith.mulf %get3A_1096, %gather3A_1082 : vector<16xf32>
        %add3A_1100 = arith.addf %mul3A_1099, %gather3A_1086 : vector<16xf32>
        %max3A_1101 = arith.maximumf %max3A_1045, %add3A_1100 : vector<16xf32>
        %get3A_1102 = arith.constant 1 : i32
        %get3A_1103 = arith.index_cast %get3A_1102 : i32 to index
        %get3A_1104 = arith.index_cast %add3A_1090 : i32 to index
        %get3A_1105 = arith.constant 16 : index
        %get3A_1106 = tpu.vector_load %arg6[%get3A_1103, %get3A_1104, %get3A_1105] {strides = array<i32>} : memref<2x208x64xf32, #tpu.memory_space<vmem>>, vector<1x1x16xf32>,
        %get3A_1107 = vector.shape_cast %get3A_1106 : vector<1x1x16xf32> to vector<16xf32>
        %mul3A_1108 = arith.mulf %get3A_1107, %gather3A_1082 : vector<16xf32>
        %add3A_1109 = arith.addf %add3A_1053, %mul3A_1108 : vector<16xf32>
        %mul3A_1110 = arith.mulf %get3A_1107, %gather3A_1082 : vector<16xf32>
        %add3A_1111 = arith.addf %mul3A_1110, %gather3A_1086 : vector<16xf32>
        %max3A_1112 = arith.maximumf %max3A_1056, %add3A_1111 : vector<16xf32>
        %get3A_1113 = arith.constant 1 : i32
        %get3A_1114 = arith.index_cast %get3A_1113 : i32 to index
        %get3A_1115 = arith.index_cast %add3A_1090 : i32 to index
        %get3A_1116 = arith.constant 32 : index
        %get3A_1117 = tpu.vector_load %arg6[%get3A_1114, %get3A_1115, %get3A_1116] {strides = array<i32>} : memref<2x208x64xf32, #tpu.memory_space<vmem>>, vector<1x1x16xf32>,
        %get3A_1118 = vector.shape_cast %get3A_1117 : vector<1x1x16xf32> to vector<16xf32>
        %mul3A_1119 = arith.mulf %get3A_1118, %gather3A_1082 : vector<16xf32>
        %add3A_1120 = arith.addf %add3A_1064, %mul3A_1119 : vector<16xf32>
        %mul3A_1121 = arith.mulf %get3A_1118, %gather3A_1082 : vector<16xf32>
        %add3A_1122 = arith.addf %mul3A_1121, %gather3A_1086 : vector<16xf32>
        %max3A_1123 = arith.maximumf %max3A_1067, %add3A_1122 : vector<16xf32>
        %get3A_1124 = arith.constant 1 : i32
        %get3A_1125 = arith.index_cast %get3A_1124 : i32 to index
        %get3A_1126 = arith.index_cast %add3A_1090 : i32 to index
        %get3A_1127 = arith.constant 48 : index
        %get3A_1128 = tpu.vector_load %arg6[%get3A_1125, %get3A_1126, %get3A_1127] {strides = array<i32>} : memref<2x208x64xf32, #tpu.memory_space<vmem>>, vector<1x1x16xf32>,
        %get3A_1129 = vector.shape_cast %get3A_1128 : vector<1x1x16xf32> to vector<16xf32>
        %mul3A_1130 = arith.mulf %get3A_1129, %gather3A_1082 : vector<16xf32>
        %add3A_1131 = arith.addf %add3A_1075, %mul3A_1130 : vector<16xf32>
        %mul3A_1132 = arith.mulf %get3A_1129, %gather3A_1082 : vector<16xf32>
        %add3A_1133 = arith.addf %mul3A_1132, %gather3A_1086 : vector<16xf32>
        %max3A_1134 = arith.maximumf %max3A_1078, %add3A_1133 : vector<16xf32>
        scf.yield %add3A_1098, %add3A_1109, %add3A_1120, %add3A_1131, %max3A_1101, %max3A_1112, %max3A_1123, %max3A_1134 : vector<16xf32>, vector<16xf32>, vector<16xf32>, vector<16xf32>, vector<16xf32>, vector<16xf32>, vector<16xf32>, vector<16xf32>
      }
      %scan3A_174 = arith.constant 13 : i32
      %swap3A_175 = arith.index_cast %add3A_125 : i32 to index
      %swap3A_176 = arith.constant 0 : index
      %swap3A_177 = tpu.vector_load %arg7[%swap3A_175, %swap3A_176] {strides = array<i32>} : memref<128x128xf32, #tpu.memory_space<vmem>>, vector<1x16xf32>,
      %swap3A_178 = vector.shape_cast %swap3A_177 : vector<1x16xf32> to vector<16xf32>
      %swap3A_179 = vector.shape_cast %scan3A_173#0 : vector<16xf32> to vector<1x16xf32>
      tpu.vector_store %arg7[%swap3A_175, %swap3A_176], %swap3A_179 {strides = array<i32>} : memref<128x128xf32, #tpu.memory_space<vmem>>, vector<1x16xf32>,
      %swap3A_180 = arith.index_cast %add3A_125 : i32 to index
      %swap3A_181 = arith.constant 64 : index
      %swap3A_182 = tpu.vector_load %arg7[%swap3A_180, %swap3A_181] {strides = array<i32>} : memref<128x128xf32, #tpu.memory_space<vmem>>, vector<1x16xf32>,
      %swap3A_183 = vector.shape_cast %swap3A_182 : vector<1x16xf32> to vector<16xf32>
      %swap3A_184 = vector.shape_cast %scan3A_173#4 : vector<16xf32> to vector<1x16xf32>
      tpu.vector_store %arg7[%swap3A_180, %swap3A_181], %swap3A_184 {strides = array<i32>} : memref<128x128xf32, #tpu.memory_space<vmem>>, vector<1x16xf32>,
      %swap3A_185 = arith.index_cast %add3A_125 : i32 to index
      %swap3A_186 = arith.constant 16 : index
      %swap3A_187 = tpu.vector_load %arg7[%swap3A_185, %swap3A_186] {strides = array<i32>} : memref<128x128xf32, #tpu.memory_space<vmem>>, vector<1x16xf32>,
      %swap3A_188 = vector.shape_cast %swap3A_187 : vector<1x16xf32> to vector<16xf32>
      %swap3A_189 = vector.shape_cast %scan3A_173#1 : vector<16xf32> to vector<1x16xf32>
      tpu.vector_store %arg7[%swap3A_185, %swap3A_186], %swap3A_189 {strides = array<i32>} : memref<128x128xf32, #tpu.memory_space<vmem>>, vector<1x16xf32>,
      %swap3A_190 = arith.index_cast %add3A_125 : i32 to index
      %swap3A_191 = arith.constant 80 : index
      %swap3A_192 = tpu.vector_load %arg7[%swap3A_190, %swap3A_191] {strides = array<i32>} : memref<128x128xf32, #tpu.memory_space<vmem>>, vector<1x16xf32>,
      %swap3A_193 = vector.shape_cast %swap3A_192 : vector<1x16xf32> to vector<16xf32>
      %swap3A_194 = vector.shape_cast %scan3A_173#5 : vector<16xf32> to vector<1x16xf32>
      tpu.vector_store %arg7[%swap3A_190, %swap3A_191], %swap3A_194 {strides = array<i32>} : memref<128x128xf32, #tpu.memory_space<vmem>>, vector<1x16xf32>,
      %swap3A_195 = arith.index_cast %add3A_125 : i32 to index
      %swap3A_196 = arith.constant 32 : index
      %swap3A_197 = tpu.vector_load %arg7[%swap3A_195, %swap3A_196] {strides = array<i32>} : memref<128x128xf32, #tpu.memory_space<vmem>>, vector<1x16xf32>,
      %swap3A_198 = vector.shape_cast %swap3A_197 : vector<1x16xf32> to vector<16xf32>
      %swap3A_199 = vector.shape_cast %scan3A_173#2 : vector<16xf32> to vector<1x16xf32>
      tpu.vector_store %arg7[%swap3A_195, %swap3A_196], %swap3A_199 {strides = array<i32>} : memref<128x128xf32, #tpu.memory_space<vmem>>, vector<1x16xf32>,
      %swap3A_200 = arith.index_cast %add3A_125 : i32 to index
      %swap3A_201 = arith.constant 96 : index
      %swap3A_202 = tpu.vector_load %arg7[%swap3A_200, %swap3A_201] {strides = array<i32>} : memref<128x128xf32, #tpu.memory_space<vmem>>, vector<1x16xf32>,
      %swap3A_203 = vector.shape_cast %swap3A_202 : vector<1x16xf32> to vector<16xf32>
      %swap3A_204 = vector.shape_cast %scan3A_173#6 : vector<16xf32> to vector<1x16xf32>
      tpu.vector_store %arg7[%swap3A_200, %swap3A_201], %swap3A_204 {strides = array<i32>} : memref<128x128xf32, #tpu.memory_space<vmem>>, vector<1x16xf32>,
      %swap3A_205 = arith.index_cast %add3A_125 : i32 to index
      %swap3A_206 = arith.constant 48 : index
      %swap3A_207 = tpu.vector_load %arg7[%swap3A_205, %swap3A_206] {strides = array<i32>} : memref<128x128xf32, #tpu.memory_space<vmem>>, vector<1x16xf32>,
      %swap3A_208 = vector.shape_cast %swap3A_207 : vector<1x16xf32> to vector<16xf32>
      %swap3A_209 = vector.shape_cast %scan3A_173#3 : vector<16xf32> to vector<1x16xf32>
      tpu.vector_store %arg7[%swap3A_205, %swap3A_206], %swap3A_209 {strides = array<i32>} : memref<128x128xf32, #tpu.memory_space<vmem>>, vector<1x16xf32>,
      %swap3A_210 = arith.index_cast %add3A_125 : i32 to index
      %swap3A_211 = arith.constant 112 : index
      %swap3A_212 = tpu.vector_load %arg7[%swap3A_210, %swap3A_211] {strides = array<i32>} : memref<128x128xf32, #tpu.memory_space<vmem>>, vector<1x16xf32>,
      %swap3A_213 = vector.shape_cast %swap3A_212 : vector<1x16xf32> to vector<16xf32>
      %swap3A_214 = vector.shape_cast %scan3A_173#7 : vector<16xf32> to vector<1x16xf32>
      tpu.vector_store %arg7[%swap3A_210, %swap3A_211], %swap3A_214 {strides = array<i32>} : memref<128x128xf32, #tpu.memory_space<vmem>>, vector<1x16xf32>,
    }
    %scan3A_33 = arith.constant 64 : i32
    "tpu.region"() ({
      %run_scoped3A = tpu.sem_alloc : memref<!tpu.dma_semaphore, #tpu.memory_space<semaphore_mem>>
      %dma_start3A_34 = arith.constant 0 : i32
      %dma_start3A_35 = tpu.memref_slice %arg4[%mul3A_2, %dma_start3A_34] : memref<4096x128xf32, #tpu.memory_space<hbm>> -> memref<128x128xf32, #tpu.memory_space<hbm>>
      %dma_start3A_36 = arith.constant 0 : i32
      %dma_start3A_37 = tpu.memref_slice %arg4[%mul3A_2, %dma_start3A_36] : memref<4096x128xf32, #tpu.memory_space<hbm>> -> memref<128x128xf32, #tpu.memory_space<hbm>>
      tpu.enqueue_dma source(%arg7 : memref<128x128xf32, #tpu.memory_space<vmem>>) target(%dma_start3A_37 : memref<128x128xf32, #tpu.memory_space<hbm>>) target_semaphore(%run_scoped3A : memref<!tpu.dma_semaphore, #tpu.memory_space<semaphore_mem>>)
      %dma_wait3A = arith.constant 0 : i32
      %dma_wait3A_38 = tpu.memref_slice %arg4[%mul3A_2, %dma_wait3A] : memref<4096x128xf32, #tpu.memory_space<hbm>> -> memref<128x128xf32, #tpu.memory_space<hbm>>
      %dma_wait3A_39 = arith.constant 0 : i32
      %dma_wait3A_40 = tpu.memref_slice %arg4[%mul3A_2, %dma_wait3A_39] : memref<4096x128xf32, #tpu.memory_space<hbm>> -> memref<128x128xf32, #tpu.memory_space<hbm>>
      tpu.wait_dma2 semaphore(%run_scoped3A : memref<!tpu.dma_semaphore, #tpu.memory_space<semaphore_mem>>) src(%arg7 : memref<128x128xf32, #tpu.memory_space<vmem>>) dst(%dma_wait3A_40 : memref<128x128xf32, #tpu.memory_space<hbm>>)
      tpu.yield
    }) : () -> ()
    return
  }
}

module attributes {stable_mosaic.version = 14 : i64} {
  func.func @_mlp_body(%arg0: memref<4096x128xf32, #tpu.memory_space<vmem>>, %arg1: memref<4096x1xf32, #tpu.memory_space<vmem>>, %arg2: memref<64x128xf32, #tpu.memory_space<vmem>>, %arg3: memref<1x64xf32, #tpu.memory_space<vmem>>, %arg4: memref<20x64xf32, #tpu.memory_space<vmem>>, %arg5: memref<1x20xf32, #tpu.memory_space<vmem>>, %arg6: memref<4096x20xf32, #tpu.memory_space<vmem>>) attributes {dimension_semantics = [], scalar_prefetch = 0 : i64, scratch_operands = 0 : i64, tpu.core_type = #tpu.core_type<tc>} {
    %get3A = arith.constant 0 : index
    %get3A_0 = arith.constant 0 : index
    %get3A_1 = vector.load %arg0[%get3A, %get3A_0] : memref<4096x128xf32, #tpu.memory_space<vmem>>, vector<4096x128xf32>
    %slice3A = vector.extract_strided_slice %get3A_1 {offsets = [0, 0], sizes = [4096, 64], strides = [1, 1]} : vector<4096x128xf32> to vector<4096x64xf32>
    %get3A_2 = arith.constant 0 : index
    %get3A_3 = arith.constant 0 : index
    %get3A_4 = vector.load %arg1[%get3A_2, %get3A_3] : memref<4096x1xf32, #tpu.memory_space<vmem>>, vector<4096x1xf32>
    %div3A = vector.broadcast %get3A_4 : vector<4096x1xf32> to vector<4096x64xf32>
    %div3A_5 = arith.divf %slice3A, %div3A : vector<4096x64xf32>
    %slice3A_6 = vector.extract_strided_slice %get3A_1 {offsets = [0, 64], sizes = [4096, 64], strides = [1, 1]} : vector<4096x128xf32> to vector<4096x64xf32>
    %concatenate3A = tpu.concatenate %div3A_5, %slice3A_6 in 1 : vector<4096x64xf32>, vector<4096x64xf32> -> vector<4096x128xf32>
    %get3A_7 = arith.constant 0 : index
    %get3A_8 = arith.constant 0 : index
    %get3A_9 = vector.load %arg2[%get3A_7, %get3A_8] : memref<64x128xf32, #tpu.memory_space<vmem>>, vector<64x128xf32>
    %dot_general3A = arith.constant dense<0.000000e+00> : vector<4096x64xf32>
    %dot_general3A_10 = tpu.matmul %concatenate3A, %get3A_9, %dot_general3A {dimension_numbers = #tpu.dot_dimension_numbers<[1], [1], [0], [0], [0, 0, 1, 0], [], []>, transpose_lhs_hint = false} : vector<4096x128xf32>, vector<64x128xf32>, vector<4096x64xf32> -> vector<4096x64xf32>
    %get3A_11 = arith.constant 0 : index
    %get3A_12 = arith.constant 0 : index
    %get3A_13 = vector.load %arg3[%get3A_11, %get3A_12] : memref<1x64xf32, #tpu.memory_space<vmem>>, vector<1x64xf32>
    %add3A = vector.broadcast %get3A_13 : vector<1x64xf32> to vector<4096x64xf32>
    %add3A_14 = arith.addf %dot_general3A_10, %add3A : vector<4096x64xf32>
    %max3A = arith.constant 0.000000e+00 : f32
    %max3A_15 = vector.broadcast %max3A : f32 to vector<4096x64xf32>
    %max3A_16 = arith.maximumf %add3A_14, %max3A_15 : vector<4096x64xf32>
    %get3A_17 = arith.constant 0 : index
    %get3A_18 = arith.constant 0 : index
    %get3A_19 = vector.load %arg4[%get3A_17, %get3A_18] : memref<20x64xf32, #tpu.memory_space<vmem>>, vector<20x64xf32>
    %dot_general3A_20 = arith.constant dense<0.000000e+00> : vector<4096x20xf32>
    %dot_general3A_21 = tpu.matmul %max3A_16, %get3A_19, %dot_general3A_20 {dimension_numbers = #tpu.dot_dimension_numbers<[1], [1], [0], [0], [0, 0, 1, 0], [], []>, transpose_lhs_hint = false} : vector<4096x64xf32>, vector<20x64xf32>, vector<4096x20xf32> -> vector<4096x20xf32>
    %get3A_22 = arith.constant 0 : index
    %get3A_23 = arith.constant 0 : index
    %get3A_24 = vector.load %arg5[%get3A_22, %get3A_23] : memref<1x20xf32, #tpu.memory_space<vmem>>, vector<1x20xf32>
    %add3A_25 = vector.broadcast %get3A_24 : vector<1x20xf32> to vector<4096x20xf32>
    %add3A_26 = arith.addf %dot_general3A_21, %add3A_25 : vector<4096x20xf32>
    %swap3A = arith.constant 0 : index
    %swap3A_27 = arith.constant 0 : index
    %swap3A_28 = vector.load %arg6[%swap3A, %swap3A_27] : memref<4096x20xf32, #tpu.memory_space<vmem>>, vector<4096x20xf32>
    tpu.vector_store %arg6[%swap3A, %swap3A_27], %add3A_26 {strides = array<i32>} : memref<4096x20xf32, #tpu.memory_space<vmem>>, vector<4096x20xf32>,
    return
  }
}

</mosaic_0001>

<sc_bundles>
// kernel: kernel.4.cloned.1.call-start
scs
__scs_entry_jumppad:
0x0: {  	(pc) =	sbr.rel $0x88, $3  }
0x1: {  	(tag) =	ssettag $0x0;
	lr =	simm.s32 $0x1  }
0x2: {  	[smem:$0x3F9A] =	sst lr;
	_ =	strace $0xD0000000  }
0x3: {  	_ = 	snop  }
0x4: {  	_ = 	snop  }
0x5: {  	_ = 	snop  }
0x6: {  	_ = 	snop  }
0x7: {  	_ = 	snop  }
__scs_overlays_trampoline_lowered:
0x8: {  	[smem:$0x3FA9] =	sst s0  }
0x9: {  	[smem:$0x3FAA] =	sst s1  }
0xa: {  	[smem:$0x3FAB] =	sst s2  }
0xb: {  	[smem:$0x3FAC] =	sst s3  }
0xc: {  	[smem:$0x3FAD] =	sst s4  }
0xd: {  	[smem:$0x3FAE] =	sst s5  }
0xe: {  	[smem:$0x3FAF] =	sst s6  }
0xf: {  	[smem:$0x3FB0] =	sst s7  }
0x10: {  	[smem:$0x3FB1] =	sst s8  }
0x11: {  	[smem:$0x3FB2] =	sst s9;
	s0 =	simm.s32 @!p0 $0x0  }
0x12: {  	s1 =	sld [smem:$0x3F98];
	s0 =	simm.s32 @p0 $0x1  }
0x13: {  	[smem:$0x3FB3] =	sst s0;
	s0 =	simm.s32 @!p1 $0x0  }
0x14: {  	s2 =	sld [smem:$0x3F97];
	s0 =	simm.s32 @p1 $0x1  }
0x15: {  	[smem:$0x3FB4] =	sst s0;
	s0 =	simm.s32 @!p2 $0x0  }
0x16: {  	s3 =	sld [smem:$0x3FDB];
	s0 =	simm.s32 @p2 $0x1  }
0x17: {  	s4 =	simm.s32 $0x1BF5;
	[smem:$0x3FB6] =	sst s0  }
0x18: {  	s0 =	sld [smem:$0x3F99];
	_ =	swait.ge [sflag:s4], $0x0  }
0x19: {  	s7 =	sld [smem:$0x3F9A]  }
0x1a: {  	s8 =	sadd.s32 $0xFFFFE003, lr  }
0x1b: {  	s9 =	sadd.s32 $0xFFFFFEF7, lr;
	s5 =	simm.s32 $0xFFFFFFFF;
	p2 =	slt.u32 s8, $0xFFFFF086  }
0x1c: {  	p1 =	slt.u32 s9, $0xF7A;
	s5 =	simm.s32 @!p2 $0x0  }
0x1d: {  	s5 =	simm.s32 @p1 $0x1;
	p0 =	seq.s32 s7, s2  }
0x1e: {  	s7 =	smul.u32 @!p0 $0xF7A, s2;
	p2 =	seq.s32 @!p0 s5, $0x0  }
0x1f: {  	s9 =	smul.u32 $0xF7A, s1;
	s8 =	simm.s32 @!p0 $0x1BF5;
	p2 =	por !p2, p0  }
0x20: {  	[sflag:s8] =	ssyncset.s32 @!p0 $0xFFFFF086;
	s6 =	sadd.s32 @!p0 s3, s7;
	s7 =	simm.s32 @!p0 $0x108  }
0x21: {  	s3 =	sadd.s32 s3, s9;
	s6 =	sadd.s32 @!p0 $0x88, s6;
	s7 =	simm.s32 @p2 $0x1082  }
0x22: {  	[simem:s7], [sflag:s8] =	dma.local @!p0 [hbm:s6], $0xF7A  }
0x23: {  	s9 =	sor.u32 $0xD0000000, s2;
	s6 =	simm.s32 $0x108;
	_ =	swait.ge @!p0 [sflag:s8], $0x0  }
0x24: {  	s3 =	sadd.s32 $0x88, s3;
	s6 =	simm.s32 @!p1 $0x1082;
	[sflag:s4] =	ssyncset.s32 $0xFFFFF086  }
0x25: {  	[simem:s6], [sflag:s4] =	dma.local [hbm:s3], $0xF7A  }
0x26: {  	[smem:$0x3F9A] =	sst s1;
	(tag) =	ssettag s2;
	_ =	strace s9  }
0x27: {  	s1 =	sld [smem:$0x3FAA]  }
0x28: {  	s2 =	sld [smem:$0x3FAB]  }
0x29: {  	s4 =	sld [smem:$0x3FAD]  }
0x2a: {  	p0 =	seq.s32 s5, $0x0;
	s5 =	sld [smem:$0x3FAE]  }
0x2b: {  	s6 =	sld [smem:$0x3FAF]  }
0x2c: {  	s7 =	sld [smem:$0x3FB0]  }
0x2d: {  	s3 =	simm.s32 $0x108;
	s8 =	sld [smem:$0x3FB1]  }
0x2e: {  	s3 =	simm.s32 @!p0 $0x1082;
	s9 =	sld [smem:$0x3FB2]  }
0x2f: {  	lr =	sadd.s32 s0, s3;
	s0 =	sld [smem:$0x3FA9]  }
0x30: {  	s3 =	sld [smem:$0x3FAC]  }
0x31: {  	[smem:$0x3FB5] =	sst s10  }
0x32: {  	s10 =	sld [smem:$0x3FB3];
	_ =	sdelay $0x3  }
0x33: {  	p0 =	seq.s32 s10, $0x1;
	s10 =	sld [smem:$0x3FB5];
	_ =	sdelay $0x3  }
0x34: {  	[smem:$0x3FB5] =	sst s10  }
0x35: {  	s10 =	sld [smem:$0x3FB4];
	_ =	sdelay $0x3  }
0x36: {  	p1 =	seq.s32 s10, $0x1;
	s10 =	sld [smem:$0x3FB5];
	_ =	sdelay $0x3  }
0x37: {  	[smem:$0x3FB5] =	sst s10  }
0x38: {  	s10 =	sld [smem:$0x3FB6]  }
0x39: {  	_ = 	snop;
	(pc) =	sbr.ind lr, $3  }
0x3a: {  	_ = 	snop  }
0x3b: {  	_ = 	snop  }
0x3c: {  	p2 =	seq.s32 s10, $0x1;
	s10 =	sld [smem:$0x3FB5]  }
0x3d: {  	_ =	shalt  }
0x3e: {  	_ =	shalt  }
0x3f: {  	_ =	shalt  }
0x40: {  	_ =	shalt  }
0x41: {  	_ =	shalt  }
0x42: {  	_ =	shalt  }
0x43: {  	_ =	shalt  }
0x44: {  	_ =	shalt  }
0x45: {  	_ =	shalt  }
0x46: {  	_ =	shalt  }
0x47: {  	_ =	shalt  }
0x48: {  	_ =	shalt  }
0x49: {  	_ =	shalt  }
0x4a: {  	_ =	shalt  }
0x4b: {  	_ =	shalt  }
0x4c: {  	_ =	shalt  }
0x4d: {  	_ =	shalt  }
0x4e: {  	_ =	shalt  }
0x4f: {  	_ =	shalt  }
0x50: {  	_ =	shalt  }
0x51: {  	_ =	shalt  }
0x52: {  	_ =	shalt  }
0x53: {  	_ =	shalt  }
0x54: {  	_ =	shalt  }
0x55: {  	_ =	shalt  }
0x56: {  	_ =	shalt  }
0x57: {  	_ =	shalt  }
0x58: {  	_ =	shalt  }
0x59: {  	_ =	shalt  }
0x5a: {  	_ =	shalt  }
0x5b: {  	_ =	shalt  }
0x5c: {  	_ =	shalt  }
0x5d: {  	_ =	shalt  }
0x5e: {  	_ =	shalt  }
0x5f: {  	_ =	shalt  }
0x60: {  	_ =	shalt  }
0x61: {  	_ =	shalt  }
0x62: {  	_ =	shalt  }
0x63: {  	_ =	shalt  }
0x64: {  	_ =	shalt  }
0x65: {  	_ =	shalt  }
0x66: {  	_ =	shalt  }
0x67: {  	_ =	shalt  }
0x68: {  	_ =	shalt  }
0x69: {  	_ =	shalt  }
0x6a: {  	_ =	shalt  }
0x6b: {  	_ =	shalt  }
0x6c: {  	_ =	shalt  }
0x6d: {  	_ =	shalt  }
0x6e: {  	_ =	shalt  }
0x6f: {  	_ =	shalt  }
0x70: {  	_ =	shalt  }
0x71: {  	_ =	shalt  }
0x72: {  	_ =	shalt  }
0x73: {  	_ =	shalt  }
0x74: {  	_ =	shalt  }
0x75: {  	_ =	shalt  }
0x76: {  	_ =	shalt  }
0x77: {  	_ =	shalt  }
0x78: {  	_ =	shalt  }
0x79: {  	_ =	shalt  }
0x7a: {  	_ =	shalt  }
0x7b: {  	_ =	shalt  }
0x7c: {  	_ =	shalt  }
0x7d: {  	_ =	shalt  }
0x7e: {  	_ =	shalt  }
0x7f: {  	_ =	shalt  }
0x80: {  	_ =	shalt  }
0x81: {  	_ =	shalt  }
0x82: {  	_ =	shalt  }
0x83: {  	_ =	shalt  }
0x84: {  	_ =	shalt  }
0x85: {  	_ =	shalt  }
0x86: {  	_ =	shalt  }
0x87: {  	_ =	shalt  }
.Lfunc_end0:
.L_simem_size_0:
called_computation_lowered:
.L_overlay_start_0:
0x88: {  	s2 =	sld [smem:$0x3FD9]  }
0x89: {  	s3 =	sld [smem:$0x3FFE];
	_ =	sdelay $0x1  }
0x8a: {  	s1 =	srdreg.scid  }
0x8b: {  	s0 =	sand.u32 $0x1, s1  }
0x8c: {  	s16 =	sshll.u32 s0, $0xA;
	s2 =	sadd.s32 s3, s2  }
0x8d: {  	s2 =	sadd.s32 s2, s16  }
0x8e: {  	[smem:$0x3FC1] =	sst s2  }
0x8f: {  	_ = 	snop  }
0x90: {  	(tm) =	ssettm $0x1  }
0x91: {  	s17 =	sld [smem:$0x3FFB];
	_ =	sdelay $0x3  }
0x92: {  	_ =	strace s17  }
0x93: {  	s2 =	sld [smem:$0x3FFC];
	_ =	sdelay $0x3  }
0x94: {  	_ =	strace s2  }
0x95: {  	s2 =	sld [smem:$0x3FFD];
	_ =	sdelay $0x3  }
0x96: {  	_ =	strace s2  }
0x97: {  	_ =	strace $0x8FFFFFFF  }
0x98: {  	s18 =	sld [smem:$0x3FDB];
	_ =	sdelay $0x1  }
0x99: {  	s19 =	simm.s32 $_scs_section_size  }
0x9a: {  	s4 =	simm.s32 $_size__tile_overlayer_lowered;
	s5 =	simm.s32 $_tile_overlayer_lowered  }
0x9b: {  	s22 =	simm.s32 $0x1BFF;
	s21 =	sshll.u32 s5, $0x1;
	s2 =	sadd.s32 s19, s18  }
0x9c: {  	s6 =	simm.s32 $0x0;
	s20 =	sshll.u32 s4, $0x1;
	s4 =	sadd.s32 s21, s2  }
0x9d: {  	[timem:s6], [sflag:s22] =	dma.local [hbm:s4], s20  }
0x9e: {  	_ =	swait.ge [sflag:s22], s20  }
0x9f: {  	s3 =	ssub.s32 $0x0, s20;
	[sflag:s22] =	ssyncset.done $0x0  }
0xa0: {  	[sflag:s22] =	ssyncadd.s32 s3;
	_ =	sdelay $0x1  }
0xa1: {  	s23 =	simm.s32 $0x1B8B  }
0xa2: {  	_ =	swait.ge [sflag:s23], $0x1  }
0xa3: {  	[sflag:s23] =	ssyncset.done $0x0  }
0xa4: {  	s25 =	simm.s32 $0x1B8E;
	s24 =	sld [smem:$0x3FFE];
	[sflag:s23] =	ssyncadd.s32 $0xFFFFFFFF  }
0xa5: {  	s26 =	simm.s32 $execute0_lowered;
	[smem:$0x3FD2] =	sst s25  }
0xa6: {  	s4 =	sshll.u32 s26, $0x1;
	_ =	strace $0x80000046;
	[dreg:$0x1] =	wrdreg $0xFFFFFFFF  }
0xa7: {  	s28 =	simm.s32 $_size_execute0_lowered;
	s2 =	sadd.s32 s2, s4;
	[dreg:$0x0] =	wrdreg $0x0  }
0xa8: {  	s4 =	sshll.u32 s28, $0x1;
	[dreg:$0x2] =	wrdreg s2  }
0xa9: {  	[dreg:$0x3] =	wrdreg s4  }
0xaa: {  	[dreg:$0x4] =	wrdreg $0xC0  }
0xab: {  	_ =	task [dreg:s6], $0x5FFFF  }
0xac: {  	[dreg:$0x1] =	wrdreg $0xFFFFFFFF  }
0xad: {  	[dreg:$0x0] =	wrdreg $0x60  }
0xae: {  	[dreg:$0x2] =	wrdreg s24  }
0xaf: {  	[dreg:$0x3] =	wrdreg $0x9  }
0xb0: {  	_ =	task.clear_ibuf [dreg:s6], $0x4FFFF;
	_ =	strace $0x90000046  }
0xb1: {  	s29 =	simm.s32 $0x9;
	_ =	strace $0x80000048  }
0xb2: {  	_ =	swait.ge [sflag:s29], $0x1  }
0xb3: {  	[sflag:s29] =	ssyncadd.s32 $0xFFFFFFFF  }
0xb4: {  	_ =	strace $0x90000048  }
0xb5: {  	_ =	sfence  }
0xb6: {  	s30 =	sld [smem:$0x0];
	_ =	sdelay $0x2  }
0xb7: {  	s31 =	sshll.u32 s1, $0xD;
	s1 =	sshrl.u32 s1, $0x2  }
0xb8: {  	s3 =	sand.u32 $0x4000, s31;
	s1 =	sadd.s32 s1, s30  }
0xb9: {  	s0 =	sor.u32 s3, s0;
	s1 =	sshll.u32 s1, $0x11  }
0xba: {  	s0 =	sor.u32 s1, s0  }
0xbb: {  	s0 =	sadd.s32 $0x8F2B, s0  }
0xbc: {  	[sflag:s0] =	ssyncadd.remote.s32 $0x1  }
0xbd: {  	_ =	sfence.sel $0xFFFF  }
0xbe: {  	[dreg:$0x0] =	wrdreg $0xFFFFFFFF;
	(pc) =	sbr.abs _section_cstart, $3  }
0xbf: {  	[dreg:$0x1] =	wrdreg $0xFFFFFFFF  }
0xc0: {  	_ =	task.clear_ibuf [dreg:s6], $0x2FFFF;
	_ =	strace $0x9FFFFFFF  }
0xc1: {  	(tm) =	ssettm $0x7FFFFFFF  }
tec
execute0_lowered:
.L_overlay_start_1:
0x0: {  	(tag) =	ssettag $0x1  }
0x1: {  	s1 =	srdreg.scid  }
0x2: {  	s0 =	stileid.u32;
	s4 =	rddreg [dreg:$0x0];
	s2 =	simm.s32 $0x0  }
0x3: {  	s9 =	simm.s32 $0x8000;
	s10 =	simm.s32 $0x9A00;
	s11 =	simm.s32 $0xB400  }
0x4: {  	s12 =	simm.s32 $0xCE00;
	s13 =	simm.s32 $0x1;
	s14 =	simm.s32 $0x2  }
0x5: {  	s15 =	simm.s32 $0xE800;
	s3 =	sand.u32 $0x1, s1;
	s1 =	rddreg [dreg:$0x1]  }
0x6: {  	v42 =	vimm.s32 $0x0;
	v1 =	vimm.f32 $1.000000000e+00;
	s16 =	simm.s32 $0x0;
	s5 =	sshll.u32 s0, $0x1;
	[smem:$0x7FF] =	sst s2  }
0x7: {  	v2 =	vimm.f32 $0.0e+00;
	v43 =	vimm.s32 $0x1;
	v41 =	vimm.s32 $0x2;
	s5 =	sor.u32 s3, s5;
	_ =	strace $0x80000047;
	s7 =	ssub.s32 $0x2, s3  }
0x8: {  	v44 =	vimm.s32 $0x3;
	v39 =	vimm.s32 $0x4;
	v40 =	vimm.s32 $0x5;
	s3 =	sadd.s32 $0xF43600, s4;
	s6 =	sshll.u32 s5, $0xC;
	s5 =	sshll.u32 s5, $0xB  }
0x9: {  	v49 =	vimm.s32 $0x7;
	v51 =	vimm.s32 $0x8;
	v52 =	vimm.s32 $0x9;
	s8 =	sshrl.u32 s7, $0x1;
	s6 =	sadd.s32 s6, s4;
	s5 =	sadd.s32 s5, s4  }
0xa: {  	v46 =	vimm.s32 $0xA;
	v53 =	vimm.s32 $0xB;
	v54 =	vimm.s32 $0xC;
	s7 =	ssub.s32 s7, s8;
	s8 =	simm.s32 $0x68;
	s4 =	sadd.s32 $0x1200, s6  }
0xb: {  	v7 =	vimm.s32 $0xD;
	v14 =	vimm.s32 $0xE;
	v20 =	vimm.s32 $0xF;
	s5 =	sadd.s32 $0x21200, s5;
	s6 =	smax.u32 s7, $0x1;
	s7 =	simm.s32 $0x3  }
.LBB2_1:
0xc: {  	[tilespmem:s2], [sflag:$0x3] =	stream.linear.gather [hbm4b:s4+s2], $0x8000, $0x38;
	[tilespmem:$0x12800] =	vst v63  }
0xd: {  	_ =	swait.ge [sflag:s7], $0x8000  }
0xe: {  	[sflag:s7] =	ssyncset.done $0x0  }
0xf: {  	[sflag:s7] =	ssyncadd.s32 $0xFFFF8000  }
0x10: {  	[tilespmem:s9], [sflag:$0x1] =	stream.indirect.gather [hbm4b:s3+s8], $0x40, s2, s8, $0xb8;
	[tilespmem:$0x12800] =	vst v63  }
0x11: {  	s17 =	simm.s32 $0x100;
	s18 =	simm.s32 $0x0;
	s19 =	simm.s32 $0x0  }
0x12: {  	[tilespmem:s10], [sflag:$0x1] =	stream.indirect.gather [hbm4b:s3+s8], $0x40, s8, s8, $0xb8;
	[tilespmem:$0x12800] =	vst v63  }
.LBB2_2:
0x13: {  	s20 =	sshllo.u32 s19, $0x1  }
0x14: {  	s21 =	sshll.u32 s20, $0x8  }
0x15: {  	s21 =	sand.u32 $0x3FFFFF00, s21  }
0x16: {  	[tilespmem:s11], [sflag:$0x2] =	stream.indirect.gather [hbm4b:s3+s8], $0x40, s21, s8, $0xb8;
	[tilespmem:$0x12800] =	vst v63  }
0x17: {  	s21 =	sor.u32 $0x68, s21  }
0x18: {  	[tilespmem:s12], [sflag:$0x2] =	stream.indirect.gather [hbm4b:s3+s8], $0x40, s21, s8, $0xb8;
	[tilespmem:$0x12800] =	vst v63  }
0x19: {  	_ =	swait.ge [sflag:s13], $0x1A00  }
0x1a: {  	v0 =	vmov s18;
	[sflag:s13] =	ssyncset.done $0x0  }
0x1b: {  	[sflag:s13] =	ssyncadd.s32 $0xFFFFE600  }
0x1c: {  	_ =	swait.ge [sflag:s13], $0x1A00  }
0x1d: {  	[sflag:s13] =	ssyncset.done $0x0  }
0x1e: {  	s22 =	simm.s32 $0x0;
	[sflag:s13] =	ssyncadd.s32 $0xFFFFE600  }
0x1f: {  	[tilespmem:$0x1FC00] =	vst v0;
	v0 =	vld.idx.msk [tilespmem:v0+s22+$0x0 ss:$0x1], $0xffff;
	_ =	sdelay $0x3  }
0x20: {  	s21 =	simm.s32 $0x8200  }
0x21: {  	v3 =	vld [tilespmem:s21+$0x1C0];
	vm0 =	veq.s32 v0, $0x0  }
0x22: {  	v4 =	vld [tilespmem:s21+$0x1D0];
	v22 =	vsel vm0, $0xFF800000, v2;
	v0 =	vsel vm0, $0x0, v1  }
0x23: {  	v5 =	vld [tilespmem:s21+$0x1E0];
	v1 =	vimm.s32 $0xF;
	v19 =	vperm.xlane v22, v14;
	v21 =	vperm.xlane v22, v20  }
0x24: {  	v6 =	vld [tilespmem:s21+$0x1F0];
	v23 =	vperm.xlane v22, v7;
	v24 =	vperm.xlane v0, v1  }
0x25: {  	v8 =	vld [tilespmem:s21+$0x180];
	v25 =	vperm.xlane v0, v14;
	v27 =	vperm.xlane v0, v7  }
0x26: {  	v9 =	vld [tilespmem:s21+$0x190];
	v28 =	vperm.xlane v0, v54;
	v30 =	vperm.xlane v0, v53  }
0x27: {  	v10 =	vld [tilespmem:s21+$0x1A0];
	v31 =	vperm.xlane v0, v46;
	v33 =	vperm.xlane v0, v52  }
0x28: {  	v11 =	vld [tilespmem:s21+$0x1B0];
	v34 =	vperm.xlane v0, v51;
	v37 =	vperm.xlane v0, v49  }
0x29: {  	v12 =	vld [tilespmem:s21+$0x140];
	v2 =	vperm.xlane v0, v39;
	v39 =	vperm.xlane v0, v40  }
0x2a: {  	v13 =	vld [tilespmem:s21+$0x150];
	v1 =	vimm.s32 $0x6;
	v14 =	vperm.xlane v0, v41;
	v7 =	vperm.xlane v0, v44  }
0x2b: {  	v15 =	vld [tilespmem:s21+$0x160];
	v62 =	vperm.xlane v0, v42;
	v36 =	vperm.xlane v0, v1  }
0x2c: {  	v16 =	vld [tilespmem:s21+$0x170];
	v1 =	vperm.xlane v0, v43;
	v0 =	vmul.f32 v6, v24  }
0x2d: {  	v17 =	vld [tilespmem:s21+$0x100]  }
0x2e: {  	v18 =	vld [tilespmem:s21+$0x110];
	v45 =	vmul.f32 v8, v25;
	[tilespmem:$0x1FC70] =	vst v0;
	v0 =	vadd.f32 v0, v21  }
0x2f: {  	v32 =	vld [tilespmem:s21+$0xD0]  }
0x30: {  	v20 =	vld [tilespmem:s21+$0x120];
	v63 =	vmul.f32 v9, v25;
	[tilespmem:$0x1FC80] =	vst v0;
	v0 =	vadd.f32 v45, v19  }
0x31: {  	v40 =	vld [tilespmem:s21+$0x80]  }
0x32: {  	v41 =	vld [tilespmem:s21+$0x90];
	v55 =	vmul.f32 v10, v25;
	[tilespmem:$0x1FCA0] =	vst v0;
	v0 =	vadd.f32 v63, v19  }
0x33: {  	v42 =	vld [tilespmem:s21+$0xA0]  }
0x34: {  	v43 =	vmul.f32 v3, v24;
	v3 =	vld [tilespmem:s21+$0xB0];
	v25 =	vmul.f32 v11, v25;
	[tilespmem:$0x1FCC0] =	vst v0;
	v0 =	vadd.f32 v55, v19  }
0x35: {  	v26 =	vld [tilespmem:s21+$0x130];
	v58 =	vmul.f32 v4, v24;
	v44 =	vmul.f32 v5, v24  }
0x36: {  	v29 =	vld [tilespmem:s21+$0xC0];
	v47 =	vmul.f32 v12, v27;
	v57 =	vmul.f32 v13, v27;
	[tilespmem:$0x1FCE0] =	vst v0;
	v0 =	vadd.f32 v25, v19  }
0x37: {  	v35 =	vld [tilespmem:s21+$0xE0];
	v61 =	vmul.f32 v32, v30;
	v59 =	vmul.f32 v20, v28  }
0x38: {  	v9 =	vld [tilespmem:s21+$0xFFFFFE00];
	v20 =	vmul.f32 v40, v31;
	v41 =	vmul.f32 v41, v31;
	[tilespmem:$0x1FD00] =	vst v0;
	v0 =	vadd.f32 v47, v23  }
0x39: {  	v38 =	vld [tilespmem:s21+$0xF0];
	v32 =	vmul.f32 v42, v31;
	v31 =	vmul.f32 v3, v31;
	v3 =	vadd.f32 v43, v21  }
0x3a: {  	v56 =	vmul.f32 v15, v27;
	v27 =	vmul.f32 v16, v27;
	v12 =	vld [tilespmem:s21+$0xFFFFFE40];
	[tilespmem:$0x1FD20] =	vst v0;
	v0 =	vadd.f32 v57, v23  }
0x3b: {  	v48 =	vmul.f32 v17, v28;
	v60 =	vmul.f32 v18, v28;
	[tilespmem:$0x1FC20] =	vst v3;
	v3 =	vadd.f32 v58, v21  }
0x3c: {  	v6 =	vld [tilespmem:s21+$0x60];
	v26 =	vmul.f32 v26, v28;
	v18 =	vmul.f32 v29, v30;
	[tilespmem:$0x1FD40] =	vst v0;
	v0 =	vadd.f32 v56, v23  }
0x3d: {  	v29 =	vmul.f32 v35, v30;
	v11 =	vimm.f32 $0.0e+00;
	v50 =	vmul.f32 v9, v62;
	[tilespmem:$0x1FC40] =	vst v3  }
0x3e: {  	v3 =	vadd.f32 v44, v21;
	v21 =	vperm.xlane v22, v54;
	[tilespmem:$0x1FD60] =	vst v0;
	v0 =	vadd.f32 v27, v23  }
0x3f: {  	v28 =	vmul.f32 v38, v30;
	v30 =	vmul.f32 v12, v1;
	v24 =	vadd.f32 v50, v11  }
0x40: {  	[tilespmem:$0x1FD80] =	vst v0;
	v0 =	vadd.f32 v48, v21  }
0x41: {  	v40 =	vmul.f32 v6, v33;
	v6 =	vadd.f32 v30, v24;
	v24 =	vld [tilespmem:s21+$0xFFFFFFD0]  }
0x42: {  	[tilespmem:$0x1FD90] =	vst v0;
	v0 =	vadd.f32 v60, v21;
	_ =	sdelay $0x1  }
0x43: {  	v5 =	vld [tilespmem:s21+$0x50];
	[tilespmem:$0x1FDB0] =	vst v0;
	v0 =	vadd.f32 v59, v21  }
0x44: {  	v8 =	vld [tilespmem:s21+$0x70];
	[tilespmem:$0x1FC50] =	vst v44  }
0x45: {  	v15 =	vld [tilespmem:s21+$0xFFFFFE80];
	v44 =	vmul.f32 v24, v37;
	v24 =	vperm.xlane v22, v53;
	[tilespmem:$0x1FDD0] =	vst v0;
	v0 =	vadd.f32 v26, v21  }
0x46: {  	v10 =	vld [tilespmem:s21+$0x0]  }
0x47: {  	v9 =	vld [tilespmem:s21+$0xFFFFFEC0];
	[tilespmem:$0x1FDF0] =	vst v0;
	v0 =	vadd.f32 v18, v24  }
0x48: {  	v13 =	vld [tilespmem:s21+$0x10]  }
0x49: {  	v11 =	vmul.f32 v5, v33;
	v5 =	vld [tilespmem:s21+$0xFFFFFF00];
	[tilespmem:$0x1FE00] =	vst v0;
	v0 =	vadd.f32 v61, v24  }
0x4a: {  	[tilespmem:$0x1FC10] =	vst v43;
	v15 =	vmul.f32 v15, v14  }
0x4b: {  	[tilespmem:$0x1FE20] =	vst v0;
	v0 =	vadd.f32 v29, v24  }
0x4c: {  	v16 =	vld [tilespmem:s21+$0x20];
	[tilespmem:$0x1FC30] =	vst v58;
	v35 =	vmul.f32 v8, v33;
	v38 =	vmul.f32 v9, v7;
	v6 =	vadd.f32 v15, v6  }
0x4d: {  	v8 =	vmul.f32 v10, v34;
	v10 =	vld [tilespmem:s21+$0xFFFFFF40];
	v21 =	vperm.xlane v22, v46;
	[tilespmem:$0x1FE40] =	vst v0;
	v0 =	vadd.f32 v28, v24  }
0x4e: {  	v17 =	vld [tilespmem:s21+$0x30];
	[tilespmem:$0x1FFB0] =	vst v15;
	v15 =	vmul.f32 v13, v34;
	v13 =	vmul.f32 v5, v2;
	v6 =	vadd.f32 v38, v6  }
0x4f: {  	v12 =	vld [tilespmem:s21+$0xFFFFFFC0];
	[tilespmem:$0x1FE60] =	vst v0;
	v0 =	vadd.f32 v41, v21  }
0x50: {  	[tilespmem:$0x1FC90] =	vst v45;
	v6 =	vadd.f32 v13, v6  }
0x51: {  	v9 =	vld [tilespmem:s21+$0xFFFFFF80];
	[tilespmem:$0x1FE80] =	vst v0;
	v0 =	vadd.f32 v32, v21  }
0x52: {  	v10 =	vmul.f32 v10, v39;
	[tilespmem:$0x1FC60] =	vst v3;
	v3 =	vmul.f32 v16, v34;
	v16 =	vld [tilespmem:s21+$0xFFFFFFF0]  }
0x53: {  	v5 =	vld [tilespmem:s21+$0xFFFFFFE0];
	v24 =	vperm.xlane v22, v52;
	[tilespmem:$0x1FEA0] =	vst v0;
	v0 =	vadd.f32 v31, v21  }
0x54: {  	v34 =	vmul.f32 v17, v34;
	v17 =	vmul.f32 v12, v37;
	v12 =	vadd.f32 v10, v6;
	v6 =	vmovc v11  }
0x55: {  	[tilespmem:$0x1FEC0] =	vst v0;
	v0 =	vadd.f32 v6, v24  }
0x56: {  	v4 =	vld [tilespmem:s21+$0x40];
	[tilespmem:$0x1FCB0] =	vst v63;
	v9 =	vmul.f32 v9, v36  }
0x57: {  	v19 =	vld [tilespmem:s21+$0xFFFFFF90];
	[tilespmem:$0x1FED0] =	vst v0;
	v0 =	vadd.f32 v40, v24  }
0x58: {  	[tilespmem:$0x1FCD0] =	vst v55;
	v11 =	vmul.f32 v5, v37;
	v37 =	vmul.f32 v16, v37;
	v12 =	vadd.f32 v9, v12;
	v16 =	vld [tilespmem:s21+$0xFFFFFFB0]  }
0x59: {  	v46 =	vadd.f32 v20, v21;
	v21 =	vperm.xlane v22, v51;
	[tilespmem:$0x1FEF0] =	vst v0;
	v0 =	vadd.f32 v35, v24  }
0x5a: {  	[tilespmem:$0x1FCF0] =	vst v25  }
0x5b: {  	v12 =	vadd.f32 v17, v12;
	[tilespmem:$0x1FF10] =	vst v0;
	v0 =	vadd.f32 v3, v21  }
0x5c: {  	[tilespmem:$0x1FD10] =	vst v47;
	v4 =	vmul.f32 v4, v33;
	v53 =	vmul.f32 v19, v36;
	v19 =	vld [tilespmem:s21+$0xFFFFFF50]  }
0x5d: {  	v12 =	vadd.f32 v8, v12;
	v33 =	vmul.f32 v16, v36;
	v16 =	vld [tilespmem:s21+$0xFFFFFF10];
	[tilespmem:$0x1FF30] =	vst v0;
	v0 =	vadd.f32 v34, v21  }
0x5e: {  	[tilespmem:$0x1FE90] =	vst v32;
	v23 =	vld [tilespmem:s21+$0xFFFFFFA0];
	v32 =	vadd.f32 v8, v21;
	v8 =	vperm.xlane v22, v49  }
0x5f: {  	v55 =	vadd.f32 v4, v12;
	v51 =	vadd.f32 v4, v24;
	[tilespmem:$0x1FF50] =	vst v0;
	v0 =	vimm.s32 $0x6  }
0x60: {  	[tilespmem:$0x1FD70] =	vst v27;
	v27 =	vld [tilespmem:s21+$0xFFFFFF20];
	v4 =	vadd.f32 v17, v8;
	v17 =	vperm.xlane v22, v0;
	v0 =	vadd.f32 v11, v8  }
0x61: {  	[tilespmem:$0x1FE30] =	vst v29;
	v42 =	vmul.f32 v19, v39;
	v19 =	vld [tilespmem:s21+$0xFFFFFED0]  }
0x62: {  	v12 =	vmul.f32 v16, v2;
	v16 =	vld [tilespmem:s21+$0xFFFFFEE0];
	[tilespmem:$0x1FF60] =	vst v0;
	v0 =	vadd.f32 v37, v8  }
0x63: {  	[tilespmem:$0x1FE50] =	vst v28;
	v29 =	vld [tilespmem:s21+$0xFFFFFF30];
	v28 =	vmul.f32 v23, v36  }
0x64: {  	v63 =	vld [tilespmem:s21+$0xFFFFFEB0];
	[tilespmem:$0x1FF70] =	vst v0;
	v0 =	vimm.s32 $0x5  }
0x65: {  	[tilespmem:$0x1FE10] =	vst v61;
	v5 =	vmov v15;
	v61 =	vperm.xlane v22, v0;
	v0 =	vadd.f32 v28, v17  }
0x66: {  	[tilespmem:$0x1FDC0] =	vst v59;
	v49 =	vadd.f32 v5, v21;
	v21 =	vld [tilespmem:s21+$0xFFFFFE90]  }
0x67: {  	v58 =	vmul.f32 v27, v2;
	v27 =	vld [tilespmem:s21+$0xFFFFFEA0];
	v54 =	vmul.f32 v19, v7;
	[tilespmem:$0x1FF80] =	vst v0;
	v0 =	vadd.f32 v33, v17  }
0x68: {  	[tilespmem:$0x1FEB0] =	vst v31;
	v59 =	vmul.f32 v29, v2;
	v2 =	vmul.f32 v16, v7;
	v16 =	vld [tilespmem:s21+$0xFFFFFE10]  }
0x69: {  	v36 =	vmul.f32 v63, v14;
	v31 =	vadd.f32 v44, v8;
	[tilespmem:$0x1FF90] =	vst v0;
	v0 =	vimm.s32 $0x4  }
0x6a: {  	[tilespmem:$0x1FD30] =	vst v57;
	v8 =	vadd.f32 v9, v17;
	v19 =	vperm.xlane v22, v0;
	v0 =	vimm.s32 $0x3  }
0x6b: {  	v25 =	vld [tilespmem:s21+$0xFFFFFF60];
	[tilespmem:$0x1FF40] =	vst v34;
	v29 =	vmul.f32 v21, v14;
	v34 =	vperm.xlane v22, v0;
	v0 =	vimm.s32 $0x1  }
0x6c: {  	[tilespmem:$0x1FD50] =	vst v56;
	v23 =	vld [tilespmem:s21+$0xFFFFFF70];
	v9 =	vmul.f32 v27, v14;
	v63 =	vperm.xlane v22, v0;
	v0 =	vimm.s32 $0x2  }
0x6d: {  	[tilespmem:$0x1FEE0] =	vst v40;
	v24 =	vld [tilespmem:s21+$0xFFFFFEF0];
	v14 =	vmul.f32 v16, v62;
	v40 =	vperm.xlane v22, v0;
	v0 =	vimm.f32 $0.0e+00  }
0x6e: {  	[tilespmem:$0x1FFA0] =	vst v0;
	v0 =	vimm.f32 $0.0e+00  }
0x6f: {  	[tilespmem:$0x1FDA0] =	vst v60;
	v45 =	vld [tilespmem:s21+$0xFFFFFE60];
	v16 =	vadd.f32 v14, v0;
	v0 =	vimm.s32 $0x0  }
0x70: {  	[tilespmem:$0x1FDE0] =	vst v26;
	v22 =	vperm.xlane v22, v0;
	v0 =	vld [tilespmem:$0x1FFB0]  }
0x71: {  	[tilespmem:$0x1FF00] =	vst v35;
	v25 =	vmul.f32 v25, v39;
	v26 =	vmul.f32 v23, v39;
	v35 =	vadd.f32 v53, v17;
	v17 =	vld [tilespmem:s21+$0xFFFFFE50]  }
0x72: {  	v23 =	vmovc v37;
	v37 =	vmul.f32 v24, v7;
	v10 =	vadd.f32 v10, v61;
	v7 =	vadd.f32 v42, v61  }
0x73: {  	[tilespmem:$0x1FE70] =	vst v41;
	v47 =	vadd.f32 v25, v61;
	v24 =	vadd.f32 v26, v61  }
0x74: {  	v45 =	vmul.f32 v45, v1;
	v15 =	vmovc v48;
	v48 =	vadd.f32 v13, v19;
	v43 =	vadd.f32 v12, v19  }
0x75: {  	[tilespmem:$0x1FF20] =	vst v3;
	v27 =	vadd.f32 v58, v19;
	v57 =	vadd.f32 v0, v40;
	v0 =	vimm.f32 $-Inf  }
0x76: {  	v52 =	vadd.f32 v59, v19;
	v17 =	vmul.f32 v17, v1;
	[tilespmem:$0x1FFC0] =	vst v0;
	v0 =	vimm.f32 $0.0e+00  }
0x77: {  	v60 =	vld [tilespmem:s21+$0xFFFFFE70];
	v56 =	vadd.f32 v38, v34;
	v13 =	vadd.f32 v54, v34;
	[tilespmem:$0x1FFD0] =	vst v0;
	v0 =	vimm.f32 $-Inf  }
0x78: {  	s31 =	sshll.u32 s19, $0x9;
	v19 =	vld [tilespmem:s21+$0xFFFFFE30];
	v39 =	vadd.f32 v2, v34;
	v61 =	vadd.f32 v37, v34;
	[tilespmem:$0x1FFE0] =	vst v0;
	v0 =	vimm.f32 $-Inf  }
0x79: {  	s23 =	simm.s32 $0x40;
	s22 =	sand.u32 $0x3FFFFE00, s31;
	v41 =	vmovc v11;
	v21 =	vimm.f32 $-Inf;
	v34 =	vld [tilespmem:s21+$0xFFFFFE20];
	v38 =	vadd.f32 v17, v16;
	v16 =	vadd.f32 v29, v40;
	[tilespmem:$0x1FFF0] =	vst v0  }
.LBB2_3:
0x7a: {  	v20 =	vadd.f32 v20, v55  }
0x7b: {  	v0 =	vld [tilespmem:$0x1FD10]  }
0x7c: {  	v18 =	vadd.f32 v18, v20  }
0x7d: {  	v3 =	vld [tilespmem:$0x1FC90]  }
0x7e: {  	v11 =	vadd.f32 v15, v18;
	_ =	sdelay $0x1  }
0x7f: {  	v0 =	vadd.f32 v0, v11;
	_ =	sdelay $0x1  }
0x80: {  	v29 =	vadd.f32 v29, v38;
	v0 =	vadd.f32 v3, v0;
	v3 =	vld [tilespmem:$0x1FC10]  }
0x81: {  	v50 =	vadd.f32 v50, v22  }
0x82: {  	v30 =	vadd.f32 v30, v63;
	v29 =	vadd.f32 v54, v29  }
0x83: {  	v20 =	vmax.f32 v21, v50  }
0x84: {  	v20 =	vmax.f32 v20, v30;
	v12 =	vadd.f32 v12, v29  }
0x85: {  	v20 =	vmax.f32 v20, v57;
	v0 =	vadd.f32 v3, v0;
	v3 =	vld [tilespmem:$0x1FFA0]  }
0x86: {  	v20 =	vmax.f32 v20, v56;
	v12 =	vadd.f32 v42, v12  }
0x87: {  	v20 =	vmax.f32 v20, v48  }
0x88: {  	v34 =	vmul.f32 v34, v62;
	v10 =	vmax.f32 v20, v10;
	v12 =	vadd.f32 v53, v12  }
0x89: {  	v8 =	vmax.f32 v10, v8;
	[tilespmem:$0x1FBC0] =	vst v0;
	v0 =	vld [tilespmem:$0x1FFC0]  }
0x8a: {  	v4 =	vmax.f32 v8, v4;
	v8 =	vadd.f32 v44, v12;
	v10 =	vadd.f32 v34, v3;
	v3 =	vld [tilespmem:$0x1FFD0];
	_ =	sdelay $0x1  }
0x8b: {  	v8 =	vadd.f32 v5, v8;
	v5 =	vld [tilespmem:$0x1FE70]  }
0x8c: {  	v19 =	vmul.f32 v19, v62;
	v11 =	vadd.f32 v14, v22;
	_ =	sdelay $0x1  }
0x8d: {  	v0 =	vmax.f32 v0, v11;
	v11 =	vadd.f32 v19, v3;
	v3 =	vadd.f32 v6, v8;
	_ =	sdelay $0x1  }
0x8e: {  	v3 =	vadd.f32 v5, v3;
	v5 =	vld [tilespmem:$0x1FE00];
	_ =	sdelay $0x1  }
0x8f: {  	v4 =	vmax.f32 v4, v32  }
0x90: {  	v4 =	vmax.f32 v4, v51  }
0x91: {  	v4 =	vmax.f32 v4, v46  }
0x92: {  	v17 =	vadd.f32 v17, v63;
	v4 =	vmax.f32 v4, v5;
	v5 =	vld [tilespmem:$0x1FD90];
	_ =	sdelay $0x1  }
0x93: {  	v0 =	vmax.f32 v0, v17  }
0x94: {  	v0 =	vmax.f32 v0, v16  }
0x95: {  	v0 =	vmax.f32 v0, v13  }
0x96: {  	v0 =	vmax.f32 v0, v43;
	v4 =	vmax.f32 v4, v5;
	v5 =	vld [tilespmem:$0x1FED0]  }
0x97: {  	v0 =	vmax.f32 v0, v7  }
0x98: {  	v0 =	vmax.f32 v0, v35  }
0x99: {  	v0 =	vmax.f32 v0, v31  }
0x9a: {  	v0 =	vmax.f32 v0, v49  }
0x9b: {  	v0 =	vmax.f32 v0, v5;
	v5 =	vld [tilespmem:$0x1FE80];
	_ =	sdelay $0x4  }
0x9c: {  	v0 =	vmax.f32 v0, v5;
	v5 =	vld [tilespmem:$0x1FD20];
	_ =	sdelay $0x4  }
0x9d: {  	v4 =	vmax.f32 v4, v5;
	v5 =	vld [tilespmem:$0x1FE20];
	_ =	sdelay $0x4  }
0x9e: {  	v0 =	vmax.f32 v0, v5;
	v5 =	vld [tilespmem:$0x1FDB0];
	_ =	sdelay $0x4  }
0x9f: {  	v0 =	vmax.f32 v0, v5;
	v5 =	vld [tilespmem:$0x1FCA0];
	_ =	sdelay $0x3  }
0xa0: {  	v7 =	vld [tilespmem:$0x1FE10]  }
0xa1: {  	v4 =	vmax.f32 v4, v5;
	v5 =	vld [tilespmem:$0x1FD40];
	_ =	sdelay $0x3  }
0xa2: {  	v3 =	vadd.f32 v7, v3;
	v7 =	vld [tilespmem:$0x1FDA0]  }
0xa3: {  	v0 =	vmax.f32 v0, v5;
	v5 =	vld [tilespmem:$0x1FCC0];
	_ =	sdelay $0x3  }
0xa4: {  	v3 =	vadd.f32 v7, v3;
	v7 =	vld [tilespmem:$0x1FD30]  }
0xa5: {  	v0 =	vmax.f32 v0, v5;
	v5 =	vld [tilespmem:$0x1FC20];
	_ =	sdelay $0x1  }
0xa6: {  	v10 =	vadd.f32 v45, v10;
	_ =	sdelay $0x1  }
0xa7: {  	v8 =	vadd.f32 v9, v10;
	v3 =	vadd.f32 v7, v3;
	v7 =	vld [tilespmem:$0x1FCB0]  }
0xa8: {  	v1 =	vmul.f32 v60, v1;
	v4 =	vmax.f32 v4, v5  }
0xa9: {  	v2 =	vadd.f32 v2, v8;
	[tilespmem:$0x1FBD0] =	vst v4;
	v4 =	vld [tilespmem:$0x1FC30]  }
0xaa: {  	v14 =	vadd.f32 v1, v63;
	v1 =	vadd.f32 v1, v11  }
0xab: {  	v2 =	vadd.f32 v58, v2  }
0xac: {  	v1 =	vadd.f32 v36, v1;
	v3 =	vadd.f32 v7, v3  }
0xad: {  	v2 =	vadd.f32 v25, v2  }
0xae: {  	v1 =	vadd.f32 v37, v1;
	v3 =	vadd.f32 v4, v3;
	v4 =	vld [tilespmem:$0x1FF20]  }
0xaf: {  	v2 =	vadd.f32 v28, v2  }
0xb0: {  	v1 =	vadd.f32 v59, v1  }
0xb1: {  	v2 =	vadd.f32 v41, v2  }
0xb2: {  	v1 =	vadd.f32 v26, v1  }
0xb3: {  	v2 =	vadd.f32 v4, v2;
	v4 =	vld [tilespmem:$0x1FF40]  }
0xb4: {  	v1 =	vadd.f32 v33, v1;
	_ =	sdelay $0x1  }
0xb5: {  	v1 =	vadd.f32 v23, v1;
	_ =	sdelay $0x1  }
0xb6: {  	v1 =	vadd.f32 v4, v1;
	v4 =	vld [tilespmem:$0x1FEE0];
	_ =	sdelay $0x4  }
0xb7: {  	v2 =	vadd.f32 v4, v2;
	v4 =	vld [tilespmem:$0x1FF00];
	_ =	sdelay $0x2  }
0xb8: {  	[tilespmem:$0x1FBF0] =	vst v3;
	v3 =	vld [tilespmem:$0x1FC40];
	_ =	sdelay $0x1  }
0xb9: {  	v1 =	vadd.f32 v4, v1;
	v4 =	vld [tilespmem:$0x1FE90];
	_ =	sdelay $0x2  }
0xba: {  	v0 =	vmax.f32 v0, v3  }
0xbb: {  	[tilespmem:$0x1FFC0] =	vst v0;
	v0 =	vld [tilespmem:$0x1FFE0]  }
0xbc: {  	v2 =	vadd.f32 v4, v2;
	v4 =	vld [tilespmem:$0x1FEB0];
	_ =	sdelay $0x1  }
0xbd: {  	v20 =	vadd.f32 v34, v22  }
0xbe: {  	v18 =	vadd.f32 v45, v63  }
0xbf: {  	v54 =	vadd.f32 v9, v40;
	v3 =	vld [tilespmem:$0x1FFF0];
	v0 =	vmax.f32 v0, v20  }
0xc0: {  	v0 =	vmax.f32 v0, v18;
	v1 =	vadd.f32 v4, v1;
	v4 =	vld [tilespmem:$0x1FF80]  }
0xc1: {  	v0 =	vmax.f32 v0, v54  }
0xc2: {  	v21 =	vadd.f32 v19, v22;
	v0 =	vmax.f32 v0, v39  }
0xc3: {  	v0 =	vmax.f32 v0, v27  }
0xc4: {  	v55 =	vadd.f32 v36, v40;
	v3 =	vmax.f32 v3, v21;
	v0 =	vmax.f32 v0, v47  }
0xc5: {  	v3 =	vmax.f32 v3, v14;
	v0 =	vmax.f32 v0, v4;
	v4 =	vld [tilespmem:$0x1FF90]  }
0xc6: {  	v3 =	vmax.f32 v3, v55  }
0xc7: {  	v3 =	vmax.f32 v3, v61  }
0xc8: {  	v3 =	vmax.f32 v3, v52  }
0xc9: {  	v3 =	vmax.f32 v3, v24  }
0xca: {  	v3 =	vmax.f32 v3, v4;
	v4 =	vld [tilespmem:$0x1FE30];
	_ =	sdelay $0x4  }
0xcb: {  	v2 =	vadd.f32 v4, v2;
	v4 =	vld [tilespmem:$0x1FF60];
	_ =	sdelay $0x4  }
0xcc: {  	v0 =	vmax.f32 v0, v4;
	v4 =	vld [tilespmem:$0x1FF70];
	_ =	sdelay $0x4  }
0xcd: {  	v3 =	vmax.f32 v3, v4;
	v4 =	vld [tilespmem:$0x1FE50];
	_ =	sdelay $0x4  }
0xce: {  	v1 =	vadd.f32 v4, v1;
	v4 =	vld [tilespmem:$0x1FF30];
	_ =	sdelay $0x4  }
0xcf: {  	v0 =	vmax.f32 v0, v4;
	v4 =	vld [tilespmem:$0x1FF50];
	_ =	sdelay $0x4  }
0xd0: {  	v3 =	vmax.f32 v3, v4;
	v4 =	vld [tilespmem:$0x1FDC0];
	_ =	sdelay $0x4  }
0xd1: {  	v2 =	vadd.f32 v4, v2;
	v4 =	vld [tilespmem:$0x1FEF0]  }
0xd2: {  	v5 =	vld [tilespmem:$0x1FEA0];
	_ =	sdelay $0x3  }
0xd3: {  	v0 =	vmax.f32 v0, v4;
	v4 =	vld [tilespmem:$0x1FF10]  }
0xd4: {  	v0 =	vmax.f32 v0, v5;
	v5 =	vld [tilespmem:$0x1FEC0];
	_ =	sdelay $0x3  }
0xd5: {  	v3 =	vmax.f32 v3, v4  }
0xd6: {  	v3 =	vmax.f32 v3, v5;
	v5 =	vld [tilespmem:$0x1FD50];
	_ =	sdelay $0x4  }
0xd7: {  	v2 =	vadd.f32 v5, v2;
	v5 =	vld [tilespmem:$0x1FE40];
	_ =	sdelay $0x4  }
0xd8: {  	v0 =	vmax.f32 v0, v5;
	v5 =	vld [tilespmem:$0x1FE60];
	_ =	sdelay $0x2  }
0xd9: {  	v4 =	vld [tilespmem:$0x1FDE0];
	_ =	sdelay $0x1  }
0xda: {  	v3 =	vmax.f32 v3, v5;
	v5 =	vld [tilespmem:$0x1FD70];
	_ =	sdelay $0x2  }
0xdb: {  	v1 =	vadd.f32 v4, v1;
	_ =	sdelay $0x1  }
0xdc: {  	v1 =	vadd.f32 v5, v1;
	v5 =	vld [tilespmem:$0x1FDD0];
	_ =	sdelay $0x4  }
0xdd: {  	v0 =	vmax.f32 v0, v5;
	v5 =	vld [tilespmem:$0x1FDF0];
	_ =	sdelay $0x4  }
0xde: {  	v3 =	vmax.f32 v3, v5;
	v5 =	vld [tilespmem:$0x1FCD0];
	_ =	sdelay $0x4  }
0xdf: {  	v2 =	vadd.f32 v5, v2;
	v5 =	vld [tilespmem:$0x1FD60];
	_ =	sdelay $0x4  }
0xe0: {  	v0 =	vmax.f32 v0, v5;
	v5 =	vld [tilespmem:$0x1FD80];
	_ =	sdelay $0x4  }
0xe1: {  	v3 =	vmax.f32 v3, v5;
	v5 =	vld [tilespmem:$0x1FCF0];
	_ =	sdelay $0x4  }
0xe2: {  	v1 =	vadd.f32 v5, v1;
	v5 =	vld [tilespmem:$0x1FCE0];
	_ =	sdelay $0x4  }
0xe3: {  	v0 =	vmax.f32 v0, v5;
	v5 =	vld [tilespmem:$0x1FD00];
	_ =	sdelay $0x4  }
0xe4: {  	v3 =	vmax.f32 v3, v5;
	v5 =	vld [tilespmem:$0x1FC50];
	_ =	sdelay $0x4  }
0xe5: {  	v2 =	vadd.f32 v5, v2;
	_ =	sdelay $0x1  }
0xe6: {  	[tilespmem:$0x1FFA0] =	vst v2;
	v2 =	vld [tilespmem:$0x1FC60];
	_ =	sdelay $0x3  }
0xe7: {  	v4 =	vld [tilespmem:$0x1FC00]  }
0xe8: {  	v0 =	vmax.f32 v0, v2  }
0xe9: {  	[tilespmem:$0x1FFE0] =	vst v0;
	v0 =	vld [tilespmem:$0x1FC70];
	_ =	sdelay $0x4  }
0xea: {  	s24 =	sshra.s32 s23, $0x2;
	v0 =	vadd.f32 v0, v1  }
0xeb: {  	v4 =	vld.idx.msk [tilespmem:v4+s24+$0x0 ss:$0x1], $0xffff  }
0xec: {  	[tilespmem:$0x1FFD0] =	vst v0;
	v0 =	vld [tilespmem:$0x1FC80];
	_ =	sdelay $0x3  }
0xed: {  	s21 =	sadd.s32 $0x400, s21;
	v22 =	vimm.s32 $0x9  }
0xee: {  	v15 =	vld [tilespmem:s21+$0x1F0];
	vm0 =	veq.s32 v4, $0x0;
	v2 =	vimm.f32 $1.000000000e+00;
	v0 =	vmax.f32 v3, v0  }
0xef: {  	v21 =	vimm.s32 $0xC;
	v14 =	vsel vm0, $0x0, v2;
	v2 =	vimm.s32 $0xF;
	[tilespmem:$0x1FFF0] =	vst v0;
	v0 =	vld [tilespmem:s21+$0x1D0]  }
0xf0: {  	v4 =	vimm.s32 $0xE;
	v18 =	vperm.xlane v14, v2;
	v1 =	vimm.f32 $0.0e+00  }
0xf1: {  	v17 =	vld [tilespmem:s21+$0x180];
	v19 =	vperm.xlane v14, v4;
	v29 =	vperm.xlane v14, v21;
	v1 =	vsel vm0, $0xFF800000, v1  }
0xf2: {  	v38 =	vperm.xlane v14, v22;
	v62 =	vperm.xlane v1, v4  }
0xf3: {  	v20 =	vld [tilespmem:s21+$0x190];
	v16 =	vperm.xlane v1, v2;
	v10 =	vperm.xlane v1, v21  }
0xf4: {  	v60 =	vimm.s32 $0x0;
	v54 =	vmul.f32 v0, v18;
	v0 =	vmul.f32 v15, v18  }
0xf5: {  	v26 =	vld [tilespmem:s21+$0x1A0];
	v12 =	vperm.xlane v1, v22;
	v22 =	vperm.xlane v1, v60  }
0xf6: {  	v28 =	vld [tilespmem:s21+$0x1B0];
	v21 =	vperm.xlane v14, v60;
	v60 =	vmul.f32 v17, v19;
	[tilespmem:$0x1FC70] =	vst v0;
	v0 =	vadd.f32 v0, v16  }
0xf7: {  	v30 =	vld [tilespmem:s21+$0x140]  }
0xf8: {  	v55 =	vmul.f32 v20, v19;
	[tilespmem:$0x1FC80] =	vst v0;
	v0 =	vadd.f32 v60, v62  }
0xf9: {  	v56 =	vimm.s32 $0x4;
	v23 =	vimm.s32 $0x8;
	v7 =	vimm.s32 $0xD  }
0xfa: {  	v25 =	vperm.xlane v14, v7;
	v53 =	vmul.f32 v26, v19;
	[tilespmem:$0x1FCA0] =	vst v0;
	v0 =	vadd.f32 v55, v62  }
0xfb: {  	v32 =	vld [tilespmem:s21+$0x150];
	v37 =	vimm.s32 $0x6;
	v42 =	vperm.xlane v14, v23;
	v51 =	vmul.f32 v28, v19  }
0xfc: {  	v6 =	vmul.f32 v30, v25;
	v61 =	vperm.xlane v1, v7;
	[tilespmem:$0x1FCC0] =	vst v0;
	v0 =	vadd.f32 v53, v62  }
0xfd: {  	v33 =	vld [tilespmem:s21+$0x160];
	v2 =	vimm.s32 $0xB;
	v4 =	vperm.xlane v1, v23;
	v52 =	vperm.xlane v1, v56  }
0xfe: {  	v23 =	vperm.xlane v14, v37;
	v9 =	vperm.xlane v1, v2;
	[tilespmem:$0x1FCE0] =	vst v0;
	v0 =	vadd.f32 v51, v62  }
0xff: {  	v35 =	vld [tilespmem:s21+$0x170];
	v31 =	vperm.xlane v14, v2;
	v2 =	vperm.xlane v1, v37  }
0x100: {  	v37 =	vperm.xlane v14, v56;
	v56 =	vmul.f32 v32, v25;
	[tilespmem:$0x1FD00] =	vst v0;
	v0 =	vadd.f32 v6, v61  }
0x101: {  	v39 =	vld [tilespmem:s21+$0x100]  }
0x102: {  	v57 =	vimm.s32 $0x3;
	v33 =	vmul.f32 v33, v25;
	[tilespmem:$0x1FD20] =	vst v0;
	v0 =	vadd.f32 v56, v61  }
0x103: {  	v41 =	vld [tilespmem:s21+$0x110];
	v5 =	vperm.xlane v1, v57  }
0x104: {  	v48 =	vld [tilespmem:s21+$0xF0];
	v32 =	vmul.f32 v35, v25;
	[tilespmem:$0x1FD40] =	vst v0;
	v0 =	vadd.f32 v33, v61  }
0x105: {  	v43 =	vld [tilespmem:s21+$0x120];
	v8 =	vimm.s32 $0xA;
	v36 =	vimm.s32 $0x5;
	v27 =	vimm.s32 $0x7;
	[tilespmem:$0x1FBE0] =	vst v5  }
0x106: {  	v44 =	vld [tilespmem:s21+$0x130];
	v34 =	vperm.xlane v14, v8;
	v5 =	vmul.f32 v39, v29;
	[tilespmem:$0x1FD60] =	vst v0;
	v0 =	vadd.f32 v32, v61  }
0x107: {  	v45 =	vld [tilespmem:s21+$0xC0];
	v58 =	vimm.s32 $0x1;
	v46 =	vperm.xlane v14, v27;
	v7 =	vperm.xlane v1, v27  }
0x108: {  	v11 =	vld [tilespmem:s21+$0x1C0];
	v27 =	vperm.xlane v14, v57;
	v57 =	vmul.f32 v41, v29;
	[tilespmem:$0x1FD80] =	vst v0;
	v0 =	vadd.f32 v5, v10  }
0x109: {  	v59 =	vimm.s32 $0x2;
	[tilespmem:$0x1FCB0] =	vst v55;
	v13 =	vperm.xlane v1, v8;
	v24 =	vperm.xlane v1, v36;
	v3 =	vld [tilespmem:s21+$0x1E0]  }
0x10a: {  	v49 =	vld [tilespmem:s21+$0x80];
	v63 =	vperm.xlane v1, v58;
	v39 =	vmul.f32 v43, v29;
	[tilespmem:$0x1FD90] =	vst v0;
	v0 =	vadd.f32 v57, v10  }
0x10b: {  	v47 =	vld [tilespmem:s21+$0xD0];
	[tilespmem:$0x1FCD0] =	vst v53;
	v40 =	vperm.xlane v1, v59;
	v8 =	vperm.xlane v14, v36  }
0x10c: {  	v26 =	vld [tilespmem:s21+$0x60];
	v36 =	vperm.xlane v14, v59;
	v35 =	vmul.f32 v44, v29;
	[tilespmem:$0x1FDB0] =	vst v0;
	v0 =	vadd.f32 v39, v10  }
0x10d: {  	[tilespmem:$0x1FCF0] =	vst v51;
	v59 =	vmul.f32 v11, v18;
	v1 =	vperm.xlane v14, v58;
	v14 =	vld [tilespmem:s21+$0xE0]  }
0x10e: {  	v28 =	vld [tilespmem:s21+$0x70];
	v50 =	vmul.f32 v3, v18;
	v18 =	vmul.f32 v45, v31;
	[tilespmem:$0x1FDD0] =	vst v0;
	v0 =	vadd.f32 v35, v10  }
0x10f: {  	v30 =	vld [tilespmem:s21+$0x20];
	[tilespmem:$0x1FD10] =	vst v6  }
0x110: {  	v17 =	vld [tilespmem:s21+$0xB0];
	v58 =	vmul.f32 v47, v31;
	[tilespmem:$0x1FDF0] =	vst v0;
	v0 =	vadd.f32 v18, v9  }
0x111: {  	[tilespmem:$0x1FD50] =	vst v33;
	v3 =	vld [tilespmem:s21+$0x90]  }
0x112: {  	v25 =	vld [tilespmem:s21+$0x50];
	v41 =	vmul.f32 v14, v31;
	[tilespmem:$0x1FE00] =	vst v0;
	v0 =	vadd.f32 v58, v9  }
0x113: {  	[tilespmem:$0x1FC10] =	vst v59;
	v15 =	vld [tilespmem:s21+$0xA0]  }
0x114: {  	v19 =	vld [tilespmem:s21+$0x40];
	v31 =	vmul.f32 v48, v31;
	[tilespmem:$0x1FE20] =	vst v0;
	v0 =	vadd.f32 v41, v9  }
0x115: {  	v29 =	vld [tilespmem:s21+$0x0];
	[tilespmem:$0x1FC90] =	vst v60  }
0x116: {  	v20 =	vmul.f32 v49, v34;
	v14 =	vld [tilespmem:s21+$0x10];
	v49 =	vmul.f32 v3, v34;
	[tilespmem:$0x1FE40] =	vst v0;
	v0 =	vadd.f32 v31, v9  }
0x117: {  	[tilespmem:$0x1FDA0] =	vst v57;
	v47 =	vmul.f32 v26, v38;
	v26 =	vld [tilespmem:s21+$0xFFFFFFE0]  }
0x118: {  	v44 =	vmul.f32 v25, v38;
	v25 =	vld [tilespmem:s21+$0xFFFFFFD0];
	v43 =	vmul.f32 v15, v34;
	[tilespmem:$0x1FE60] =	vst v0;
	v0 =	vadd.f32 v49, v13  }
0x119: {  	[tilespmem:$0x1FD30] =	vst v56;
	v45 =	vmul.f32 v19, v38;
	v19 =	vld [tilespmem:s21+$0xFFFFFFC0]  }
0x11a: {  	v34 =	vmul.f32 v17, v34;
	v17 =	vld [tilespmem:s21+$0x30];
	[tilespmem:$0x1FE80] =	vst v0;
	v0 =	vadd.f32 v43, v13  }
0x11b: {  	[tilespmem:$0x1FD70] =	vst v32;
	v11 =	vmul.f32 v29, v42;
	v29 =	vmul.f32 v14, v42;
	v14 =	vld [tilespmem:s21+$0xFFFFFFF0]  }
0x11c: {  	v38 =	vmul.f32 v28, v38;
	v28 =	vld [tilespmem:s21+$0xFFFFFFA0];
	[tilespmem:$0x1FEA0] =	vst v0;
	v0 =	vadd.f32 v34, v13  }
0x11d: {  	[tilespmem:$0x1FDE0] =	vst v35;
	v55 =	vld [tilespmem:s21+$0xFFFFFF30];
	v6 =	vmov v44  }
0x11e: {  	v44 =	vmul.f32 v25, v46;
	v25 =	vld [tilespmem:s21+$0xFFFFFE00];
	[tilespmem:$0x1FEC0] =	vst v0;
	v0 =	vadd.f32 v6, v12  }
0x11f: {  	[tilespmem:$0x1FDC0] =	vst v39;
	v3 =	vadd.f32 v59, v16;
	v48 =	vmul.f32 v17, v42;
	v17 =	vld [tilespmem:s21+$0xFFFFFF90]  }
0x120: {  	[tilespmem:$0x1FED0] =	vst v0;
	v0 =	vld [tilespmem:$0x1FBC0]  }
0x121: {  	[tilespmem:$0x1FC20] =	vst v3;
	v3 =	vadd.f32 v54, v16;
	v62 =	vmov v21;
	v21 =	vmul.f32 v26, v46;
	v26 =	vld [tilespmem:s21+$0xFFFFFFB0]  }
0x122: {  	[tilespmem:$0x1FC50] =	vst v50;
	v10 =	vld [tilespmem:s21+$0xFFFFFE40]  }
0x123: {  	[tilespmem:$0x1FC40] =	vst v3;
	v3 =	vadd.f32 v50, v16;
	v16 =	vld [tilespmem:s21+$0xFFFFFF80];
	v50 =	vmul.f32 v25, v62  }
0x124: {  	[tilespmem:$0x1FE10] =	vst v58;
	v19 =	vmul.f32 v19, v46;
	v9 =	vld [tilespmem:s21+$0xFFFFFE80]  }
0x125: {  	[tilespmem:$0x1FEE0] =	vst v47;
	v53 =	vmul.f32 v17, v23;
	v17 =	vld [tilespmem:s21+$0xFFFFFF50];
	v25 =	vadd.f32 v50, v0;
	v0 =	vadd.f32 v47, v12  }
0x126: {  	[tilespmem:$0x1FC60] =	vst v3;
	v3 =	vmul.f32 v30, v42;
	v61 =	vmul.f32 v14, v46;
	v46 =	vadd.f32 v20, v13;
	v13 =	vld [tilespmem:s21+$0xFFFFFEC0]  }
0x127: {  	v33 =	vmul.f32 v26, v23;
	v26 =	vld [tilespmem:s21+$0xFFFFFF00];
	v30 =	vmul.f32 v10, v1;
	[tilespmem:$0x1FEF0] =	vst v0;
	v0 =	vadd.f32 v38, v12  }
0x128: {  	[tilespmem:$0x1FE50] =	vst v31;
	v51 =	vadd.f32 v45, v12;
	v59 =	vmul.f32 v55, v37;
	v10 =	vld [tilespmem:s21+$0xFFFFFF60]  }
0x129: {  	v55 =	vld [tilespmem:s21+$0xFFFFFE50];
	v57 =	vmul.f32 v9, v36;
	v12 =	vadd.f32 v30, v25;
	[tilespmem:$0x1FF10] =	vst v0;
	v0 =	vadd.f32 v3, v4  }
0x12a: {  	v15 =	vmov v5;
	[tilespmem:$0x1FE70] =	vst v49;
	v14 =	vmul.f32 v16, v23;
	v16 =	vld [tilespmem:s21+$0xFFFFFF40];
	v32 =	vadd.f32 v11, v4  }
0x12b: {  	v9 =	vld [tilespmem:s21+$0xFFFFFF70];
	v13 =	vmul.f32 v13, v27;
	v12 =	vadd.f32 v57, v12;
	[tilespmem:$0x1FF30] =	vst v0;
	v0 =	vadd.f32 v48, v4  }
0x12c: {  	v5 =	vmovc v29;
	v42 =	vmul.f32 v17, v8;
	v17 =	vld [tilespmem:s21+$0xFFFFFF20];
	v60 =	vmul.f32 v26, v37;
	v49 =	vadd.f32 v29, v4  }
0x12d: {  	v29 =	vld [tilespmem:s21+$0xFFFFFF10];
	v25 =	vmul.f32 v10, v8;
	v10 =	vadd.f32 v13, v12;
	[tilespmem:$0x1FF50] =	vst v0;
	v0 =	vadd.f32 v21, v7  }
0x12e: {  	v28 =	vmul.f32 v28, v23;
	v23 =	vmovc v61;
	v31 =	vadd.f32 v44, v7;
	v47 =	vld [tilespmem:s21+$0xFFFFFED0];
	v4 =	vadd.f32 v19, v7  }
0x12f: {  	v16 =	vmul.f32 v16, v8;
	[tilespmem:$0x1FF60] =	vst v0;
	v0 =	vadd.f32 v61, v7;
	v61 =	vld [tilespmem:s21+$0xFFFFFEE0];
	v7 =	vadd.f32 v60, v10  }
0x130: {  	[tilespmem:$0x1FC30] =	vst v54;
	v35 =	vadd.f32 v53, v2;
	v26 =	vmul.f32 v9, v8;
	v9 =	vld [tilespmem:s21+$0xFFFFFEF0];
	v8 =	vadd.f32 v14, v2  }
0x131: {  	[tilespmem:$0x1FF00] =	vst v38;
	v58 =	vmul.f32 v17, v37;
	v17 =	vld [tilespmem:s21+$0xFFFFFE90];
	v10 =	vadd.f32 v16, v24;
	v16 =	vadd.f32 v16, v7  }
0x132: {  	v57 =	vadd.f32 v57, v40;
	v12 =	vmul.f32 v29, v37;
	v29 =	vld [tilespmem:s21+$0xFFFFFE10];
	[tilespmem:$0x1FF70] =	vst v0;
	v0 =	vadd.f32 v28, v2  }
0x133: {  	[tilespmem:$0x1FF40] =	vst v48;
	v38 =	vld [tilespmem:s21+$0xFFFFFEA0];
	v54 =	vmul.f32 v47, v27;
	v47 =	vadd.f32 v25, v24;
	v16 =	vadd.f32 v14, v16  }
0x134: {  	v48 =	vadd.f32 v60, v52;
	[tilespmem:$0x1FF80] =	vst v0;
	v0 =	vadd.f32 v33, v2;
	v2 =	vmul.f32 v61, v27;
	v61 =	vld [tilespmem:$0x1FBE0]  }
0x135: {  	[tilespmem:$0x1FE90] =	vst v43;
	v37 =	vmul.f32 v9, v27;
	v43 =	vadd.f32 v12, v52;
	v9 =	vadd.f32 v19, v16;
	v16 =	vld [tilespmem:$0x1FBF0]  }
0x136: {  	[tilespmem:$0x1FF20] =	vst v3;
	v3 =	vld [tilespmem:s21+$0xFFFFFE60];
	v7 =	vadd.f32 v42, v24;
	v24 =	vadd.f32 v26, v24  }
0x137: {  	p0 =	sne.s32 s23, $0x300;
	v14 =	vmul.f32 v29, v62;
	v29 =	vmul.f32 v17, v36;
	v27 =	vadd.f32 v58, v52;
	[tilespmem:$0x1FF90] =	vst v0;
	v0 =	vld [tilespmem:s21+$0xFFFFFEB0]  }
.Ltmp0:
0x138: {  	[tilespmem:$0x1FE30] =	vst v41;
	v17 =	vmul.f32 v55, v1;
	v52 =	vadd.f32 v59, v52;
	v55 =	vadd.f32 v11, v9;
	(pc) =	sbr.rel @p0 .LBB2_3-.Ltmp0, $4  }
0x139: {  	[tilespmem:$0x1FEB0] =	vst v34;
	v34 =	vld [tilespmem:s21+$0xFFFFFE20];
	v56 =	vadd.f32 v13, v61;
	v13 =	vadd.f32 v54, v61  }
0x13a: {  	v41 =	vmovc v21;
	v21 =	vld [tilespmem:$0x1FBD0];
	v9 =	vmul.f32 v38, v36;
	v39 =	vadd.f32 v2, v61;
	v16 =	vadd.f32 v14, v16  }
0x13b: {  	v60 =	vld [tilespmem:s21+$0xFFFFFE70];
	v61 =	vadd.f32 v37, v61;
	v55 =	vadd.f32 v45, v55;
	v45 =	vmul.f32 v3, v1  }
0x13c: {  	s23 =	sadd.s32 $0x40, s23;
	v19 =	vld [tilespmem:s21+$0xFFFFFE30];
	v36 =	vmul.f32 v0, v36;
	v38 =	vadd.f32 v17, v16;
	v16 =	vadd.f32 v29, v40  }
0x13d: {  	_ = 	snop  }
0x13e: {  	v0 =	vadd.f32 v29, v38  }
0x13f: {  	v3 =	vadd.f32 v20, v55  }
0x140: {  	v0 =	vadd.f32 v54, v0  }
0x141: {  	v3 =	vadd.f32 v18, v3  }
0x142: {  	v0 =	vadd.f32 v12, v0;
	v12 =	vadd.f32 v50, v22  }
0x143: {  	v11 =	vadd.f32 v30, v63  }
0x144: {  	v3 =	vadd.f32 v15, v3;
	v15 =	vmov v5;
	v5 =	vld [tilespmem:$0x1FD10];
	v12 =	vmax.f32 v21, v12  }
0x145: {  	v11 =	vmax.f32 v12, v11  }
0x146: {  	v11 =	vmax.f32 v11, v57  }
0x147: {  	v11 =	vmax.f32 v11, v56  }
0x148: {  	v11 =	vmax.f32 v11, v48  }
0x149: {  	v3 =	vadd.f32 v5, v3;
	v5 =	vld [tilespmem:$0x1FFD0];
	v10 =	vmax.f32 v11, v10  }
0x14a: {  	v0 =	vadd.f32 v42, v0;
	v8 =	vmax.f32 v10, v8;
	v10 =	vadd.f32 v14, v22;
	v14 =	vld [tilespmem:$0x1FFC0];
	_ =	sdelay $0x1  }
0x14b: {  	v0 =	vadd.f32 v53, v0  }
0x14c: {  	v18 =	vmul.f32 v19, v62  }
0x14d: {  	v0 =	vadd.f32 v44, v0  }
0x14e: {  	v10 =	vmax.f32 v14, v10;
	v14 =	vadd.f32 v18, v5;
	v5 =	vld [tilespmem:$0x1FE70]  }
0x14f: {  	v0 =	vadd.f32 v15, v0  }
0x150: {  	v12 =	vld [tilespmem:$0x1FC90]  }
0x151: {  	v0 =	vadd.f32 v6, v0  }
0x152: {  	v11 =	vld [tilespmem:$0x1FC10]  }
0x153: {  	v0 =	vadd.f32 v5, v0;
	v5 =	vld [tilespmem:$0x1FE00]  }
0x154: {  	v4 =	vmax.f32 v8, v4  }
0x155: {  	v3 =	vadd.f32 v12, v3;
	v4 =	vmax.f32 v4, v32  }
0x156: {  	v4 =	vmax.f32 v4, v51  }
0x157: {  	v3 =	vadd.f32 v11, v3;
	v11 =	vld [tilespmem:$0x1FFA0];
	v4 =	vmax.f32 v4, v46  }
0x158: {  	v17 =	vadd.f32 v17, v63;
	v4 =	vmax.f32 v4, v5;
	v5 =	vld [tilespmem:$0x1FD90];
	_ =	sdelay $0x1  }
0x159: {  	v10 =	vmax.f32 v10, v17  }
0x15a: {  	v12 =	vmul.f32 v34, v62;
	v10 =	vmax.f32 v10, v16  }
0x15b: {  	v10 =	vmax.f32 v10, v13  }
0x15c: {  	v11 =	vadd.f32 v12, v11;
	v10 =	vmax.f32 v10, v43;
	v4 =	vmax.f32 v4, v5;
	v5 =	vld [tilespmem:$0x1FED0]  }
0x15d: {  	v7 =	vmax.f32 v10, v7  }
0x15e: {  	v11 =	vadd.f32 v45, v11;
	v7 =	vmax.f32 v7, v35  }
0x15f: {  	v7 =	vmax.f32 v7, v31  }
0x160: {  	v11 =	vadd.f32 v9, v11;
	v7 =	vmax.f32 v7, v49  }
0x161: {  	v1 =	vmul.f32 v60, v1;
	v7 =	vmax.f32 v7, v5;
	v5 =	vld [tilespmem:$0x1FE80]  }
0x162: {  	v6 =	vld [tilespmem:$0x1FFE0];
	v2 =	vadd.f32 v2, v11  }
0x163: {  	v17 =	vadd.f32 v1, v63;
	v1 =	vadd.f32 v1, v14  }
0x164: {  	v2 =	vadd.f32 v58, v2  }
0x165: {  	v8 =	vadd.f32 v12, v22;
	v1 =	vadd.f32 v36, v1  }
0x166: {  	v2 =	vadd.f32 v25, v2;
	v7 =	vmax.f32 v7, v5;
	v5 =	vld [tilespmem:$0x1FD20]  }
0x167: {  	v6 =	vmax.f32 v6, v8;
	v8 =	vld [tilespmem:$0x1FF20];
	v1 =	vadd.f32 v37, v1  }
0x168: {  	v2 =	vadd.f32 v28, v2  }
0x169: {  	v1 =	vadd.f32 v59, v1  }
0x16a: {  	v2 =	vadd.f32 v41, v2  }
0x16b: {  	v1 =	vadd.f32 v26, v1;
	v4 =	vmax.f32 v4, v5;
	v5 =	vld [tilespmem:$0x1FE20]  }
0x16c: {  	v2 =	vadd.f32 v8, v2;
	v8 =	vld [tilespmem:$0x1FF40]  }
0x16d: {  	v1 =	vadd.f32 v33, v1;
	_ =	sdelay $0x1  }
0x16e: {  	v1 =	vadd.f32 v23, v1  }
0x16f: {  	v7 =	vmax.f32 v7, v5;
	v5 =	vld [tilespmem:$0x1FDB0]  }
0x170: {  	v1 =	vadd.f32 v8, v1;
	v8 =	vld [tilespmem:$0x1FEE0];
	_ =	sdelay $0x1  }
0x171: {  	v10 =	vld [tilespmem:$0x1FE10];
	_ =	sdelay $0x1  }
0x172: {  	v7 =	vmax.f32 v7, v5;
	v5 =	vld [tilespmem:$0x1FCA0]  }
0x173: {  	v2 =	vadd.f32 v8, v2;
	v8 =	vld [tilespmem:$0x1FF00];
	_ =	sdelay $0x1  }
0x174: {  	v0 =	vadd.f32 v10, v0;
	v10 =	vld [tilespmem:$0x1FDA0];
	_ =	sdelay $0x1  }
0x175: {  	v4 =	vmax.f32 v4, v5;
	v5 =	vld [tilespmem:$0x1FD40]  }
0x176: {  	v1 =	vadd.f32 v8, v1;
	v8 =	vld [tilespmem:$0x1FE90];
	_ =	sdelay $0x1  }
0x177: {  	v0 =	vadd.f32 v10, v0;
	v10 =	vld [tilespmem:$0x1FD30];
	_ =	sdelay $0x1  }
0x178: {  	v5 =	vmax.f32 v7, v5;
	v7 =	vld [tilespmem:$0x1FCB0]  }
0x179: {  	v2 =	vadd.f32 v8, v2;
	v8 =	vld [tilespmem:$0x1FEB0];
	_ =	sdelay $0x1  }
0x17a: {  	v0 =	vadd.f32 v10, v0  }
0x17b: {  	v15 =	vadd.f32 v45, v63  }
0x17c: {  	v9 =	vadd.f32 v9, v40;
	v0 =	vadd.f32 v7, v0;
	v7 =	vld [tilespmem:$0x1FFF0]  }
0x17d: {  	v6 =	vmax.f32 v6, v15;
	v1 =	vadd.f32 v8, v1;
	v8 =	vld [tilespmem:$0x1FF80]  }
0x17e: {  	v6 =	vmax.f32 v6, v9  }
0x17f: {  	v12 =	vadd.f32 v18, v22;
	v6 =	vmax.f32 v6, v39  }
0x180: {  	v6 =	vmax.f32 v6, v27  }
0x181: {  	v13 =	vadd.f32 v36, v40;
	v6 =	vmax.f32 v6, v47;
	v7 =	vmax.f32 v7, v12  }
0x182: {  	v6 =	vmax.f32 v6, v8;
	v8 =	vld [tilespmem:$0x1FF90];
	v7 =	vmax.f32 v7, v17  }
0x183: {  	v7 =	vmax.f32 v7, v13  }
0x184: {  	v7 =	vmax.f32 v7, v61  }
0x185: {  	v7 =	vmax.f32 v7, v52  }
0x186: {  	v7 =	vmax.f32 v7, v24  }
0x187: {  	v7 =	vmax.f32 v7, v8;
	v8 =	vld [tilespmem:$0x1FE30];
	_ =	sdelay $0x4  }
0x188: {  	v2 =	vadd.f32 v8, v2;
	v8 =	vld [tilespmem:$0x1FCC0];
	_ =	sdelay $0x4  }
0x189: {  	v5 =	vmax.f32 v5, v8;
	v8 =	vld [tilespmem:$0x1FF60];
	_ =	sdelay $0x4  }
0x18a: {  	v6 =	vmax.f32 v6, v8;
	v8 =	vld [tilespmem:$0x1FF70];
	_ =	sdelay $0x4  }
0x18b: {  	v7 =	vmax.f32 v7, v8;
	v8 =	vld [tilespmem:$0x1FE50];
	_ =	sdelay $0x4  }
0x18c: {  	v1 =	vadd.f32 v8, v1;
	v8 =	vld [tilespmem:$0x1FF30];
	_ =	sdelay $0x4  }
0x18d: {  	v6 =	vmax.f32 v6, v8;
	v8 =	vld [tilespmem:$0x1FDC0];
	_ =	sdelay $0x4  }
0x18e: {  	v2 =	vadd.f32 v8, v2;
	v8 =	vld [tilespmem:$0x1FC20];
	_ =	sdelay $0x4  }
0x18f: {  	v4 =	vmax.f32 v4, v8;
	v8 =	vld [tilespmem:$0x1FF50];
	_ =	sdelay $0x4  }
0x190: {  	v7 =	vmax.f32 v7, v8;
	v8 =	vld [tilespmem:$0x1FEF0];
	_ =	sdelay $0x4  }
0x191: {  	v6 =	vmax.f32 v6, v8;
	v8 =	vld [tilespmem:$0x1FF10];
	_ =	sdelay $0x4  }
0x192: {  	v7 =	vmax.f32 v7, v8;
	v8 =	vld [tilespmem:$0x1FDE0];
	_ =	sdelay $0x4  }
0x193: {  	v1 =	vadd.f32 v8, v1;
	v8 =	vld [tilespmem:$0x1FD50];
	_ =	sdelay $0x4  }
0x194: {  	v2 =	vadd.f32 v8, v2;
	v8 =	vld [tilespmem:$0x1FC30];
	_ =	sdelay $0x3  }
0x195: {  	s21 =	sshll.u32 s19, $0x8  }
0x196: {  	s21 =	sand.u32 $0x3FFFFF00, s21;
	v0 =	vadd.f32 v8, v0;
	v8 =	vld [tilespmem:$0x1FEA0]  }
0x197: {  	[tilespmem:s21+$0xE800] =	vst v3;
	v3 =	vld [tilespmem:$0x1FC40];
	_ =	sdelay $0x3  }
0x198: {  	v6 =	vmax.f32 v6, v8;
	v8 =	vld [tilespmem:$0x1FEC0]  }
0x199: {  	v3 =	vmax.f32 v5, v3;
	v5 =	vld [tilespmem:$0x1FE60];
	_ =	sdelay $0x3  }
0x19a: {  	v7 =	vmax.f32 v7, v8;
	v8 =	vld [tilespmem:$0x1FE40]  }
0x19b: {  	v5 =	vmax.f32 v7, v5;
	v7 =	vld [tilespmem:$0x1FDD0]  }
0x19c: {  	[tilespmem:s21+$0xE840] =	vst v4;
	v4 =	vld [tilespmem:$0x1FD60];
	_ =	sdelay $0x2  }
0x19d: {  	v6 =	vmax.f32 v6, v8;
	v8 =	vld [tilespmem:$0x1FD70]  }
0x19e: {  	v6 =	vmax.f32 v6, v7  }
0x19f: {  	v4 =	vmax.f32 v6, v4;
	v6 =	vld [tilespmem:$0x1FCF0];
	_ =	sdelay $0x1  }
0x1a0: {  	[tilespmem:s21+$0xE850] =	vst v3;
	v3 =	vld [tilespmem:$0x1FD80]  }
0x1a1: {  	v1 =	vadd.f32 v8, v1;
	v8 =	vld [tilespmem:$0x1FCD0]  }
0x1a2: {  	[tilespmem:s21+$0xE810] =	vst v0;
	v0 =	vld [tilespmem:$0x1FDF0]  }
0x1a3: {  	v1 =	vadd.f32 v6, v1;
	v6 =	vld [tilespmem:$0x1FC50];
	_ =	sdelay $0x2  }
0x1a4: {  	v2 =	vadd.f32 v8, v2  }
0x1a5: {  	v0 =	vmax.f32 v5, v0;
	v5 =	vld [tilespmem:$0x1FCE0]  }
0x1a6: {  	v0 =	vmax.f32 v0, v3;
	v3 =	vld [tilespmem:$0x1FC60];
	v2 =	vadd.f32 v6, v2;
	_ =	sdelay $0x1  }
0x1a7: {  	[tilespmem:s21+$0xE820] =	vst v2;
	v2 =	vld [tilespmem:$0x1FD00];
	_ =	sdelay $0x1  }
0x1a8: {  	v4 =	vmax.f32 v4, v5  }
0x1a9: {  	v3 =	vmax.f32 v4, v3;
	v4 =	vld [tilespmem:$0x1FC70];
	_ =	sdelay $0x1  }
0x1aa: {  	v0 =	vmax.f32 v0, v2;
	v2 =	vld [tilespmem:$0x1FC80];
	_ =	sdelay $0x2  }
0x1ab: {  	v1 =	vadd.f32 v4, v1  }
0x1ac: {  	[tilespmem:s21+$0xE860] =	vst v3  }
0x1ad: {  	p0 =	seq.s32 s19, $0x3F;
	[tilespmem:s21+$0xE830] =	vst v1;
	v0 =	vmax.f32 v0, v2  }
0x1ae: {  	s23 =	simm.s32 @!p0 $0x68;
	s24 =	simm.s32 @!p0 $0x8000;
	[tilespmem:s21+$0xE870] =	vst v0;
	s21 =	sadd.s32 @!p0 $0x200, s22  }
0x1af: {  	[tilespmem:s24], [sflag:$0x1] =	stream.indirect.gather @!p0 [hbm4b:s3+s23], $0x40, s21, s23, $0xb8;
	[tilespmem:$0x12800] =	vst v63  }
0x1b0: {  	s21 =	sadd.s32 @!p0 $0x268, s22;
	s22 =	simm.s32 @!p0 $0x9A00  }
0x1b1: {  	[tilespmem:s22], [sflag:$0x1] =	stream.indirect.gather @!p0 [hbm4b:s3+s23], $0x40, s21, s23, $0xb8;
	[tilespmem:$0x12800] =	vst v63  }
0x1b2: {  	_ =	swait.ge [sflag:s14], $0x1A00  }
0x1b3: {  	v0 =	vmov s17;
	[sflag:s14] =	ssyncset.done $0x0  }
0x1b4: {  	[sflag:s14] =	ssyncadd.s32 $0xFFFFE600  }
0x1b5: {  	_ =	swait.ge [sflag:s14], $0x1A00  }
0x1b6: {  	[sflag:s14] =	ssyncset.done $0x0  }
0x1b7: {  	s31 =	simm.s32 $0x0;
	[sflag:s14] =	ssyncadd.s32 $0xFFFFE600  }
0x1b8: {  	[tilespmem:$0x1F7D0] =	vst v0;
	v0 =	vld.idx.msk [tilespmem:v0+s31+$0x0 ss:$0x1], $0xffff;
	_ =	sdelay $0x2  }
0x1b9: {  	v48 =	vimm.s32 $0xB  }
0x1ba: {  	v51 =	vimm.s32 $0xA;
	v46 =	vimm.s32 $0xC;
	v63 =	vimm.s32 $0x8;
	s21 =	simm.s32 $0xB7F0  }
0x1bb: {  	v61 =	vimm.s32 $0x9;
	v3 =	vld [tilespmem:s21+$0xFFFFFFD0];
	vm0 =	veq.s32 v0, $0x0;
	v0 =	vimm.f32 $0.0e+00  }
0x1bc: {  	v7 =	vimm.s32 $0xD;
	v4 =	vld [tilespmem:s21+$0xFFFFFFE0];
	v22 =	vsel vm0, $0xFF800000, v0;
	v0 =	vimm.f32 $1.000000000e+00  }
0x1bd: {  	v1 =	vimm.s32 $0xF;
	v2 =	vimm.s32 $0xE;
	v5 =	vld [tilespmem:s21+$0xFFFFFFF0];
	v0 =	vsel vm0, $0x0, v0  }
0x1be: {  	v6 =	vld [tilespmem:s21+$0x0];
	v21 =	vperm.xlane v22, v1;
	v24 =	vperm.xlane v0, v1;
	v1 =	vimm.s32 $0x6  }
0x1bf: {  	v9 =	vld [tilespmem:s21+$0xFFFFFF90];
	v25 =	vperm.xlane v0, v2;
	v36 =	vperm.xlane v0, v1;
	v1 =	vimm.s32 $0x7  }
0x1c0: {  	v10 =	vld [tilespmem:s21+$0xFFFFFFA0];
	v27 =	vperm.xlane v0, v7;
	v37 =	vperm.xlane v0, v1;
	v1 =	vimm.s32 $0x4  }
0x1c1: {  	v11 =	vld [tilespmem:s21+$0xFFFFFFB0];
	v28 =	vperm.xlane v0, v46;
	v43 =	vperm.xlane v0, v1;
	v1 =	vimm.s32 $0x5  }
0x1c2: {  	v12 =	vld [tilespmem:s21+$0xFFFFFFC0];
	v30 =	vperm.xlane v0, v48;
	v39 =	vperm.xlane v0, v1;
	v1 =	vimm.s32 $0x2  }
0x1c3: {  	v13 =	vld [tilespmem:s21+$0xFFFFFF50];
	v31 =	vperm.xlane v0, v51;
	v52 =	vperm.xlane v0, v1;
	v1 =	vimm.s32 $0x3  }
0x1c4: {  	v14 =	vld [tilespmem:s21+$0xFFFFFF60];
	v33 =	vperm.xlane v0, v61;
	v50 =	vperm.xlane v0, v1;
	v1 =	vimm.s32 $0x0  }
0x1c5: {  	v15 =	vld [tilespmem:s21+$0xFFFFFF70];
	v34 =	vperm.xlane v0, v63;
	v62 =	vperm.xlane v0, v1;
	v1 =	vimm.s32 $0x1  }
0x1c6: {  	v16 =	vld [tilespmem:s21+$0xFFFFFF80];
	v1 =	vperm.xlane v0, v1;
	v0 =	vmul.f32 v6, v24  }
0x1c7: {  	v17 =	vld [tilespmem:s21+$0xFFFFFF10]  }
0x1c8: {  	v18 =	vld [tilespmem:s21+$0xFFFFFF20];
	v19 =	vperm.xlane v22, v2;
	v41 =	vmul.f32 v9, v25;
	[tilespmem:$0x1F840] =	vst v0;
	v0 =	vadd.f32 v0, v21  }
0x1c9: {  	v20 =	vld [tilespmem:s21+$0xFFFFFF30]  }
0x1ca: {  	v26 =	vld [tilespmem:s21+$0xFFFFFF40];
	v59 =	vmul.f32 v10, v25;
	[tilespmem:$0x1F850] =	vst v0;
	v0 =	vadd.f32 v41, v19  }
0x1cb: {  	v40 =	vld [tilespmem:s21+$0xFFFFFE90]  }
0x1cc: {  	v56 =	vld [tilespmem:s21+$0xFFFFFEA0];
	v53 =	vmul.f32 v11, v25;
	[tilespmem:$0x1F870] =	vst v0;
	v0 =	vadd.f32 v59, v19  }
0x1cd: {  	v42 =	vld [tilespmem:s21+$0xFFFFFEB0];
	v23 =	vperm.xlane v22, v7  }
0x1ce: {  	v32 =	vmul.f32 v3, v24;
	v3 =	vld [tilespmem:s21+$0xFFFFFEC0];
	v25 =	vmul.f32 v12, v25;
	[tilespmem:$0x1F890] =	vst v0;
	v0 =	vadd.f32 v53, v19  }
0x1cf: {  	v29 =	vld [tilespmem:s21+$0xFFFFFED0];
	v55 =	vmul.f32 v4, v24;
	v44 =	vmul.f32 v5, v24  }
0x1d0: {  	v60 =	vld [tilespmem:s21+$0xFFFFFEF0];
	v4 =	vmul.f32 v13, v27;
	v2 =	vmul.f32 v14, v27;
	[tilespmem:$0x1F8B0] =	vst v0;
	v0 =	vadd.f32 v25, v19  }
0x1d1: {  	v49 =	vld [tilespmem:s21+$0xFFFFFF00];
	v54 =	vmul.f32 v15, v27;
	v58 =	vmul.f32 v20, v28  }
0x1d2: {  	v10 =	vld [tilespmem:s21+$0xFFFFFC10];
	v20 =	vmul.f32 v40, v31;
	v40 =	vmul.f32 v56, v31;
	[tilespmem:$0x1F8D0] =	vst v0;
	v0 =	vadd.f32 v4, v23  }
0x1d3: {  	v45 =	vld [tilespmem:s21+$0xFFFFFEE0];
	v42 =	vmul.f32 v42, v31;
	v31 =	vmul.f32 v3, v31;
	v3 =	vadd.f32 v32, v21  }
0x1d4: {  	v27 =	vmul.f32 v16, v27;
	v7 =	vmul.f32 v17, v28;
	v13 =	vld [tilespmem:s21+$0xFFFFFC50];
	[tilespmem:$0x1F8F0] =	vst v0;
	v0 =	vadd.f32 v2, v23  }
0x1d5: {  	v47 =	vld [tilespmem:s21+$0xFFFFFE50];
	v8 =	vmul.f32 v18, v28;
	v26 =	vmul.f32 v26, v28;
	[tilespmem:$0x1F7F0] =	vst v3;
	v3 =	vadd.f32 v55, v21  }
0x1d6: {  	v18 =	vmul.f32 v29, v30;
	v29 =	vmul.f32 v60, v30;
	v6 =	vld [tilespmem:s21+$0xFFFFFE70];
	[tilespmem:$0x1F910] =	vst v0;
	v0 =	vadd.f32 v54, v23  }
0x1d7: {  	v28 =	vmul.f32 v49, v30;
	v60 =	vimm.f32 $0.0e+00;
	v49 =	vmul.f32 v10, v62;
	[tilespmem:$0x1F810] =	vst v3  }
0x1d8: {  	v3 =	vadd.f32 v44, v21;
	v21 =	vperm.xlane v22, v46;
	[tilespmem:$0x1F930] =	vst v0;
	v0 =	vadd.f32 v27, v23  }
0x1d9: {  	v35 =	vmul.f32 v45, v30;
	v30 =	vmul.f32 v13, v1;
	v24 =	vadd.f32 v49, v60  }
0x1da: {  	[tilespmem:$0x1F950] =	vst v0;
	v0 =	vadd.f32 v7, v21  }
0x1db: {  	v38 =	vmul.f32 v47, v33;
	v47 =	vmul.f32 v6, v33;
	v6 =	vadd.f32 v30, v24;
	v24 =	vld [tilespmem:s21+$0xFFFFFDE0]  }
0x1dc: {  	[tilespmem:$0x1F960] =	vst v0;
	v0 =	vadd.f32 v8, v21;
	_ =	sdelay $0x1  }
0x1dd: {  	v5 =	vld [tilespmem:s21+$0xFFFFFE60];
	[tilespmem:$0x1F980] =	vst v0;
	v0 =	vadd.f32 v58, v21  }
0x1de: {  	v9 =	vld [tilespmem:s21+$0xFFFFFE80];
	[tilespmem:$0x1F820] =	vst v44  }
0x1df: {  	v15 =	vld [tilespmem:s21+$0xFFFFFC90];
	v44 =	vmul.f32 v24, v37;
	v24 =	vperm.xlane v22, v48;
	[tilespmem:$0x1F9A0] =	vst v0;
	v0 =	vadd.f32 v26, v21  }
0x1e0: {  	v12 =	vld [tilespmem:s21+$0xFFFFFE10];
	[tilespmem:$0x1F7E0] =	vst v32  }
0x1e1: {  	v10 =	vld [tilespmem:s21+$0xFFFFFCD0];
	[tilespmem:$0x1F9C0] =	vst v0;
	v0 =	vadd.f32 v18, v24  }
0x1e2: {  	v14 =	vld [tilespmem:s21+$0xFFFFFE20];
	[tilespmem:$0x1F800] =	vst v55  }
0x1e3: {  	v11 =	vmul.f32 v5, v33;
	v5 =	vld [tilespmem:s21+$0xFFFFFD10];
	[tilespmem:$0x1F9D0] =	vst v0;
	v0 =	vadd.f32 v35, v24  }
0x1e4: {  	v16 =	vld [tilespmem:s21+$0xFFFFFE30];
	[tilespmem:$0x1F860] =	vst v41;
	v57 =	vmul.f32 v15, v52  }
0x1e5: {  	[tilespmem:$0x1F9F0] =	vst v0;
	v0 =	vadd.f32 v29, v24  }
0x1e6: {  	v17 =	vld [tilespmem:s21+$0xFFFFFE40];
	[tilespmem:$0x1F880] =	vst v59;
	v45 =	vmul.f32 v9, v33;
	v56 =	vmul.f32 v10, v50;
	v6 =	vadd.f32 v57, v6  }
0x1e7: {  	v9 =	vmul.f32 v12, v34;
	v12 =	vld [tilespmem:s21+$0xFFFFFD50];
	v21 =	vperm.xlane v22, v51;
	[tilespmem:$0x1FA10] =	vst v0;
	v0 =	vadd.f32 v28, v24  }
0x1e8: {  	v15 =	vmul.f32 v14, v34;
	v14 =	vmul.f32 v5, v43;
	[tilespmem:$0x1F830] =	vst v3;
	v6 =	vadd.f32 v56, v6  }
0x1e9: {  	v3 =	vmul.f32 v16, v34;
	v16 =	vld [tilespmem:s21+$0xFFFFFE00];
	[tilespmem:$0x1FA30] =	vst v0;
	v0 =	vadd.f32 v40, v21  }
0x1ea: {  	[tilespmem:$0x1F8A0] =	vst v53;
	v10 =	vld [tilespmem:s21+$0xFFFFFD90];
	v6 =	vadd.f32 v14, v6  }
0x1eb: {  	v13 =	vld [tilespmem:s21+$0xFFFFFDD0];
	[tilespmem:$0x1FA50] =	vst v0;
	v0 =	vadd.f32 v42, v21  }
0x1ec: {  	[tilespmem:$0x1F8C0] =	vst v25;
	v34 =	vmul.f32 v17, v34;
	v17 =	vmul.f32 v12, v39;
	v19 =	vld [tilespmem:s21+$0xFFFFFDA0]  }
0x1ed: {  	v24 =	vperm.xlane v22, v61;
	[tilespmem:$0x1FA70] =	vst v0;
	v0 =	vadd.f32 v31, v21  }
0x1ee: {  	[tilespmem:$0x1F8E0] =	vst v4;
	v12 =	vadd.f32 v17, v6;
	v6 =	vmov v11;
	v11 =	vmul.f32 v16, v37;
	v16 =	vld [tilespmem:s21+$0xFFFFFDC0]  }
0x1ef: {  	v10 =	vmul.f32 v10, v36;
	[tilespmem:$0x1FA90] =	vst v0;
	v0 =	vadd.f32 v6, v24  }
0x1f0: {  	[tilespmem:$0x1F900] =	vst v2;
	v13 =	vmul.f32 v13, v37  }
0x1f1: {  	v12 =	vadd.f32 v10, v12;
	v53 =	vmul.f32 v19, v36;
	v19 =	vld [tilespmem:s21+$0xFFFFFD60];
	[tilespmem:$0x1FAA0] =	vst v0;
	v0 =	vadd.f32 v47, v24  }
0x1f2: {  	[tilespmem:$0x1F940] =	vst v27;
	v27 =	vld [tilespmem:s21+$0xFFFFFD30]  }
0x1f3: {  	v12 =	vadd.f32 v13, v12;
	v33 =	vmul.f32 v16, v36;
	v16 =	vld [tilespmem:s21+$0xFFFFFD20];
	[tilespmem:$0x1FAC0] =	vst v0;
	v0 =	vadd.f32 v45, v24  }
0x1f4: {  	[tilespmem:$0x1F990] =	vst v58;
	v5 =	vld [tilespmem:s21+$0xFFFFFDF0];
	v46 =	vadd.f32 v20, v21;
	v21 =	vperm.xlane v22, v63  }
0x1f5: {  	v23 =	vld [tilespmem:s21+$0xFFFFFDB0];
	v12 =	vadd.f32 v9, v12;
	[tilespmem:$0x1FAE0] =	vst v0;
	v0 =	vimm.s32 $0x7  }
0x1f6: {  	[tilespmem:$0x1FA60] =	vst v42;
	v25 =	vld [tilespmem:s21+$0xFFFFFD70];
	v42 =	vmul.f32 v19, v39;
	v19 =	vperm.xlane v22, v0;
	v0 =	vadd.f32 v3, v21  }
0x1f7: {  	[tilespmem:$0x1FA00] =	vst v29;
	v58 =	vmul.f32 v27, v43;
	v27 =	vld [tilespmem:s21+$0xFFFFFCB0]  }
0x1f8: {  	v55 =	vadd.f32 v38, v12;
	v12 =	vmul.f32 v16, v43;
	v16 =	vld [tilespmem:s21+$0xFFFFFCF0];
	[tilespmem:$0x1FB00] =	vst v0;
	v0 =	vadd.f32 v34, v21  }
0x1f9: {  	[tilespmem:$0x1FA20] =	vst v28;
	v2 =	vmul.f32 v5, v37;
	v29 =	vld [tilespmem:s21+$0xFFFFFD40]  }
0x1fa: {  	v28 =	vmul.f32 v23, v36;
	v23 =	vld [tilespmem:s21+$0xFFFFFD80];
	[tilespmem:$0x1FB20] =	vst v0;
	v0 =	vimm.s32 $0x6  }
0x1fb: {  	[tilespmem:$0x1F920] =	vst v54;
	v63 =	vld [tilespmem:s21+$0xFFFFFCC0];
	v4 =	vadd.f32 v13, v19;
	v13 =	vperm.xlane v22, v0;
	v0 =	vadd.f32 v2, v19  }
0x1fc: {  	[tilespmem:$0x1F9B0] =	vst v26;
	v32 =	vadd.f32 v9, v21;
	v9 =	vld [tilespmem:s21+$0xFFFFFCE0]  }
0x1fd: {  	v51 =	vadd.f32 v38, v24;
	v24 =	vld [tilespmem:s21+$0xFFFFFD00];
	[tilespmem:$0x1FB30] =	vst v0;
	v0 =	vadd.f32 v11, v19  }
0x1fe: {  	[tilespmem:$0x1FAD0] =	vst v45;
	v5 =	vmov v15;
	v25 =	vmul.f32 v25, v39;
	v59 =	vmul.f32 v29, v43;
	v45 =	vld [tilespmem:s21+$0xFFFFFC70]  }
0x1ff: {  	v26 =	vmul.f32 v23, v39;
	v48 =	vadd.f32 v5, v21;
	v21 =	vld [tilespmem:s21+$0xFFFFFCA0];
	[tilespmem:$0x1FB40] =	vst v0;
	v0 =	vimm.s32 $0x5  }
0x200: {  	[tilespmem:$0x1FA80] =	vst v31;
	v31 =	vadd.f32 v44, v19;
	v19 =	vperm.xlane v22, v0;
	v0 =	vadd.f32 v28, v13  }
0x201: {  	[tilespmem:$0x1F9E0] =	vst v35;
	v36 =	vmul.f32 v63, v52;
	v54 =	vmul.f32 v9, v50  }
0x202: {  	v9 =	vmul.f32 v27, v52;
	v37 =	vmul.f32 v24, v50;
	[tilespmem:$0x1FB50] =	vst v0;
	v0 =	vadd.f32 v33, v13  }
0x203: {  	v41 =	vmovc v2;
	v45 =	vmul.f32 v45, v1;
	v2 =	vmul.f32 v16, v50;
	v43 =	vadd.f32 v10, v13  }
0x204: {  	v16 =	vld [tilespmem:s21+$0xFFFFFC20];
	v35 =	vadd.f32 v53, v13;
	v29 =	vmul.f32 v21, v52;
	[tilespmem:$0x1FB60] =	vst v0;
	v0 =	vimm.s32 $0x4  }
0x205: {  	v15 =	vmovc v7;
	v10 =	vadd.f32 v17, v19;
	v7 =	vadd.f32 v42, v19;
	v17 =	vperm.xlane v22, v0  }
0x206: {  	[tilespmem:$0x1FAB0] =	vst v47;
	v13 =	vld [tilespmem:s21+$0xFFFFFC60];
	v47 =	vadd.f32 v25, v19;
	v24 =	vadd.f32 v26, v19;
	v0 =	vimm.s32 $0x3  }
0x207: {  	[tilespmem:$0x1F970] =	vst v8;
	v19 =	vperm.xlane v22, v0;
	v0 =	vimm.s32 $0x1;
	v50 =	vadd.f32 v14, v17  }
0x208: {  	[tilespmem:$0x1FA40] =	vst v40;
	v8 =	vadd.f32 v12, v17;
	v63 =	vperm.xlane v22, v0;
	v0 =	vimm.s32 $0x2  }
0x209: {  	[tilespmem:$0x1FAF0] =	vst v3;
	v14 =	vmul.f32 v16, v62;
	v40 =	vperm.xlane v22, v0;
	v0 =	vimm.f32 $0.0e+00  }
0x20a: {  	v27 =	vadd.f32 v58, v17;
	v52 =	vadd.f32 v59, v17;
	[tilespmem:$0x1FB70] =	vst v0;
	v0 =	vimm.s32 $0x0  }
0x20b: {  	[tilespmem:$0x1FB10] =	vst v34;
	v17 =	vmul.f32 v13, v1;
	v22 =	vperm.xlane v22, v0;
	v0 =	vimm.f32 $-Inf  }
0x20c: {  	v56 =	vadd.f32 v56, v19;
	v13 =	vadd.f32 v54, v19;
	[tilespmem:$0x1FB80] =	vst v0;
	v0 =	vimm.f32 $0.0e+00  }
0x20d: {  	v34 =	vld [tilespmem:s21+$0xFFFFFC30];
	v39 =	vadd.f32 v2, v19;
	v16 =	vadd.f32 v14, v60;
	[tilespmem:$0x1FB90] =	vst v0;
	v0 =	vimm.f32 $-Inf  }
0x20e: {  	v61 =	vadd.f32 v37, v19;
	v19 =	vld [tilespmem:s21+$0xFFFFFC40];
	v57 =	vadd.f32 v57, v40;
	[tilespmem:$0x1FBA0] =	vst v0;
	v0 =	vimm.f32 $-Inf  }
0x20f: {  	s22 =	simm.s32 $0x40;
	v23 =	vmovc v11;
	v21 =	vimm.f32 $-Inf;
	v60 =	vld [tilespmem:s21+$0xFFFFFC80];
	v38 =	vadd.f32 v17, v16;
	v16 =	vadd.f32 v29, v40;
	[tilespmem:$0x1FBB0] =	vst v0  }
.LBB2_5:
0x210: {  	_ = 	snop  }
0x211: {  	v20 =	vadd.f32 v20, v55  }
0x212: {  	v0 =	vld [tilespmem:$0x1F8E0]  }
0x213: {  	v18 =	vadd.f32 v18, v20  }
0x214: {  	v3 =	vld [tilespmem:$0x1F860]  }
0x215: {  	v11 =	vadd.f32 v15, v18;
	_ =	sdelay $0x1  }
0x216: {  	v0 =	vadd.f32 v0, v11;
	_ =	sdelay $0x1  }
0x217: {  	v0 =	vadd.f32 v3, v0;
	v3 =	vld [tilespmem:$0x1F7E0];
	_ =	sdelay $0x1  }
0x218: {  	v49 =	vadd.f32 v49, v22;
	v29 =	vadd.f32 v29, v38  }
0x219: {  	v30 =	vadd.f32 v30, v63  }
0x21a: {  	v29 =	vadd.f32 v54, v29;
	v20 =	vmax.f32 v21, v49  }
0x21b: {  	v20 =	vmax.f32 v20, v30;
	v0 =	vadd.f32 v3, v0  }
0x21c: {  	v12 =	vadd.f32 v12, v29;
	v20 =	vmax.f32 v20, v57;
	v3 =	vld [tilespmem:$0x1FB70]  }
0x21d: {  	v20 =	vmax.f32 v20, v56;
	[tilespmem:$0x1F790] =	vst v0;
	v0 =	vld [tilespmem:$0x1FB80]  }
0x21e: {  	v12 =	vadd.f32 v42, v12;
	v20 =	vmax.f32 v20, v50  }
0x21f: {  	v34 =	vmul.f32 v34, v62;
	v10 =	vmax.f32 v20, v10  }
0x220: {  	v11 =	vadd.f32 v14, v22;
	v12 =	vadd.f32 v53, v12;
	v10 =	vmax.f32 v10, v43  }
0x221: {  	v4 =	vmax.f32 v10, v4  }
0x222: {  	v10 =	vadd.f32 v44, v12;
	v0 =	vmax.f32 v0, v11;
	v11 =	vadd.f32 v34, v3;
	v3 =	vld [tilespmem:$0x1FB90];
	_ =	sdelay $0x1  }
0x223: {  	v10 =	vadd.f32 v5, v10;
	v5 =	vld [tilespmem:$0x1FA40]  }
0x224: {  	v19 =	vmul.f32 v19, v62;
	_ =	sdelay $0x1  }
0x225: {  	v12 =	vadd.f32 v19, v3;
	v3 =	vadd.f32 v6, v10;
	_ =	sdelay $0x1  }
0x226: {  	v3 =	vadd.f32 v5, v3;
	v5 =	vld [tilespmem:$0x1F9D0];
	_ =	sdelay $0x1  }
0x227: {  	v4 =	vmax.f32 v4, v32  }
0x228: {  	v4 =	vmax.f32 v4, v51  }
0x229: {  	v4 =	vmax.f32 v4, v46  }
0x22a: {  	v17 =	vadd.f32 v17, v63;
	v4 =	vmax.f32 v4, v5;
	v5 =	vld [tilespmem:$0x1F960];
	_ =	sdelay $0x1  }
0x22b: {  	v0 =	vmax.f32 v0, v17  }
0x22c: {  	v0 =	vmax.f32 v0, v16  }
0x22d: {  	v0 =	vmax.f32 v0, v13  }
0x22e: {  	v0 =	vmax.f32 v0, v8;
	v4 =	vmax.f32 v4, v5;
	v5 =	vld [tilespmem:$0x1FAA0]  }
0x22f: {  	v0 =	vmax.f32 v0, v7  }
0x230: {  	v0 =	vmax.f32 v0, v35  }
0x231: {  	v0 =	vmax.f32 v0, v31  }
0x232: {  	v0 =	vmax.f32 v0, v48  }
0x233: {  	v0 =	vmax.f32 v0, v5;
	v5 =	vld [tilespmem:$0x1FA50];
	_ =	sdelay $0x4  }
0x234: {  	v0 =	vmax.f32 v0, v5;
	v5 =	vld [tilespmem:$0x1F8F0];
	_ =	sdelay $0x4  }
0x235: {  	v4 =	vmax.f32 v4, v5;
	v5 =	vld [tilespmem:$0x1F9F0];
	_ =	sdelay $0x4  }
0x236: {  	v0 =	vmax.f32 v0, v5;
	v5 =	vld [tilespmem:$0x1F980];
	_ =	sdelay $0x4  }
0x237: {  	v0 =	vmax.f32 v0, v5;
	v5 =	vld [tilespmem:$0x1F870];
	_ =	sdelay $0x3  }
0x238: {  	v7 =	vld [tilespmem:$0x1F9E0]  }
0x239: {  	v4 =	vmax.f32 v4, v5;
	v5 =	vld [tilespmem:$0x1F910];
	_ =	sdelay $0x3  }
0x23a: {  	v3 =	vadd.f32 v7, v3;
	v7 =	vld [tilespmem:$0x1F970]  }
0x23b: {  	v0 =	vmax.f32 v0, v5;
	v5 =	vld [tilespmem:$0x1F890];
	_ =	sdelay $0x3  }
0x23c: {  	v3 =	vadd.f32 v7, v3;
	v7 =	vld [tilespmem:$0x1F900]  }
0x23d: {  	v0 =	vmax.f32 v0, v5;
	v5 =	vld [tilespmem:$0x1F7F0];
	_ =	sdelay $0x1  }
0x23e: {  	v11 =	vadd.f32 v45, v11  }
0x23f: {  	v54 =	vadd.f32 v9, v40  }
0x240: {  	v9 =	vadd.f32 v9, v11;
	v3 =	vadd.f32 v7, v3;
	v7 =	vld [tilespmem:$0x1F880]  }
0x241: {  	v1 =	vmul.f32 v60, v1;
	v4 =	vmax.f32 v4, v5  }
0x242: {  	v2 =	vadd.f32 v2, v9;
	[tilespmem:$0x1F7A0] =	vst v4;
	v4 =	vld [tilespmem:$0x1F800]  }
0x243: {  	v14 =	vadd.f32 v1, v63;
	v1 =	vadd.f32 v1, v12  }
0x244: {  	v2 =	vadd.f32 v58, v2  }
0x245: {  	v1 =	vadd.f32 v36, v1;
	v3 =	vadd.f32 v7, v3  }
0x246: {  	v2 =	vadd.f32 v25, v2  }
0x247: {  	v1 =	vadd.f32 v37, v1;
	v3 =	vadd.f32 v4, v3;
	v4 =	vld [tilespmem:$0x1FAF0]  }
0x248: {  	v2 =	vadd.f32 v28, v2  }
0x249: {  	v1 =	vadd.f32 v59, v1  }
0x24a: {  	v2 =	vadd.f32 v41, v2  }
0x24b: {  	v1 =	vadd.f32 v26, v1  }
0x24c: {  	v2 =	vadd.f32 v4, v2;
	v4 =	vld [tilespmem:$0x1FB10]  }
0x24d: {  	v1 =	vadd.f32 v33, v1;
	_ =	sdelay $0x1  }
0x24e: {  	v1 =	vadd.f32 v23, v1;
	_ =	sdelay $0x1  }
0x24f: {  	v1 =	vadd.f32 v4, v1;
	v4 =	vld [tilespmem:$0x1FAB0];
	_ =	sdelay $0x4  }
0x250: {  	v2 =	vadd.f32 v4, v2;
	v4 =	vld [tilespmem:$0x1FAD0];
	_ =	sdelay $0x2  }
0x251: {  	[tilespmem:$0x1F7C0] =	vst v3;
	v3 =	vld [tilespmem:$0x1F810];
	_ =	sdelay $0x1  }
0x252: {  	v1 =	vadd.f32 v4, v1;
	v4 =	vld [tilespmem:$0x1FA60];
	_ =	sdelay $0x2  }
0x253: {  	v0 =	vmax.f32 v0, v3  }
0x254: {  	[tilespmem:$0x1FB80] =	vst v0;
	v0 =	vld [tilespmem:$0x1FBA0]  }
0x255: {  	v2 =	vadd.f32 v4, v2;
	v4 =	vld [tilespmem:$0x1FA80];
	_ =	sdelay $0x1  }
0x256: {  	v20 =	vadd.f32 v34, v22  }
0x257: {  	v18 =	vadd.f32 v45, v63  }
0x258: {  	v3 =	vld [tilespmem:$0x1FBB0];
	v0 =	vmax.f32 v0, v20  }
0x259: {  	v0 =	vmax.f32 v0, v18;
	v1 =	vadd.f32 v4, v1;
	v4 =	vld [tilespmem:$0x1FB50]  }
0x25a: {  	v0 =	vmax.f32 v0, v54  }
0x25b: {  	v21 =	vadd.f32 v19, v22;
	v0 =	vmax.f32 v0, v39  }
0x25c: {  	v0 =	vmax.f32 v0, v27  }
0x25d: {  	v55 =	vadd.f32 v36, v40;
	v3 =	vmax.f32 v3, v21;
	v0 =	vmax.f32 v0, v47  }
0x25e: {  	v3 =	vmax.f32 v3, v14;
	v0 =	vmax.f32 v0, v4;
	v4 =	vld [tilespmem:$0x1FB60]  }
0x25f: {  	v3 =	vmax.f32 v3, v55  }
0x260: {  	v3 =	vmax.f32 v3, v61  }
0x261: {  	v3 =	vmax.f32 v3, v52  }
0x262: {  	v3 =	vmax.f32 v3, v24  }
0x263: {  	v3 =	vmax.f32 v3, v4;
	v4 =	vld [tilespmem:$0x1FA00];
	_ =	sdelay $0x4  }
0x264: {  	v2 =	vadd.f32 v4, v2;
	v4 =	vld [tilespmem:$0x1FB30];
	_ =	sdelay $0x4  }
0x265: {  	v0 =	vmax.f32 v0, v4;
	v4 =	vld [tilespmem:$0x1FB40];
	_ =	sdelay $0x4  }
0x266: {  	v3 =	vmax.f32 v3, v4;
	v4 =	vld [tilespmem:$0x1FA20];
	_ =	sdelay $0x4  }
0x267: {  	v1 =	vadd.f32 v4, v1;
	v4 =	vld [tilespmem:$0x1FB00];
	_ =	sdelay $0x4  }
0x268: {  	v0 =	vmax.f32 v0, v4;
	v4 =	vld [tilespmem:$0x1FB20];
	_ =	sdelay $0x4  }
0x269: {  	v3 =	vmax.f32 v3, v4;
	v4 =	vld [tilespmem:$0x1F990];
	_ =	sdelay $0x4  }
0x26a: {  	v2 =	vadd.f32 v4, v2;
	v4 =	vld [tilespmem:$0x1FAC0]  }
0x26b: {  	v5 =	vld [tilespmem:$0x1FA70];
	_ =	sdelay $0x3  }
0x26c: {  	v0 =	vmax.f32 v0, v4;
	v4 =	vld [tilespmem:$0x1FAE0]  }
0x26d: {  	v0 =	vmax.f32 v0, v5;
	v5 =	vld [tilespmem:$0x1FA90];
	_ =	sdelay $0x3  }
0x26e: {  	v3 =	vmax.f32 v3, v4  }
0x26f: {  	v3 =	vmax.f32 v3, v5;
	v5 =	vld [tilespmem:$0x1F920];
	_ =	sdelay $0x4  }
0x270: {  	v2 =	vadd.f32 v5, v2;
	v5 =	vld [tilespmem:$0x1FA10];
	_ =	sdelay $0x4  }
0x271: {  	v0 =	vmax.f32 v0, v5;
	v5 =	vld [tilespmem:$0x1FA30];
	_ =	sdelay $0x2  }
0x272: {  	v4 =	vld [tilespmem:$0x1F9B0];
	_ =	sdelay $0x1  }
0x273: {  	v3 =	vmax.f32 v3, v5;
	v5 =	vld [tilespmem:$0x1F940];
	_ =	sdelay $0x2  }
0x274: {  	v1 =	vadd.f32 v4, v1;
	_ =	sdelay $0x1  }
0x275: {  	v1 =	vadd.f32 v5, v1;
	v5 =	vld [tilespmem:$0x1F9A0];
	_ =	sdelay $0x4  }
0x276: {  	v0 =	vmax.f32 v0, v5;
	v5 =	vld [tilespmem:$0x1F9C0];
	_ =	sdelay $0x4  }
0x277: {  	v3 =	vmax.f32 v3, v5;
	v5 =	vld [tilespmem:$0x1F8A0];
	_ =	sdelay $0x4  }
0x278: {  	v2 =	vadd.f32 v5, v2;
	v5 =	vld [tilespmem:$0x1F930];
	_ =	sdelay $0x4  }
0x279: {  	v0 =	vmax.f32 v0, v5;
	v5 =	vld [tilespmem:$0x1F950];
	_ =	sdelay $0x4  }
0x27a: {  	v3 =	vmax.f32 v3, v5;
	v5 =	vld [tilespmem:$0x1F8C0];
	_ =	sdelay $0x4  }
0x27b: {  	v1 =	vadd.f32 v5, v1;
	v5 =	vld [tilespmem:$0x1F8B0];
	_ =	sdelay $0x4  }
0x27c: {  	v0 =	vmax.f32 v0, v5;
	v5 =	vld [tilespmem:$0x1F8D0];
	_ =	sdelay $0x4  }
0x27d: {  	v3 =	vmax.f32 v3, v5;
	v5 =	vld [tilespmem:$0x1F820];
	_ =	sdelay $0x4  }
0x27e: {  	v2 =	vadd.f32 v5, v2;
	_ =	sdelay $0x1  }
0x27f: {  	[tilespmem:$0x1FB70] =	vst v2;
	v2 =	vld [tilespmem:$0x1F830];
	_ =	sdelay $0x3  }
0x280: {  	v4 =	vld [tilespmem:$0x1F7D0]  }
0x281: {  	v0 =	vmax.f32 v0, v2  }
0x282: {  	[tilespmem:$0x1FBA0] =	vst v0;
	v0 =	vld [tilespmem:$0x1F840];
	_ =	sdelay $0x4  }
0x283: {  	s23 =	sshra.s32 s22, $0x2;
	v0 =	vadd.f32 v0, v1  }
0x284: {  	v4 =	vld.idx.msk [tilespmem:v4+s23+$0x0 ss:$0x1], $0xffff  }
0x285: {  	[tilespmem:$0x1FB90] =	vst v0;
	v0 =	vld [tilespmem:$0x1F850];
	_ =	sdelay $0x3  }
0x286: {  	s21 =	sadd.s32 $0x400, s21  }
0x287: {  	v15 =	vld [tilespmem:s21+$0x0];
	vm0 =	veq.s32 v4, $0x0;
	v2 =	vimm.f32 $1.000000000e+00;
	v0 =	vmax.f32 v3, v0  }
0x288: {  	v21 =	vimm.s32 $0x9;
	v14 =	vsel vm0, $0x0, v2;
	v2 =	vimm.s32 $0xF;
	[tilespmem:$0x1FBB0] =	vst v0;
	v0 =	vld [tilespmem:s21+$0xFFFFFFE0]  }
0x289: {  	v4 =	vimm.s32 $0xE;
	v18 =	vperm.xlane v14, v2;
	v1 =	vimm.f32 $0.0e+00  }
0x28a: {  	v17 =	vld [tilespmem:s21+$0xFFFFFF90];
	v20 =	vperm.xlane v14, v4;
	v38 =	vperm.xlane v14, v21;
	v1 =	vsel vm0, $0xFF800000, v1  }
0x28b: {  	v23 =	vld [tilespmem:s21+$0xFFFFFFA0];
	v54 =	vimm.s32 $0x0;
	v16 =	vperm.xlane v1, v2;
	v12 =	vperm.xlane v1, v21  }
0x28c: {  	v22 =	vperm.xlane v1, v54;
	v21 =	vperm.xlane v14, v54  }
0x28d: {  	v54 =	vmul.f32 v0, v18;
	v0 =	vmul.f32 v15, v18  }
0x28e: {  	v53 =	vimm.s32 $0x2;
	v36 =	vimm.s32 $0x7;
	v26 =	vld [tilespmem:s21+$0xFFFFFFB0]  }
0x28f: {  	v60 =	vmul.f32 v17, v20;
	v62 =	vperm.xlane v1, v4;
	[tilespmem:$0x1F840] =	vst v0;
	v0 =	vadd.f32 v0, v16  }
0x290: {  	v28 =	vld [tilespmem:s21+$0xFFFFFFC0];
	v46 =	vperm.xlane v14, v36;
	v55 =	vmul.f32 v23, v20;
	v2 =	vimm.s32 $0xC  }
0x291: {  	v40 =	vperm.xlane v1, v53;
	v9 =	vperm.xlane v1, v2;
	[tilespmem:$0x1F850] =	vst v0;
	v0 =	vadd.f32 v60, v62  }
0x292: {  	v30 =	vld [tilespmem:s21+$0xFFFFFF50];
	v29 =	vperm.xlane v14, v2;
	v2 =	vperm.xlane v1, v36  }
0x293: {  	v36 =	vperm.xlane v14, v53;
	v53 =	vmul.f32 v26, v20;
	[tilespmem:$0x1F870] =	vst v0;
	v0 =	vadd.f32 v55, v62  }
0x294: {  	v32 =	vld [tilespmem:s21+$0xFFFFFF60];
	v10 =	vimm.s32 $0x8;
	v7 =	vimm.s32 $0xD  }
0x295: {  	v25 =	vperm.xlane v14, v7;
	v51 =	vmul.f32 v28, v20;
	[tilespmem:$0x1F890] =	vst v0;
	v0 =	vadd.f32 v53, v62  }
0x296: {  	v56 =	vimm.s32 $0x6;
	v33 =	vld [tilespmem:s21+$0xFFFFFF70];
	v42 =	vperm.xlane v14, v10  }
0x297: {  	v6 =	vmul.f32 v30, v25;
	v61 =	vperm.xlane v1, v7;
	[tilespmem:$0x1F8B0] =	vst v0;
	v0 =	vadd.f32 v51, v62  }
0x298: {  	v35 =	vld [tilespmem:s21+$0xFFFFFF80];
	v4 =	vperm.xlane v1, v10;
	v27 =	vperm.xlane v1, v56  }
0x299: {  	v49 =	vld [tilespmem:s21+$0xFFFFFE90];
	v10 =	vperm.xlane v14, v56;
	v56 =	vmul.f32 v32, v25;
	[tilespmem:$0x1F8D0] =	vst v0;
	v0 =	vadd.f32 v6, v61  }
0x29a: {  	v39 =	vld [tilespmem:s21+$0xFFFFFF10]  }
0x29b: {  	v43 =	vld [tilespmem:s21+$0xFFFFFF30];
	v58 =	vimm.s32 $0x3;
	v33 =	vmul.f32 v33, v25;
	[tilespmem:$0x1F8F0] =	vst v0;
	v0 =	vadd.f32 v56, v61  }
0x29c: {  	v41 =	vld [tilespmem:s21+$0xFFFFFF20];
	v5 =	vperm.xlane v1, v58  }
0x29d: {  	v44 =	vld [tilespmem:s21+$0xFFFFFF40];
	v8 =	vimm.s32 $0xB;
	v32 =	vmul.f32 v35, v25;
	[tilespmem:$0x1F910] =	vst v0;
	v0 =	vadd.f32 v33, v61  }
0x29e: {  	v57 =	vimm.s32 $0x4;
	v45 =	vld [tilespmem:s21+$0xFFFFFED0];
	v31 =	vperm.xlane v14, v8;
	v7 =	vimm.s32 $0xA;
	[tilespmem:$0x1F7B0] =	vst v5  }
0x29f: {  	v11 =	vld [tilespmem:s21+$0xFFFFFFD0];
	v52 =	vperm.xlane v1, v57;
	v5 =	vmul.f32 v39, v29;
	[tilespmem:$0x1F930] =	vst v0;
	v0 =	vadd.f32 v32, v61  }
0x2a0: {  	v48 =	vld [tilespmem:s21+$0xFFFFFF00];
	[tilespmem:$0x1F860] =	vst v60;
	v13 =	vperm.xlane v1, v7;
	v34 =	vperm.xlane v14, v7  }
0x2a1: {  	v47 =	vld [tilespmem:s21+$0xFFFFFEE0];
	v7 =	vperm.xlane v14, v57;
	v57 =	vmul.f32 v41, v29;
	[tilespmem:$0x1F950] =	vst v0;
	v0 =	vadd.f32 v5, v9  }
0x2a2: {  	v59 =	vimm.s32 $0x1;
	v37 =	vperm.xlane v14, v58;
	[tilespmem:$0x1F880] =	vst v55;
	v19 =	vperm.xlane v1, v8;
	v3 =	vld [tilespmem:s21+$0xFFFFFFF0]  }
0x2a3: {  	v17 =	vld [tilespmem:s21+$0xFFFFFEC0];
	v8 =	vimm.s32 $0x5;
	v39 =	vmul.f32 v43, v29;
	[tilespmem:$0x1F960] =	vst v0;
	v0 =	vadd.f32 v57, v9  }
0x2a4: {  	v23 =	vld [tilespmem:s21+$0xFFFFFE50];
	[tilespmem:$0x1F8C0] =	vst v51;
	v63 =	vperm.xlane v1, v59;
	v24 =	vperm.xlane v1, v8  }
0x2a5: {  	v28 =	vld [tilespmem:s21+$0xFFFFFE80];
	v8 =	vperm.xlane v14, v8;
	v35 =	vmul.f32 v44, v29;
	[tilespmem:$0x1F980] =	vst v0;
	v0 =	vadd.f32 v39, v9  }
0x2a6: {  	[tilespmem:$0x1F8E0] =	vst v6;
	v1 =	vperm.xlane v14, v59;
	v14 =	vld [tilespmem:s21+$0xFFFFFEF0];
	v59 =	vmul.f32 v11, v18  }
0x2a7: {  	v30 =	vld [tilespmem:s21+$0xFFFFFE30];
	v50 =	vmul.f32 v3, v18;
	v18 =	vmul.f32 v45, v31;
	[tilespmem:$0x1F9A0] =	vst v0;
	v0 =	vadd.f32 v35, v9  }
0x2a8: {  	[tilespmem:$0x1F920] =	vst v33;
	v25 =	vld [tilespmem:s21+$0xFFFFFE60]  }
0x2a9: {  	v58 =	vmul.f32 v47, v31;
	v26 =	vld [tilespmem:s21+$0xFFFFFE70];
	[tilespmem:$0x1F9C0] =	vst v0;
	v0 =	vadd.f32 v18, v19  }
0x2aa: {  	[tilespmem:$0x1F900] =	vst v56;
	v3 =	vld [tilespmem:s21+$0xFFFFFEA0]  }
0x2ab: {  	v41 =	vmul.f32 v14, v31;
	v15 =	vld [tilespmem:s21+$0xFFFFFEB0];
	[tilespmem:$0x1F9D0] =	vst v0;
	v0 =	vadd.f32 v58, v19  }
0x2ac: {  	[tilespmem:$0x1F940] =	vst v32;
	v29 =	vld [tilespmem:s21+$0xFFFFFE10]  }
0x2ad: {  	v14 =	vld [tilespmem:s21+$0xFFFFFE20];
	v31 =	vmul.f32 v48, v31;
	[tilespmem:$0x1F9F0] =	vst v0;
	v0 =	vadd.f32 v41, v19  }
0x2ae: {  	[tilespmem:$0x1F9E0] =	vst v58;
	v20 =	vmul.f32 v49, v34;
	v45 =	vmul.f32 v23, v38;
	v23 =	vld [tilespmem:s21+$0xFFFFFDD0]  }
0x2af: {  	v44 =	vmul.f32 v25, v38;
	v25 =	vld [tilespmem:s21+$0xFFFFFDE0];
	v48 =	vmul.f32 v3, v34;
	[tilespmem:$0x1FA10] =	vst v0;
	v0 =	vadd.f32 v31, v19  }
0x2b0: {  	[tilespmem:$0x1F820] =	vst v50;
	v3 =	vadd.f32 v59, v16;
	v43 =	vmul.f32 v15, v34;
	v34 =	vmul.f32 v17, v34;
	v17 =	vld [tilespmem:s21+$0xFFFFFE40]  }
0x2b1: {  	v47 =	vmul.f32 v26, v38;
	v26 =	vld [tilespmem:s21+$0xFFFFFDF0];
	[tilespmem:$0x1FA30] =	vst v0;
	v0 =	vadd.f32 v48, v13  }
0x2b2: {  	v38 =	vmul.f32 v28, v38;
	v28 =	vmul.f32 v14, v42;
	v14 =	vld [tilespmem:s21+$0xFFFFFE00];
	[tilespmem:$0x1F7F0] =	vst v3;
	v3 =	vadd.f32 v54, v16  }
0x2b3: {  	v11 =	vmul.f32 v29, v42;
	v29 =	vmul.f32 v23, v46;
	v23 =	vld [tilespmem:s21+$0xFFFFFDB0];
	[tilespmem:$0x1FA50] =	vst v0;
	v0 =	vadd.f32 v43, v13  }
0x2b4: {  	[tilespmem:$0x1F810] =	vst v3;
	v3 =	vadd.f32 v50, v16;
	v16 =	vld [tilespmem:s21+$0xFFFFFD90]  }
0x2b5: {  	v50 =	vmul.f32 v17, v42;
	v17 =	vld [tilespmem:s21+$0xFFFFFDA0];
	[tilespmem:$0x1FA70] =	vst v0;
	v0 =	vadd.f32 v34, v13  }
0x2b6: {  	[tilespmem:$0x1F7E0] =	vst v59;
	v62 =	vmov v21;
	v21 =	vmul.f32 v26, v46;
	v26 =	vld [tilespmem:s21+$0xFFFFFDC0];
	v6 =	vmov v44  }
0x2b7: {  	v44 =	vmul.f32 v25, v46;
	v25 =	vld [tilespmem:s21+$0xFFFFFC10];
	[tilespmem:$0x1FA90] =	vst v0;
	v0 =	vadd.f32 v6, v12  }
0x2b8: {  	[tilespmem:$0x1F8A0] =	vst v53;
	v9 =	vld [tilespmem:s21+$0xFFFFFC50]  }
0x2b9: {  	[tilespmem:$0x1FAA0] =	vst v0;
	v0 =	vld [tilespmem:$0x1F790]  }
0x2ba: {  	[tilespmem:$0x1F800] =	vst v54;
	v54 =	vmul.f32 v14, v46;
	v14 =	vmul.f32 v16, v10;
	v16 =	vld [tilespmem:s21+$0xFFFFFD50]  }
0x2bb: {  	[tilespmem:$0x1F830] =	vst v3;
	v3 =	vmul.f32 v30, v42;
	v19 =	vld [tilespmem:s21+$0xFFFFFD60]  }
0x2bc: {  	[tilespmem:$0x1F970] =	vst v57;
	v53 =	vmul.f32 v17, v10;
	v17 =	vld [tilespmem:s21+$0xFFFFFC90];
	v49 =	vmul.f32 v25, v62  }
0x2bd: {  	[tilespmem:$0x1F9B0] =	vst v35;
	v15 =	vmovc v5;
	v33 =	vmul.f32 v26, v10;
	v26 =	vld [tilespmem:s21+$0xFFFFFD10];
	v5 =	vmov v28;
	v28 =	vmul.f32 v23, v10  }
0x2be: {  	[tilespmem:$0x1FAB0] =	vst v47;
	v30 =	vmul.f32 v9, v1;
	v9 =	vld [tilespmem:s21+$0xFFFFFD70];
	v10 =	vadd.f32 v49, v0;
	v0 =	vadd.f32 v47, v12  }
0x2bf: {  	[tilespmem:$0x1FA20] =	vst v31;
	v51 =	vadd.f32 v45, v12;
	v46 =	vadd.f32 v20, v13;
	v13 =	vld [tilespmem:s21+$0xFFFFFCD0]  }
0x2c0: {  	v32 =	vadd.f32 v11, v4;
	v42 =	vmul.f32 v19, v8;
	v19 =	vld [tilespmem:s21+$0xFFFFFD30];
	[tilespmem:$0x1FAC0] =	vst v0;
	v0 =	vadd.f32 v38, v12  }
0x2c1: {  	[tilespmem:$0x1FA40] =	vst v48;
	v57 =	vmul.f32 v17, v36;
	v17 =	vld [tilespmem:s21+$0xFFFFFD20];
	v35 =	vadd.f32 v53, v27;
	v31 =	vadd.f32 v44, v2  }
0x2c2: {  	v61 =	vmul.f32 v26, v7;
	v10 =	vadd.f32 v30, v10;
	v12 =	vld [tilespmem:s21+$0xFFFFFD80];
	[tilespmem:$0x1FAE0] =	vst v0;
	v0 =	vadd.f32 v3, v4  }
0x2c3: {  	v60 =	vld [tilespmem:s21+$0xFFFFFCE0];
	[tilespmem:$0x1FA60] =	vst v43;
	v48 =	vadd.f32 v5, v4;
	v25 =	vmul.f32 v9, v8;
	v43 =	vadd.f32 v14, v27  }
0x2c4: {  	v55 =	vld [tilespmem:s21+$0xFFFFFD40];
	v13 =	vmul.f32 v13, v37;
	v10 =	vadd.f32 v57, v10;
	[tilespmem:$0x1FB00] =	vst v0;
	v0 =	vadd.f32 v50, v4  }
0x2c5: {  	[tilespmem:$0x1FAF0] =	vst v3;
	v58 =	vmul.f32 v19, v7;
	v19 =	vld [tilespmem:s21+$0xFFFFFCA0];
	v47 =	vadd.f32 v25, v24;
	v57 =	vadd.f32 v57, v40  }
0x2c6: {  	v16 =	vmul.f32 v16, v8;
	v3 =	vld [tilespmem:$0x1F7C0];
	v9 =	vadd.f32 v13, v10;
	[tilespmem:$0x1FB20] =	vst v0;
	v0 =	vadd.f32 v21, v2  }
0x2c7: {  	[tilespmem:$0x1FB10] =	vst v50;
	v50 =	vadd.f32 v61, v52;
	v26 =	vmul.f32 v12, v8;
	v12 =	vmul.f32 v17, v7;
	v17 =	vld [tilespmem:s21+$0xFFFFFC20]  }
0x2c8: {  	v9 =	vadd.f32 v61, v9;
	v61 =	vld [tilespmem:$0x1F7B0];
	[tilespmem:$0x1FB30] =	vst v0;
	v0 =	vadd.f32 v54, v2  }
0x2c9: {  	[tilespmem:$0x1FAD0] =	vst v38;
	v4 =	vadd.f32 v29, v2;
	v10 =	vadd.f32 v16, v24;
	v8 =	vld [tilespmem:s21+$0xFFFFFD00]  }
0x2ca: {  	v59 =	vmul.f32 v55, v7;
	v2 =	vld [tilespmem:s21+$0xFFFFFCF0];
	v9 =	vadd.f32 v16, v9;
	[tilespmem:$0x1FB40] =	vst v0;
	v0 =	vadd.f32 v28, v27  }
0x2cb: {  	v23 =	vmovc v54;
	v7 =	vadd.f32 v42, v24;
	v24 =	vadd.f32 v26, v24;
	v16 =	vld [tilespmem:s21+$0xFFFFFC60];
	v54 =	vmul.f32 v60, v37  }
0x2cc: {  	v38 =	vld [tilespmem:s21+$0xFFFFFCB0];
	v9 =	vadd.f32 v14, v9;
	[tilespmem:$0x1FB50] =	vst v0;
	v0 =	vadd.f32 v33, v27  }
0x2cd: {  	[tilespmem:$0x1F990] =	vst v39;
	v55 =	vld [tilespmem:s21+$0xFFFFFCC0];
	v14 =	vmul.f32 v17, v62;
	v56 =	vadd.f32 v13, v61;
	v13 =	vadd.f32 v54, v61  }
0x2ce: {  	p0 =	sne.s32 s22, $0x300;
	v27 =	vadd.f32 v58, v52;
	v9 =	vadd.f32 v29, v9;
	v29 =	vmul.f32 v19, v36;
	[tilespmem:$0x1FB60] =	vst v0;
	v0 =	vld [tilespmem:s21+$0xFFFFFC70]  }
.Ltmp1:
0x2cf: {  	[tilespmem:$0x1FA00] =	vst v41;
	v3 =	vadd.f32 v14, v3;
	v2 =	vmul.f32 v2, v37;
	v37 =	vmul.f32 v8, v37;
	(pc) =	sbr.rel @p0 .LBB2_5-.Ltmp1, $4  }
0x2d0: {  	[tilespmem:$0x1FA80] =	vst v34;
	v34 =	vld [tilespmem:s21+$0xFFFFFC30];
	v8 =	vadd.f32 v12, v52;
	v52 =	vadd.f32 v59, v52;
	v17 =	vmul.f32 v16, v1  }
0x2d1: {  	v41 =	vmovc v21;
	v21 =	vld [tilespmem:$0x1F7A0];
	v16 =	vadd.f32 v11, v9;
	v9 =	vmul.f32 v38, v36;
	v39 =	vadd.f32 v2, v61  }
0x2d2: {  	v60 =	vld [tilespmem:s21+$0xFFFFFC80];
	v36 =	vmul.f32 v55, v36;
	v61 =	vadd.f32 v37, v61;
	v38 =	vadd.f32 v17, v3  }
0x2d3: {  	s22 =	sadd.s32 $0x40, s22;
	v19 =	vld [tilespmem:s21+$0xFFFFFC40];
	v55 =	vadd.f32 v45, v16;
	v16 =	vadd.f32 v29, v40;
	v45 =	vmul.f32 v0, v1  }
0x2d4: {  	v0 =	vadd.f32 v29, v38  }
0x2d5: {  	v3 =	vadd.f32 v20, v55  }
0x2d6: {  	v0 =	vadd.f32 v54, v0  }
0x2d7: {  	v3 =	vadd.f32 v18, v3  }
0x2d8: {  	v0 =	vadd.f32 v12, v0;
	v12 =	vadd.f32 v49, v22  }
0x2d9: {  	v11 =	vadd.f32 v30, v63;
	v3 =	vadd.f32 v15, v3;
	v15 =	vmov v5;
	v5 =	vld [tilespmem:$0x1F8E0]  }
0x2da: {  	v12 =	vmax.f32 v21, v12  }
0x2db: {  	v11 =	vmax.f32 v12, v11;
	v12 =	vld [tilespmem:$0x1F860];
	_ =	sdelay $0x1  }
0x2dc: {  	v0 =	vadd.f32 v42, v0;
	v11 =	vmax.f32 v11, v57;
	v57 =	vadd.f32 v14, v22;
	v14 =	vld [tilespmem:$0x1FB70]  }
0x2dd: {  	v3 =	vadd.f32 v5, v3;
	v5 =	vld [tilespmem:$0x1FB90]  }
0x2de: {  	v0 =	vadd.f32 v53, v0  }
0x2df: {  	v3 =	vadd.f32 v12, v3;
	v12 =	vmul.f32 v34, v62  }
0x2e0: {  	v18 =	vmul.f32 v19, v62;
	v0 =	vadd.f32 v44, v0  }
0x2e1: {  	v1 =	vmul.f32 v60, v1;
	v14 =	vadd.f32 v12, v14;
	v60 =	vadd.f32 v12, v22  }
0x2e2: {  	v12 =	vadd.f32 v18, v22;
	v18 =	vadd.f32 v18, v5;
	v5 =	vld [tilespmem:$0x1FA40]  }
0x2e3: {  	v19 =	vld [tilespmem:$0x1FB80];
	v0 =	vadd.f32 v15, v0  }
0x2e4: {  	v11 =	vmax.f32 v11, v56  }
0x2e5: {  	v11 =	vmax.f32 v11, v50;
	v0 =	vadd.f32 v6, v0  }
0x2e6: {  	v10 =	vmax.f32 v11, v10  }
0x2e7: {  	v17 =	vadd.f32 v17, v63;
	v10 =	vmax.f32 v10, v43;
	v0 =	vadd.f32 v5, v0;
	v5 =	vld [tilespmem:$0x1F9D0]  }
0x2e8: {  	v11 =	vmax.f32 v19, v57;
	v4 =	vmax.f32 v10, v4  }
0x2e9: {  	v11 =	vmax.f32 v11, v17;
	v4 =	vmax.f32 v4, v32  }
0x2ea: {  	v11 =	vmax.f32 v11, v16;
	v4 =	vmax.f32 v4, v51  }
0x2eb: {  	v11 =	vmax.f32 v11, v13;
	v4 =	vmax.f32 v4, v46  }
0x2ec: {  	v8 =	vmax.f32 v11, v8;
	v4 =	vmax.f32 v4, v5;
	v5 =	vld [tilespmem:$0x1F960]  }
0x2ed: {  	v7 =	vmax.f32 v8, v7;
	v8 =	vld [tilespmem:$0x1F9E0];
	_ =	sdelay $0x3  }
0x2ee: {  	v4 =	vmax.f32 v4, v5;
	v5 =	vld [tilespmem:$0x1FAA0]  }
0x2ef: {  	v0 =	vadd.f32 v8, v0;
	v8 =	vld [tilespmem:$0x1F970]  }
0x2f0: {  	v14 =	vadd.f32 v45, v14;
	v7 =	vmax.f32 v7, v35  }
0x2f1: {  	v7 =	vmax.f32 v7, v31  }
0x2f2: {  	v14 =	vadd.f32 v9, v14;
	v7 =	vmax.f32 v7, v48  }
0x2f3: {  	v7 =	vmax.f32 v7, v5;
	v5 =	vld [tilespmem:$0x1FA50]  }
0x2f4: {  	v2 =	vadd.f32 v2, v14;
	v0 =	vadd.f32 v8, v0;
	v8 =	vld [tilespmem:$0x1F900]  }
0x2f5: {  	v62 =	vadd.f32 v1, v63;
	v1 =	vadd.f32 v1, v18  }
0x2f6: {  	v2 =	vadd.f32 v58, v2  }
0x2f7: {  	v1 =	vadd.f32 v36, v1  }
0x2f8: {  	v2 =	vadd.f32 v25, v2;
	v7 =	vmax.f32 v7, v5;
	v5 =	vld [tilespmem:$0x1F8F0]  }
0x2f9: {  	v1 =	vadd.f32 v37, v1;
	v0 =	vadd.f32 v8, v0;
	v8 =	vld [tilespmem:$0x1FAF0]  }
0x2fa: {  	v2 =	vadd.f32 v28, v2  }
0x2fb: {  	v1 =	vadd.f32 v59, v1  }
0x2fc: {  	v2 =	vadd.f32 v41, v2  }
0x2fd: {  	v1 =	vadd.f32 v26, v1;
	v4 =	vmax.f32 v4, v5;
	v5 =	vld [tilespmem:$0x1F9F0]  }
0x2fe: {  	v2 =	vadd.f32 v8, v2;
	v8 =	vld [tilespmem:$0x1FB10]  }
0x2ff: {  	v1 =	vadd.f32 v33, v1;
	_ =	sdelay $0x1  }
0x300: {  	v1 =	vadd.f32 v23, v1  }
0x301: {  	v7 =	vmax.f32 v7, v5;
	v5 =	vld [tilespmem:$0x1F980]  }
0x302: {  	v1 =	vadd.f32 v8, v1;
	v8 =	vld [tilespmem:$0x1FAB0];
	_ =	sdelay $0x3  }
0x303: {  	v7 =	vmax.f32 v7, v5;
	v5 =	vld [tilespmem:$0x1F870]  }
0x304: {  	v2 =	vadd.f32 v8, v2;
	v8 =	vld [tilespmem:$0x1FAD0];
	_ =	sdelay $0x3  }
0x305: {  	v4 =	vmax.f32 v4, v5;
	v5 =	vld [tilespmem:$0x1F910]  }
0x306: {  	v1 =	vadd.f32 v8, v1;
	v8 =	vld [tilespmem:$0x1FA60];
	_ =	sdelay $0x2  }
0x307: {  	v6 =	vld [tilespmem:$0x1FBA0]  }
0x308: {  	v5 =	vmax.f32 v7, v5;
	v7 =	vld [tilespmem:$0x1F880]  }
0x309: {  	v2 =	vadd.f32 v8, v2;
	v8 =	vld [tilespmem:$0x1FA80];
	_ =	sdelay $0x2  }
0x30a: {  	v15 =	vadd.f32 v45, v63  }
0x30b: {  	v63 =	vadd.f32 v9, v40;
	v6 =	vmax.f32 v6, v60;
	v0 =	vadd.f32 v7, v0;
	v7 =	vld [tilespmem:$0x1FBB0]  }
0x30c: {  	v6 =	vmax.f32 v6, v15;
	v1 =	vadd.f32 v8, v1;
	v8 =	vld [tilespmem:$0x1FB50]  }
0x30d: {  	v6 =	vmax.f32 v6, v63  }
0x30e: {  	v6 =	vmax.f32 v6, v39  }
0x30f: {  	v6 =	vmax.f32 v6, v27  }
0x310: {  	v13 =	vadd.f32 v36, v40;
	v6 =	vmax.f32 v6, v47;
	v7 =	vmax.f32 v7, v12  }
0x311: {  	v6 =	vmax.f32 v6, v8;
	v8 =	vld [tilespmem:$0x1FB60];
	v7 =	vmax.f32 v7, v62  }
0x312: {  	v7 =	vmax.f32 v7, v13  }
0x313: {  	v7 =	vmax.f32 v7, v61  }
0x314: {  	v7 =	vmax.f32 v7, v52  }
0x315: {  	v7 =	vmax.f32 v7, v24  }
0x316: {  	v7 =	vmax.f32 v7, v8;
	v8 =	vld [tilespmem:$0x1FA00];
	_ =	sdelay $0x4  }
0x317: {  	v2 =	vadd.f32 v8, v2;
	v8 =	vld [tilespmem:$0x1F890];
	_ =	sdelay $0x4  }
0x318: {  	v5 =	vmax.f32 v5, v8;
	v8 =	vld [tilespmem:$0x1FB30];
	_ =	sdelay $0x4  }
0x319: {  	v6 =	vmax.f32 v6, v8;
	v8 =	vld [tilespmem:$0x1FB40];
	_ =	sdelay $0x4  }
0x31a: {  	v7 =	vmax.f32 v7, v8;
	v8 =	vld [tilespmem:$0x1FA20];
	_ =	sdelay $0x4  }
0x31b: {  	v1 =	vadd.f32 v8, v1;
	v8 =	vld [tilespmem:$0x1FB00];
	_ =	sdelay $0x4  }
0x31c: {  	v6 =	vmax.f32 v6, v8;
	v8 =	vld [tilespmem:$0x1F990];
	_ =	sdelay $0x4  }
0x31d: {  	v2 =	vadd.f32 v8, v2;
	v8 =	vld [tilespmem:$0x1F7F0];
	_ =	sdelay $0x4  }
0x31e: {  	v4 =	vmax.f32 v4, v8;
	v8 =	vld [tilespmem:$0x1FB20];
	_ =	sdelay $0x4  }
0x31f: {  	v7 =	vmax.f32 v7, v8;
	v8 =	vld [tilespmem:$0x1FAC0];
	_ =	sdelay $0x4  }
0x320: {  	v6 =	vmax.f32 v6, v8;
	v8 =	vld [tilespmem:$0x1FAE0];
	_ =	sdelay $0x4  }
0x321: {  	v7 =	vmax.f32 v7, v8;
	v8 =	vld [tilespmem:$0x1F9B0];
	_ =	sdelay $0x4  }
0x322: {  	v1 =	vadd.f32 v8, v1;
	v8 =	vld [tilespmem:$0x1F920];
	_ =	sdelay $0x3  }
0x323: {  	v56 =	vld [tilespmem:$0x1F7E0]  }
0x324: {  	v2 =	vadd.f32 v8, v2;
	v8 =	vld [tilespmem:$0x1F800];
	_ =	sdelay $0x3  }
0x325: {  	s20 =	sshll.u32 s20, $0x7;
	v3 =	vadd.f32 v56, v3  }
0x326: {  	s20 =	sand.u32 $0x3FFFFF80, s20;
	v0 =	vadd.f32 v8, v0;
	v8 =	vld [tilespmem:$0x1FA70]  }
0x327: {  	[tilespmem:s20+$0xE800] =	vst v3;
	v3 =	vld [tilespmem:$0x1F810];
	_ =	sdelay $0x3  }
0x328: {  	v6 =	vmax.f32 v6, v8;
	v8 =	vld [tilespmem:$0x1FA90]  }
0x329: {  	v3 =	vmax.f32 v5, v3;
	v5 =	vld [tilespmem:$0x1FA30];
	_ =	sdelay $0x3  }
0x32a: {  	v7 =	vmax.f32 v7, v8;
	v8 =	vld [tilespmem:$0x1FA10]  }
0x32b: {  	v5 =	vmax.f32 v7, v5;
	v7 =	vld [tilespmem:$0x1F9A0]  }
0x32c: {  	[tilespmem:s20+$0xE840] =	vst v4;
	v4 =	vld [tilespmem:$0x1F930];
	_ =	sdelay $0x2  }
0x32d: {  	v6 =	vmax.f32 v6, v8;
	v8 =	vld [tilespmem:$0x1F940]  }
0x32e: {  	v6 =	vmax.f32 v6, v7  }
0x32f: {  	v4 =	vmax.f32 v6, v4;
	v6 =	vld [tilespmem:$0x1F8C0];
	_ =	sdelay $0x1  }
0x330: {  	[tilespmem:s20+$0xE850] =	vst v3;
	v3 =	vld [tilespmem:$0x1F950]  }
0x331: {  	v1 =	vadd.f32 v8, v1;
	v8 =	vld [tilespmem:$0x1F8A0]  }
0x332: {  	[tilespmem:s20+$0xE810] =	vst v0;
	v0 =	vld [tilespmem:$0x1F9C0]  }
0x333: {  	v1 =	vadd.f32 v6, v1;
	v6 =	vld [tilespmem:$0x1F820];
	_ =	sdelay $0x2  }
0x334: {  	v2 =	vadd.f32 v8, v2  }
0x335: {  	v0 =	vmax.f32 v5, v0;
	v5 =	vld [tilespmem:$0x1F8B0]  }
0x336: {  	v0 =	vmax.f32 v0, v3;
	v3 =	vld [tilespmem:$0x1F830];
	v2 =	vadd.f32 v6, v2;
	_ =	sdelay $0x1  }
0x337: {  	[tilespmem:s20+$0xE820] =	vst v2;
	v2 =	vld [tilespmem:$0x1F8D0];
	_ =	sdelay $0x1  }
0x338: {  	v4 =	vmax.f32 v4, v5  }
0x339: {  	v3 =	vmax.f32 v4, v3;
	v4 =	vld [tilespmem:$0x1F840];
	_ =	sdelay $0x1  }
0x33a: {  	s19 =	sadd.s32 $0x1, s19;
	v20 =	vimm.s32 $0xF;
	v0 =	vmax.f32 v0, v2;
	v2 =	vld [tilespmem:$0x1F850]  }
0x33b: {  	p0 =	sne.s32 s19, $0x40;
	v54 =	vimm.s32 $0xC;
	v49 =	vimm.s32 $0x7;
	v42 =	vimm.s32 $0x0  }
.Ltmp2:
0x33c: {  	v53 =	vimm.s32 $0xB;
	v44 =	vimm.s32 $0x3;
	v43 =	vimm.s32 $0x1;
	(pc) =	sbr.rel @p0 .LBB2_2-.Ltmp2, $4  }
0x33d: {  	v40 =	vimm.s32 $0x5;
	v51 =	vimm.s32 $0x8;
	v1 =	vadd.f32 v4, v1  }
0x33e: {  	v46 =	vimm.s32 $0xA;
	v14 =	vimm.s32 $0xE;
	v39 =	vimm.s32 $0x4;
	[tilespmem:s20+$0xE860] =	vst v3  }
0x33f: {  	v41 =	vimm.s32 $0x2;
	v52 =	vimm.s32 $0x9;
	[tilespmem:s20+$0xE830] =	vst v1;
	v0 =	vmax.f32 v0, v2  }
0x340: {  	s18 =	sadd.s32 $0x200, s18;
	s17 =	sadd.s32 $0x200, s17;
	v7 =	vimm.s32 $0xD;
	v1 =	vimm.f32 $1.000000000e+00;
	v2 =	vimm.f32 $0.0e+00;
	[tilespmem:s20+$0xE870] =	vst v0  }
0x341: {  	s16 =	sadd.s32 $0x1, s16  }
0x342: {  	p0 =	sne.s32 s16, s6  }
.Ltmp3:
0x343: {  	_ = 	snop;
	(pc) =	sbr.rel @p0 .LBB2_1-.Ltmp3, $4  }
0x344: {  	[hbm4b:s5+s2] =	stream.linear.scatter [tilespmem:s15], [sflag:$0x3], $0x4000, $0x38;
	[tilespmem:$0x12800] =	vst v63  }
0x345: {  	_ =	swait.ge [sflag:s7], $0x4000  }
0x346: {  	[sflag:s7] =	ssyncset.done $0x0  }
0x347: {  	[sflag:s7] =	ssyncadd.s32 $0xFFFFC000  }
0x348: {  	_ =	sfence.sel $0x180000  }
0x349: {  	[bflag:$0x0] =	sbarrier.arrive $0xFFFF  }
0x34a: {  	p0 =	sne.s32 s0, $0x0;
	_ =	strace $0x90000047  }
0x34b: {  	s0 =	sadd.s32 @!p0 $0x100000, s1;
	[bflag:$0x2] =	sbarrier.arrive $0xFFFF  }
0x34c: {  	[sflag:s0] =	ssyncadd.tile.s32 @!p0 $0x1;
	_ =	shalt  }
.Lfunc_end2:
_tile_overlayer_lowered:
.L_overlay_start_2:
0x34d: {  	(tag) =	ssettag $0x2  }
0x34e: {  	s0 =	rddreg [dreg:$0x0];
	s2 =	stileid.u32  }
0x34f: {  	s1 =	rddreg [dreg:$0x1];
	p0 =	sne.s32 s2, $0x0  }
0x350: {  	s3 =	rddreg [dreg:$0x2];
	[bflag:$0x3] =	sbarrier.arrive $0xFFFF;
	s2 =	simm.s32 @!p0 $0x1C03  }
0x351: {  	[timem:s3], [sflag:s2] =	dma.local @!p0 [hbm:s0], s1  }
0x352: {  	s0 =	simm.s32 @!p0 $0x3  }
0x353: {  	_ =	swait.ge @!p0 [sflag:s0], s1  }
0x354: {  	s1 =	ssub.s32 @!p0 $0x0, s1;
	[sflag:s0] =	ssyncset.done @!p0 $0x0  }
0x355: {  	[sflag:s0] =	ssyncadd.s32 @!p0 s1  }
0x356: {  	[bflag:$0x3] =	sbarrier.arrive $0xFFFF  }
0x357: {  	_ =	shalt  }

</sc_bundles>
